<compile_context>
chip_gen: v7x
topology: tpu7x:2x2x1
jax: 0.10.2.dev20260603
libtpu: 0.0.44.dev20260713+nightly
codegen_flags: <defaults>
</compile_context>

<pallas_src>
import functools

import jax
import jax.numpy as jnp
from jax import lax
from jax.experimental import pallas as pl
from jax.experimental.pallas import tpu as pltpu
from jax.experimental.pallas import tpu_sc as plsc

N = 10000
D_IN = 128
D_HID = 128
D_OUT = 40
D_OUTP = 48

NC, NS = 2, 16
NW = NC * NS
CHUNK = 128
E = 320000
CPW = -(-E // (NW * CHUNK))
CPW += CPW % 2
E_PAD = NW * CPW * CHUNK
NCHUNKS = E_PAD // CHUNK
PAD_DST = N

HALFN = 5008
N_SH = 5024
JUNK0 = 5008
CPW2 = NCHUNKS // NS
EPT2 = CPW2 * CHUNK
LSTW = EPT2 + 2 * CHUNK
CNT_AT = EPT2 + CHUNK

_mesh = plsc.VectorSubcoreMesh(core_axis_name="c", subcore_axis_name="s")


def _fill_rows(buf, rows, d, value):
    def body(r, _):
        for k in range(d // 16):
            buf[r, pl.ds(k * 16, 16)] = jnp.full((16,), value, jnp.float32)
        return 0
    lax.fori_loop(0, rows, body, 0)


def _make_prep():
    @functools.partial(
        pl.kernel,
        mesh=_mesh,
        compiler_params=pltpu.CompilerParams(use_tc_tiling_on_sc=False,
                                             needs_layout_passes=False),
        out_type=(
            jax.ShapeDtypeStruct((N, 16), jnp.float32),
            jax.ShapeDtypeStruct((NC, NS, LSTW), jnp.int32),
            jax.ShapeDtypeStruct((NC, NS, LSTW), jnp.int32),
        ),
        scratch_types=[
            pltpu.VMEM((LSTW,), jnp.int32),
            pltpu.VMEM((LSTW,), jnp.int32),
            pltpu.VMEM((CHUNK, 16), jnp.float32),
            pltpu.VMEM((CHUNK, 16), jnp.float32),
            pltpu.VMEM_SHARED((N_SH, 16), jnp.float32),
        ],
    )
    def prep_kernel(src_hbm, dst_hbm, deg_hbm, csrc_hbm, cdst_hbm,
                    sidx_f, didx_f, ones_v, zeros_v, deg_sh):
        cid = lax.axis_index("c")
        sid = lax.axis_index("s")

        _fill_rows(ones_v, CHUNK, 16, 1.0)
        _fill_rows(zeros_v, CHUNK, 16, 0.0)

        z0 = jnp.minimum(sid * 320, N_SH - 320)
        for b in range(5):
            pltpu.sync_copy(zeros_v.at[pl.ds(0, 64)],
                            deg_sh.at[pl.ds(z0 + b * 64, 64)])

        t0 = sid * EPT2
        pltpu.sync_copy(src_hbm.at[pl.ds(t0, EPT2)], sidx_f.at[pl.ds(0, EPT2)])
        pltpu.sync_copy(dst_hbm.at[pl.ds(t0, EPT2)], didx_f.at[pl.ds(0, EPT2)])
        lo = cid * HALFN
        span = jnp.where(cid == 0, HALFN, N - HALFN)

        junk = JUNK0 + lax.iota(jnp.int32, 16)
        trash = CNT_AT + 16 + lax.iota(jnp.int32, 16)
        def comp(g, cnt):
            v = didx_f[pl.ds(g * 16, 16)]
            s = sidx_f[pl.ds(g * 16, 16)]
            rel = v - lo
            ok = (rel >= 0) & (rel < span)
            c = plsc.cumsum(ok.astype(jnp.int32))
            pos = jnp.where(ok, cnt + c - 1, trash)
            plsc.store_scatter(didx_f, [pos], rel)
            plsc.store_scatter(sidx_f, [pos], s)
            return cnt + c[15]
        cnt = lax.fori_loop(0, EPT2 // 16, comp, jnp.int32(0))

        for t in range(CHUNK // 16):
            didx_f[pl.ds(cnt + 16 * t, 16)] = junk
            sidx_f[pl.ds(cnt + 16 * t, 16)] = jnp.zeros((16,), jnp.int32)
        nch = (cnt + CHUNK - 1) >> 7
        for t in range(CHUNK // 16):
            didx_f[pl.ds(nch * CHUNK + 16 * t, 16)] = junk

        didx_f[pl.ds(CNT_AT, 16)] = jnp.full((16,), cnt, jnp.int32)
        pltpu.sync_copy(sidx_f, csrc_hbm.at[cid].at[sid])
        pltpu.sync_copy(didx_f, cdst_hbm.at[cid].at[sid])

        plsc.subcore_barrier()
        def hbody(j, _):
            pltpu.sync_copy(ones_v, deg_sh.at[didx_f.at[pl.ds(j * CHUNK,
                                                              CHUNK)]],
                            add=True)
            return 0
        lax.fori_loop(0, nch, hbody, 0)

        plsc.subcore_barrier()
        e0 = jnp.minimum(sid * 320, span - 320)
        pltpu.sync_copy(deg_sh.at[pl.ds(e0, 320)],
                        deg_hbm.at[pl.ds(lo + e0, 320)])

    return prep_kernel


def _make_agg(d, nb):
    @functools.partial(
        pl.kernel,
        mesh=_mesh,
        compiler_params=pltpu.CompilerParams(use_tc_tiling_on_sc=False,
                                             needs_layout_passes=False),
        out_type=jax.ShapeDtypeStruct((N, d), jnp.float32),
        scratch_types=[
            pltpu.VMEM((LSTW,), jnp.int32),
            pltpu.VMEM((LSTW,), jnp.int32),
            [pltpu.VMEM((CHUNK, d), jnp.float32)] * nb,
            pltpu.VMEM_SHARED((N_SH, d), jnp.float32),
            [pltpu.SemaphoreType.DMA] * nb,
            [pltpu.SemaphoreType.DMA] * nb,
        ],
    )
    def agg_kernel(g_hbm, csrc_hbm, cdst_hbm, out_hbm,
                   sidx_f, didx_f, rows, agg_sh, sem_g, sem_s):
        cid = lax.axis_index("c")
        sid = lax.axis_index("s")

        _fill_rows(rows[0], 64, d, 0.0)
        z0 = jnp.minimum(sid * 320, N_SH - 320)
        for b in range(5):
            pltpu.sync_copy(rows[0].at[pl.ds(0, 64)],
                            agg_sh.at[pl.ds(z0 + b * 64, 64)])

        pltpu.sync_copy(csrc_hbm.at[cid].at[sid], sidx_f)
        pltpu.sync_copy(cdst_hbm.at[cid].at[sid], didx_f)
        cnt = jnp.sum(didx_f[pl.ds(CNT_AT, 16)]) >> 4
        nch = (cnt + CHUNK - 1) >> 7
        if nb == 3:
            nfull = (nch * 43691) >> 17
        else:
            nfull = nch >> 2
        span = jnp.where(cid == 0, HALFN, N - HALFN)
        plsc.subcore_barrier()

        jchunk = didx_f.at[pl.ds(nch * CHUNK, CHUNK)]
        for b in range(nb):
            pltpu.async_copy(rows[0], agg_sh.at[jchunk], sem_s[b], add=True)

        def body(i, _):
            j = nb * i
            for b in range(nb):
                pltpu.make_async_copy(rows[b], agg_sh.at[jchunk],
                                      sem_s[b]).wait()
            gs = [pltpu.async_copy(
                      g_hbm.at[sidx_f.at[pl.ds((j + b) * CHUNK, CHUNK)]],
                      rows[b], sem_g[b])
                  for b in range(nb)]
            for b in range(nb):
                gs[b].wait()
                pltpu.async_copy(
                    rows[b],
                    agg_sh.at[didx_f.at[pl.ds((j + b) * CHUNK, CHUNK)]],
                    sem_s[b], add=True)
            return 0
        lax.fori_loop(0, nfull, body, 0)

        def tail(j, _):
            pltpu.make_async_copy(rows[0], agg_sh.at[jchunk], sem_s[0]).wait()
            pltpu.async_copy(g_hbm.at[sidx_f.at[pl.ds(j * CHUNK, CHUNK)]],
                             rows[0], sem_g[0]).wait()
            pltpu.async_copy(rows[0],
                             agg_sh.at[didx_f.at[pl.ds(j * CHUNK, CHUNK)]],
                             sem_s[0], add=True)
            return 0
        lax.fori_loop(nb * nfull, nch, tail, 0)

        for b in range(nb):
            pltpu.make_async_copy(rows[b], agg_sh.at[jchunk], sem_s[b]).wait()

        plsc.subcore_barrier()
        e0 = jnp.minimum(sid * 320, span - 320)
        lo = cid * HALFN
        pltpu.sync_copy(agg_sh.at[pl.ds(e0, 320)],
                        out_hbm.at[pl.ds(lo + e0, 320)])

    return agg_kernel


_prep_call = _make_prep()
_agg_wide = _make_agg(D_HID, 3)
_agg_narrow = _make_agg(D_OUTP, 4)

RB = 5000


def _dis_of(deg_blk):
    return lax.rsqrt(deg_blk[:, 0:1] + 1.0)


def _mm_body(x_ref, w_ref, h_ref):
    h_ref[...] = jnp.dot(x_ref[...], w_ref[...],
                         preferred_element_type=jnp.float32)


def _scale_body(h_ref, deg_ref, g_ref):
    g_ref[...] = h_ref[...] * _dis_of(deg_ref[...])


def _mid_body(agg_ref, g1_ref, deg_ref, b1_ref, w2_ref, g2_ref):
    dis = _dis_of(deg_ref[...])
    h = jnp.maximum(b1_ref[...] + dis * (agg_ref[...] + g1_ref[...]), 0.0)
    g2_ref[...] = jnp.dot(h, w2_ref[...],
                          preferred_element_type=jnp.float32) * dis


def _fin_body(agg_ref, g2_ref, deg_ref, b2_ref, o_ref):
    dis = _dis_of(deg_ref[...])
    o_ref[...] = b2_ref[...] + dis * (agg_ref[...] + g2_ref[...])


def kernel(x, edge_index, W1, b1, W2, b2):
    src = edge_index[0].astype(jnp.int32)
    dst = edge_index[1].astype(jnp.int32)
    src = jnp.concatenate([src, jnp.zeros((E_PAD - E,), jnp.int32)])
    dst = jnp.concatenate([dst, jnp.full((E_PAD - E,), PAD_DST, jnp.int32)])

    dega, csrc, cdst = _prep_call(src, dst)

    h1 = pl.pallas_call(
        _mm_body,
        grid=(N // RB,),
        in_specs=[
            pl.BlockSpec((RB, D_IN), lambda i: (i, 0)),
            pl.BlockSpec((D_IN, D_HID), lambda i: (0, 0)),
        ],
        out_specs=pl.BlockSpec((RB, D_HID), lambda i: (i, 0)),
        out_shape=jax.ShapeDtypeStruct((N, D_HID), jnp.float32),
    )(x, W1)

    deg_spec = pl.BlockSpec((RB, 16), lambda i: (i, 0))
    g1 = pl.pallas_call(
        _scale_body,
        grid=(N // RB,),
        in_specs=[
            pl.BlockSpec((RB, D_HID), lambda i: (i, 0)),
            deg_spec,
        ],
        out_specs=pl.BlockSpec((RB, D_HID), lambda i: (i, 0)),
        out_shape=jax.ShapeDtypeStruct((N, D_HID), jnp.float32),
    )(h1, dega)

    agg1 = _agg_wide(g1, csrc, cdst)

    b1r = b1.reshape(1, D_HID)
    w2p = jnp.pad(W2, ((0, 0), (0, D_OUTP - D_OUT)))
    g2 = pl.pallas_call(
        _mid_body,
        grid=(N // RB,),
        in_specs=[
            pl.BlockSpec((RB, D_HID), lambda i: (i, 0)),
            pl.BlockSpec((RB, D_HID), lambda i: (i, 0)),
            deg_spec,
            pl.BlockSpec((1, D_HID), lambda i: (0, 0)),
            pl.BlockSpec((D_HID, D_OUTP), lambda i: (0, 0)),
        ],
        out_specs=pl.BlockSpec((RB, D_OUTP), lambda i: (i, 0)),
        out_shape=jax.ShapeDtypeStruct((N, D_OUTP), jnp.float32),
    )(agg1, g1, dega, b1r, w2p)

    agg2 = _agg_narrow(g2, csrc, cdst)

    b2p = jnp.pad(b2, (0, D_OUTP - D_OUT)).reshape(1, D_OUTP)
    out = pl.pallas_call(
        _fin_body,
        grid=(N // RB,),
        in_specs=[
            pl.BlockSpec((RB, D_OUTP), lambda i: (i, 0)),
            pl.BlockSpec((RB, D_OUTP), lambda i: (i, 0)),
            deg_spec,
            pl.BlockSpec((1, D_OUTP), lambda i: (0, 0)),
        ],
        out_specs=pl.BlockSpec((RB, D_OUTP), lambda i: (i, 0)),
        out_shape=jax.ShapeDtypeStruct((N, D_OUTP), jnp.float32),
    )(agg2, g2, dega, b2p)

    return out[:, :D_OUT]

# --- scband reference (transcript-rebuilt; emitter-appended) ---
"""Pipeline reference for scband-gcn-23433341567373 (READ-ONLY COPY).

The authoritative reference and input builder live on the scoring server;
editing this copy changes nothing except your own understanding.
"""

import jax, jax.numpy as jnp
import numpy as np

N_NODES = 10000
N_EDGES = 320000
D_IN = 128
D_HID = 128
D_OUT = 40


def setup_inputs(seed: int = 0) -> dict:
    key = jax.random.key(seed)
    k1, k2, k3, k4, k5, k6 = jax.random.split(key, 6)
    x = jax.random.normal(k1, (N_NODES, D_IN), dtype=jnp.float32)
    edge_index = jax.random.randint(k2, (2, N_EDGES), 0, N_NODES, dtype=jnp.int64)
    # GCNConv layer 1 params (glorot-style init)
    W1 = jax.random.normal(k3, (D_IN, D_HID), dtype=jnp.float32) * (1.0 / np.sqrt(D_IN))
    b1 = jnp.zeros((D_HID,), dtype=jnp.float32)
    # GCNConv layer 2 params
    W2 = jax.random.normal(k4, (D_HID, D_OUT), dtype=jnp.float32) * (1.0 / np.sqrt(D_HID))
    b2 = jnp.zeros((D_OUT,), dtype=jnp.float32)
    return {"x": x, "edge_index": edge_index, "W1": W1, "b1": b1, "W2": W2, "b2": b2}


def _gcn_conv(x, src, dst, W, b, num_nodes):
    # x' = x @ W, then symmetric-normalized aggregation (self-loops already appended)
    h = x @ W
    ones = jnp.ones(src.shape[0], dtype=h.dtype)
    deg = jnp.zeros((num_nodes,), dtype=h.dtype).at[dst].add(ones)
    deg_inv_sqrt = jnp.where(deg > 0, deg ** -0.5, 0.0)
    norm = deg_inv_sqrt[src] * deg_inv_sqrt[dst]
    msg = h[src] * norm[:, None]
    out = jnp.zeros((num_nodes, h.shape[1]), dtype=h.dtype).at[dst].add(msg)
    return out + b


def reference(x, edge_index, W1, b1, W2, b2):
    num_nodes = x.shape[0]
    # add self-loops (as PyG GCNConv does by default); shared by both layers
    loop = jnp.arange(num_nodes, dtype=edge_index.dtype)
    src = jnp.concatenate([edge_index[0], loop])
    dst = jnp.concatenate([edge_index[1], loop])
    h = _gcn_conv(x, src, dst, W1, b1, num_nodes)
    h = jax.nn.relu(h)
    # dropout is identity in eval mode (training=False)
    out = _gcn_conv(h, src, dst, W2, b2, num_nodes)
    return out

if __name__ == "__main__":
    import jax
    _d = setup_inputs()
    print(jax.jit(kernel)(*tuple(_d.values())))

</pallas_src>

<mosaic_0001>
#map = affine_map<(d0, d1) -> (0, 0)>
#map1 = affine_map<(d0, d1) -> (0, 0, 0)>
module attributes {stable_mosaic.version = 14 : i64} {
  func.func @agg_kernel(%arg0: i32, %arg1: i32, %arg2: memref<10000x48xf32, #tpu.memory_space<hbm>>, %arg3: memref<2x16x20736xi32, #tpu.memory_space<hbm>>, %arg4: memref<2x16x20736xi32, #tpu.memory_space<hbm>>, %arg5: memref<10000x48xf32, #tpu.memory_space<hbm>>, %arg6: memref<20736xi32, #tpu.memory_space<vmem>>, %arg7: memref<20736xi32, #tpu.memory_space<vmem>>, %arg8: memref<128x48xf32, #tpu.memory_space<vmem>>, %arg9: memref<128x48xf32, #tpu.memory_space<vmem>>, %arg10: memref<128x48xf32, #tpu.memory_space<vmem>>, %arg11: memref<128x48xf32, #tpu.memory_space<vmem>>, %arg12: memref<5024x48xf32, #tpu.memory_space<vmem_shared>>, %arg13: memref<!tpu.dma_semaphore, #tpu.memory_space<semaphore_mem>>, %arg14: memref<!tpu.dma_semaphore, #tpu.memory_space<semaphore_mem>>, %arg15: memref<!tpu.dma_semaphore, #tpu.memory_space<semaphore_mem>>, %arg16: memref<!tpu.dma_semaphore, #tpu.memory_space<semaphore_mem>>, %arg17: memref<!tpu.dma_semaphore, #tpu.memory_space<semaphore_mem>>, %arg18: memref<!tpu.dma_semaphore, #tpu.memory_space<semaphore_mem>>, %arg19: memref<!tpu.dma_semaphore, #tpu.memory_space<semaphore_mem>>, %arg20: memref<!tpu.dma_semaphore, #tpu.memory_space<semaphore_mem>>) attributes {dimension_semantics = [#tpu.dimension_semantics<core_parallel>, #tpu.dimension_semantics<subcore_parallel>], iteration_bounds = array<i64: 2, 16>, scalar_prefetch = 0 : i64, scratch_operands = 15 : i64, tpu.core_type = #tpu.core_type<sc_vector_subcore>, window_params = [{transform_indices = #map}, {transform_indices = #map1}, {transform_indices = #map1}, {transform_indices = #map}]} {
    %scan3A = arith.constant 0 : i32
    %scan3A_0 = arith.constant 0 : i32
    %scan3A_1 = arith.constant 64 : i32
    %scan3A_2 = arith.addi %scan3A_0, %scan3A_1 : i32
    %scan3A_3 = arith.constant 1 : i32
    %scan3A_4 = scf.for %scan3A_96 = %scan3A_0 to %scan3A_2 step %scan3A_3 iter_args(%scan3A_97 = %scan3A) -> (i32)  : i32 {
      %broadcast_in_dim3A = arith.constant 0.000000e+00 : f32
      %broadcast_in_dim3A_98 = vector.broadcast %broadcast_in_dim3A : f32 to vector<16xf32>
      %swap3A = arith.index_cast %scan3A_96 : i32 to index
      %swap3A_99 = arith.constant 0 : index
      %swap3A_100 = tpu.vector_load %arg8[%swap3A, %swap3A_99] {strides = array<i32>} : memref<128x48xf32, #tpu.memory_space<vmem>>, vector<16xf32>,
      tpu.vector_store %arg8[%swap3A, %swap3A_99], %broadcast_in_dim3A_98 {strides = array<i32>} : memref<128x48xf32, #tpu.memory_space<vmem>>, vector<16xf32>,
      %broadcast_in_dim3A_101 = arith.constant 0.000000e+00 : f32
      %broadcast_in_dim3A_102 = vector.broadcast %broadcast_in_dim3A_101 : f32 to vector<16xf32>
      %swap3A_103 = arith.index_cast %scan3A_96 : i32 to index
      %swap3A_104 = arith.constant 16 : index
      %swap3A_105 = tpu.vector_load %arg8[%swap3A_103, %swap3A_104] {strides = array<i32>} : memref<128x48xf32, #tpu.memory_space<vmem>>, vector<16xf32>,
      tpu.vector_store %arg8[%swap3A_103, %swap3A_104], %broadcast_in_dim3A_102 {strides = array<i32>} : memref<128x48xf32, #tpu.memory_space<vmem>>, vector<16xf32>,
      %broadcast_in_dim3A_106 = arith.constant 0.000000e+00 : f32
      %broadcast_in_dim3A_107 = vector.broadcast %broadcast_in_dim3A_106 : f32 to vector<16xf32>
      %swap3A_108 = arith.index_cast %scan3A_96 : i32 to index
      %swap3A_109 = arith.constant 32 : index
      %swap3A_110 = tpu.vector_load %arg8[%swap3A_108, %swap3A_109] {strides = array<i32>} : memref<128x48xf32, #tpu.memory_space<vmem>>, vector<16xf32>,
      tpu.vector_store %arg8[%swap3A_108, %swap3A_109], %broadcast_in_dim3A_107 {strides = array<i32>} : memref<128x48xf32, #tpu.memory_space<vmem>>, vector<16xf32>,
      %scan3A_111 = arith.constant 0 : i32
      scf.yield %scan3A_111 : i32
    }
    %scan3A_5 = arith.constant 64 : i32
    %mul3A = arith.constant 320 : i32
    %mul3A_6 = arith.muli %arg1, %mul3A : i32
    %min3A = arith.constant 4704 : i32
    %min3A_7 = arith.minsi %mul3A_6, %min3A : i32
    %add3A = arith.constant 0 : i32
    %add3A_8 = arith.addi %min3A_7, %add3A : i32
    "tpu.region"() ({
      %run_scoped3A = tpu.sem_alloc : memref<!tpu.dma_semaphore, #tpu.memory_space<semaphore_mem>>
      %dma_start3A_96 = arith.constant 0 : i32
      %dma_start3A_97 = arith.constant 0 : i32
      %dma_start3A_98 = tpu.memref_slice %arg8[%dma_start3A_96, %dma_start3A_97] : memref<128x48xf32, #tpu.memory_space<vmem>> -> memref<64x48xf32, #tpu.memory_space<vmem>>
      %dma_start3A_99 = arith.constant 0 : i32
      %dma_start3A_100 = tpu.memref_slice %arg12[%add3A_8, %dma_start3A_99] : memref<5024x48xf32, #tpu.memory_space<vmem_shared>> -> memref<64x48xf32, #tpu.memory_space<vmem_shared>>
      %dma_start3A_101 = arith.constant 0 : i32
      %dma_start3A_102 = tpu.memref_slice %arg12[%add3A_8, %dma_start3A_101] : memref<5024x48xf32, #tpu.memory_space<vmem_shared>> -> memref<64x48xf32, #tpu.memory_space<vmem_shared>>
      %dma_start3A_103 = arith.constant 0 : i32
      %dma_start3A_104 = arith.constant 0 : i32
      %dma_start3A_105 = tpu.memref_slice %arg8[%dma_start3A_103, %dma_start3A_104] : memref<128x48xf32, #tpu.memory_space<vmem>> -> memref<64x48xf32, #tpu.memory_space<vmem>>
      tpu.enqueue_dma source(%dma_start3A_105 : memref<64x48xf32, #tpu.memory_space<vmem>>) target(%dma_start3A_102 : memref<64x48xf32, #tpu.memory_space<vmem_shared>>) target_semaphore(%run_scoped3A : memref<!tpu.dma_semaphore, #tpu.memory_space<semaphore_mem>>)
      %dma_wait3A_106 = arith.constant 0 : i32
      %dma_wait3A_107 = arith.constant 0 : i32
      %dma_wait3A_108 = tpu.memref_slice %arg8[%dma_wait3A_106, %dma_wait3A_107] : memref<128x48xf32, #tpu.memory_space<vmem>> -> memref<64x48xf32, #tpu.memory_space<vmem>>
      %dma_wait3A_109 = arith.constant 0 : i32
      %dma_wait3A_110 = tpu.memref_slice %arg12[%add3A_8, %dma_wait3A_109] : memref<5024x48xf32, #tpu.memory_space<vmem_shared>> -> memref<64x48xf32, #tpu.memory_space<vmem_shared>>
      %dma_wait3A_111 = arith.constant 0 : i32
      %dma_wait3A_112 = tpu.memref_slice %arg12[%add3A_8, %dma_wait3A_111] : memref<5024x48xf32, #tpu.memory_space<vmem_shared>> -> memref<64x48xf32, #tpu.memory_space<vmem_shared>>
      %dma_wait3A_113 = arith.constant 0 : i32
      %dma_wait3A_114 = arith.constant 0 : i32
      %dma_wait3A_115 = tpu.memref_slice %arg8[%dma_wait3A_113, %dma_wait3A_114] : memref<128x48xf32, #tpu.memory_space<vmem>> -> memref<64x48xf32, #tpu.memory_space<vmem>>
      tpu.wait_dma2 semaphore(%run_scoped3A : memref<!tpu.dma_semaphore, #tpu.memory_space<semaphore_mem>>) src(%dma_wait3A_115 : memref<64x48xf32, #tpu.memory_space<vmem>>) dst(%dma_wait3A_112 : memref<64x48xf32, #tpu.memory_space<vmem_shared>>)
      tpu.yield
    }) : () -> ()
    %add3A_9 = arith.constant 64 : i32
    %add3A_10 = arith.addi %min3A_7, %add3A_9 : i32
    "tpu.region"() ({
      %run_scoped3A = tpu.sem_alloc : memref<!tpu.dma_semaphore, #tpu.memory_space<semaphore_mem>>
      %dma_start3A_96 = arith.constant 0 : i32
      %dma_start3A_97 = arith.constant 0 : i32
      %dma_start3A_98 = tpu.memref_slice %arg8[%dma_start3A_96, %dma_start3A_97] : memref<128x48xf32, #tpu.memory_space<vmem>> -> memref<64x48xf32, #tpu.memory_space<vmem>>
      %dma_start3A_99 = arith.constant 0 : i32
      %dma_start3A_100 = tpu.memref_slice %arg12[%add3A_10, %dma_start3A_99] : memref<5024x48xf32, #tpu.memory_space<vmem_shared>> -> memref<64x48xf32, #tpu.memory_space<vmem_shared>>
      %dma_start3A_101 = arith.constant 0 : i32
      %dma_start3A_102 = tpu.memref_slice %arg12[%add3A_10, %dma_start3A_101] : memref<5024x48xf32, #tpu.memory_space<vmem_shared>> -> memref<64x48xf32, #tpu.memory_space<vmem_shared>>
      %dma_start3A_103 = arith.constant 0 : i32
      %dma_start3A_104 = arith.constant 0 : i32
      %dma_start3A_105 = tpu.memref_slice %arg8[%dma_start3A_103, %dma_start3A_104] : memref<128x48xf32, #tpu.memory_space<vmem>> -> memref<64x48xf32, #tpu.memory_space<vmem>>
      tpu.enqueue_dma source(%dma_start3A_105 : memref<64x48xf32, #tpu.memory_space<vmem>>) target(%dma_start3A_102 : memref<64x48xf32, #tpu.memory_space<vmem_shared>>) target_semaphore(%run_scoped3A : memref<!tpu.dma_semaphore, #tpu.memory_space<semaphore_mem>>)
      %dma_wait3A_106 = arith.constant 0 : i32
      %dma_wait3A_107 = arith.constant 0 : i32
      %dma_wait3A_108 = tpu.memref_slice %arg8[%dma_wait3A_106, %dma_wait3A_107] : memref<128x48xf32, #tpu.memory_space<vmem>> -> memref<64x48xf32, #tpu.memory_space<vmem>>
      %dma_wait3A_109 = arith.constant 0 : i32
      %dma_wait3A_110 = tpu.memref_slice %arg12[%add3A_10, %dma_wait3A_109] : memref<5024x48xf32, #tpu.memory_space<vmem_shared>> -> memref<64x48xf32, #tpu.memory_space<vmem_shared>>
      %dma_wait3A_111 = arith.constant 0 : i32
      %dma_wait3A_112 = tpu.memref_slice %arg12[%add3A_10, %dma_wait3A_111] : memref<5024x48xf32, #tpu.memory_space<vmem_shared>> -> memref<64x48xf32, #tpu.memory_space<vmem_shared>>
      %dma_wait3A_113 = arith.constant 0 : i32
      %dma_wait3A_114 = arith.constant 0 : i32
      %dma_wait3A_115 = tpu.memref_slice %arg8[%dma_wait3A_113, %dma_wait3A_114] : memref<128x48xf32, #tpu.memory_space<vmem>> -> memref<64x48xf32, #tpu.memory_space<vmem>>
      tpu.wait_dma2 semaphore(%run_scoped3A : memref<!tpu.dma_semaphore, #tpu.memory_space<semaphore_mem>>) src(%dma_wait3A_115 : memref<64x48xf32, #tpu.memory_space<vmem>>) dst(%dma_wait3A_112 : memref<64x48xf32, #tpu.memory_space<vmem_shared>>)
      tpu.yield
    }) : () -> ()
    %add3A_11 = arith.constant 128 : i32
    %add3A_12 = arith.addi %min3A_7, %add3A_11 : i32
    "tpu.region"() ({
      %run_scoped3A = tpu.sem_alloc : memref<!tpu.dma_semaphore, #tpu.memory_space<semaphore_mem>>
      %dma_start3A_96 = arith.constant 0 : i32
      %dma_start3A_97 = arith.constant 0 : i32
      %dma_start3A_98 = tpu.memref_slice %arg8[%dma_start3A_96, %dma_start3A_97] : memref<128x48xf32, #tpu.memory_space<vmem>> -> memref<64x48xf32, #tpu.memory_space<vmem>>
      %dma_start3A_99 = arith.constant 0 : i32
      %dma_start3A_100 = tpu.memref_slice %arg12[%add3A_12, %dma_start3A_99] : memref<5024x48xf32, #tpu.memory_space<vmem_shared>> -> memref<64x48xf32, #tpu.memory_space<vmem_shared>>
      %dma_start3A_101 = arith.constant 0 : i32
      %dma_start3A_102 = tpu.memref_slice %arg12[%add3A_12, %dma_start3A_101] : memref<5024x48xf32, #tpu.memory_space<vmem_shared>> -> memref<64x48xf32, #tpu.memory_space<vmem_shared>>
      %dma_start3A_103 = arith.constant 0 : i32
      %dma_start3A_104 = arith.constant 0 : i32
      %dma_start3A_105 = tpu.memref_slice %arg8[%dma_start3A_103, %dma_start3A_104] : memref<128x48xf32, #tpu.memory_space<vmem>> -> memref<64x48xf32, #tpu.memory_space<vmem>>
      tpu.enqueue_dma source(%dma_start3A_105 : memref<64x48xf32, #tpu.memory_space<vmem>>) target(%dma_start3A_102 : memref<64x48xf32, #tpu.memory_space<vmem_shared>>) target_semaphore(%run_scoped3A : memref<!tpu.dma_semaphore, #tpu.memory_space<semaphore_mem>>)
      %dma_wait3A_106 = arith.constant 0 : i32
      %dma_wait3A_107 = arith.constant 0 : i32
      %dma_wait3A_108 = tpu.memref_slice %arg8[%dma_wait3A_106, %dma_wait3A_107] : memref<128x48xf32, #tpu.memory_space<vmem>> -> memref<64x48xf32, #tpu.memory_space<vmem>>
      %dma_wait3A_109 = arith.constant 0 : i32
      %dma_wait3A_110 = tpu.memref_slice %arg12[%add3A_12, %dma_wait3A_109] : memref<5024x48xf32, #tpu.memory_space<vmem_shared>> -> memref<64x48xf32, #tpu.memory_space<vmem_shared>>
      %dma_wait3A_111 = arith.constant 0 : i32
      %dma_wait3A_112 = tpu.memref_slice %arg12[%add3A_12, %dma_wait3A_111] : memref<5024x48xf32, #tpu.memory_space<vmem_shared>> -> memref<64x48xf32, #tpu.memory_space<vmem_shared>>
      %dma_wait3A_113 = arith.constant 0 : i32
      %dma_wait3A_114 = arith.constant 0 : i32
      %dma_wait3A_115 = tpu.memref_slice %arg8[%dma_wait3A_113, %dma_wait3A_114] : memref<128x48xf32, #tpu.memory_space<vmem>> -> memref<64x48xf32, #tpu.memory_space<vmem>>
      tpu.wait_dma2 semaphore(%run_scoped3A : memref<!tpu.dma_semaphore, #tpu.memory_space<semaphore_mem>>) src(%dma_wait3A_115 : memref<64x48xf32, #tpu.memory_space<vmem>>) dst(%dma_wait3A_112 : memref<64x48xf32, #tpu.memory_space<vmem_shared>>)
      tpu.yield
    }) : () -> ()
    %add3A_13 = arith.constant 192 : i32
    %add3A_14 = arith.addi %min3A_7, %add3A_13 : i32
    "tpu.region"() ({
      %run_scoped3A = tpu.sem_alloc : memref<!tpu.dma_semaphore, #tpu.memory_space<semaphore_mem>>
      %dma_start3A_96 = arith.constant 0 : i32
      %dma_start3A_97 = arith.constant 0 : i32
      %dma_start3A_98 = tpu.memref_slice %arg8[%dma_start3A_96, %dma_start3A_97] : memref<128x48xf32, #tpu.memory_space<vmem>> -> memref<64x48xf32, #tpu.memory_space<vmem>>
      %dma_start3A_99 = arith.constant 0 : i32
      %dma_start3A_100 = tpu.memref_slice %arg12[%add3A_14, %dma_start3A_99] : memref<5024x48xf32, #tpu.memory_space<vmem_shared>> -> memref<64x48xf32, #tpu.memory_space<vmem_shared>>
      %dma_start3A_101 = arith.constant 0 : i32
      %dma_start3A_102 = tpu.memref_slice %arg12[%add3A_14, %dma_start3A_101] : memref<5024x48xf32, #tpu.memory_space<vmem_shared>> -> memref<64x48xf32, #tpu.memory_space<vmem_shared>>
      %dma_start3A_103 = arith.constant 0 : i32
      %dma_start3A_104 = arith.constant 0 : i32
      %dma_start3A_105 = tpu.memref_slice %arg8[%dma_start3A_103, %dma_start3A_104] : memref<128x48xf32, #tpu.memory_space<vmem>> -> memref<64x48xf32, #tpu.memory_space<vmem>>
      tpu.enqueue_dma source(%dma_start3A_105 : memref<64x48xf32, #tpu.memory_space<vmem>>) target(%dma_start3A_102 : memref<64x48xf32, #tpu.memory_space<vmem_shared>>) target_semaphore(%run_scoped3A : memref<!tpu.dma_semaphore, #tpu.memory_space<semaphore_mem>>)
      %dma_wait3A_106 = arith.constant 0 : i32
      %dma_wait3A_107 = arith.constant 0 : i32
      %dma_wait3A_108 = tpu.memref_slice %arg8[%dma_wait3A_106, %dma_wait3A_107] : memref<128x48xf32, #tpu.memory_space<vmem>> -> memref<64x48xf32, #tpu.memory_space<vmem>>
      %dma_wait3A_109 = arith.constant 0 : i32
      %dma_wait3A_110 = tpu.memref_slice %arg12[%add3A_14, %dma_wait3A_109] : memref<5024x48xf32, #tpu.memory_space<vmem_shared>> -> memref<64x48xf32, #tpu.memory_space<vmem_shared>>
      %dma_wait3A_111 = arith.constant 0 : i32
      %dma_wait3A_112 = tpu.memref_slice %arg12[%add3A_14, %dma_wait3A_111] : memref<5024x48xf32, #tpu.memory_space<vmem_shared>> -> memref<64x48xf32, #tpu.memory_space<vmem_shared>>
      %dma_wait3A_113 = arith.constant 0 : i32
      %dma_wait3A_114 = arith.constant 0 : i32
      %dma_wait3A_115 = tpu.memref_slice %arg8[%dma_wait3A_113, %dma_wait3A_114] : memref<128x48xf32, #tpu.memory_space<vmem>> -> memref<64x48xf32, #tpu.memory_space<vmem>>
      tpu.wait_dma2 semaphore(%run_scoped3A : memref<!tpu.dma_semaphore, #tpu.memory_space<semaphore_mem>>) src(%dma_wait3A_115 : memref<64x48xf32, #tpu.memory_space<vmem>>) dst(%dma_wait3A_112 : memref<64x48xf32, #tpu.memory_space<vmem_shared>>)
      tpu.yield
    }) : () -> ()
    %add3A_15 = arith.constant 256 : i32
    %add3A_16 = arith.addi %min3A_7, %add3A_15 : i32
    "tpu.region"() ({
      %run_scoped3A = tpu.sem_alloc : memref<!tpu.dma_semaphore, #tpu.memory_space<semaphore_mem>>
      %dma_start3A_96 = arith.constant 0 : i32
      %dma_start3A_97 = arith.constant 0 : i32
      %dma_start3A_98 = tpu.memref_slice %arg8[%dma_start3A_96, %dma_start3A_97] : memref<128x48xf32, #tpu.memory_space<vmem>> -> memref<64x48xf32, #tpu.memory_space<vmem>>
      %dma_start3A_99 = arith.constant 0 : i32
      %dma_start3A_100 = tpu.memref_slice %arg12[%add3A_16, %dma_start3A_99] : memref<5024x48xf32, #tpu.memory_space<vmem_shared>> -> memref<64x48xf32, #tpu.memory_space<vmem_shared>>
      %dma_start3A_101 = arith.constant 0 : i32
      %dma_start3A_102 = tpu.memref_slice %arg12[%add3A_16, %dma_start3A_101] : memref<5024x48xf32, #tpu.memory_space<vmem_shared>> -> memref<64x48xf32, #tpu.memory_space<vmem_shared>>
      %dma_start3A_103 = arith.constant 0 : i32
      %dma_start3A_104 = arith.constant 0 : i32
      %dma_start3A_105 = tpu.memref_slice %arg8[%dma_start3A_103, %dma_start3A_104] : memref<128x48xf32, #tpu.memory_space<vmem>> -> memref<64x48xf32, #tpu.memory_space<vmem>>
      tpu.enqueue_dma source(%dma_start3A_105 : memref<64x48xf32, #tpu.memory_space<vmem>>) target(%dma_start3A_102 : memref<64x48xf32, #tpu.memory_space<vmem_shared>>) target_semaphore(%run_scoped3A : memref<!tpu.dma_semaphore, #tpu.memory_space<semaphore_mem>>)
      %dma_wait3A_106 = arith.constant 0 : i32
      %dma_wait3A_107 = arith.constant 0 : i32
      %dma_wait3A_108 = tpu.memref_slice %arg8[%dma_wait3A_106, %dma_wait3A_107] : memref<128x48xf32, #tpu.memory_space<vmem>> -> memref<64x48xf32, #tpu.memory_space<vmem>>
      %dma_wait3A_109 = arith.constant 0 : i32
      %dma_wait3A_110 = tpu.memref_slice %arg12[%add3A_16, %dma_wait3A_109] : memref<5024x48xf32, #tpu.memory_space<vmem_shared>> -> memref<64x48xf32, #tpu.memory_space<vmem_shared>>
      %dma_wait3A_111 = arith.constant 0 : i32
      %dma_wait3A_112 = tpu.memref_slice %arg12[%add3A_16, %dma_wait3A_111] : memref<5024x48xf32, #tpu.memory_space<vmem_shared>> -> memref<64x48xf32, #tpu.memory_space<vmem_shared>>
      %dma_wait3A_113 = arith.constant 0 : i32
      %dma_wait3A_114 = arith.constant 0 : i32
      %dma_wait3A_115 = tpu.memref_slice %arg8[%dma_wait3A_113, %dma_wait3A_114] : memref<128x48xf32, #tpu.memory_space<vmem>> -> memref<64x48xf32, #tpu.memory_space<vmem>>
      tpu.wait_dma2 semaphore(%run_scoped3A : memref<!tpu.dma_semaphore, #tpu.memory_space<semaphore_mem>>) src(%dma_wait3A_115 : memref<64x48xf32, #tpu.memory_space<vmem>>) dst(%dma_wait3A_112 : memref<64x48xf32, #tpu.memory_space<vmem_shared>>)
      tpu.yield
    }) : () -> ()
    "tpu.region"() ({
      %run_scoped3A = tpu.sem_alloc : memref<!tpu.dma_semaphore, #tpu.memory_space<semaphore_mem>>
      %dma_start3A_96 = arith.constant 0 : i32
      %dma_start3A_97 = arith.constant 0 : i32
      %dma_start3A_98 = tpu.memref_slice %arg3[%arg0, %dma_start3A_96, %dma_start3A_97] : memref<2x16x20736xi32, #tpu.memory_space<hbm>> -> memref<1x16x20736xi32, #tpu.memory_space<hbm>>
      %dma_start3A_99 = tpu.memref_squeeze %dma_start3A_98 : memref<1x16x20736xi32, #tpu.memory_space<hbm>> -> memref<16x20736xi32, #tpu.memory_space<hbm>>
      %dma_start3A_100 = arith.constant 0 : i32
      %dma_start3A_101 = tpu.memref_slice %dma_start3A_99[%arg1, %dma_start3A_100] : memref<16x20736xi32, #tpu.memory_space<hbm>> -> memref<1x20736xi32, #tpu.memory_space<hbm>>
      %dma_start3A_102 = tpu.memref_squeeze %dma_start3A_101 : memref<1x20736xi32, #tpu.memory_space<hbm>> -> memref<20736xi32, #tpu.memory_space<hbm>>
      %dma_start3A_103 = arith.constant 0 : i32
      %dma_start3A_104 = arith.constant 0 : i32
      %dma_start3A_105 = tpu.memref_slice %arg3[%arg0, %dma_start3A_103, %dma_start3A_104] : memref<2x16x20736xi32, #tpu.memory_space<hbm>> -> memref<1x16x20736xi32, #tpu.memory_space<hbm>>
      %dma_start3A_106 = tpu.memref_squeeze %dma_start3A_105 : memref<1x16x20736xi32, #tpu.memory_space<hbm>> -> memref<16x20736xi32, #tpu.memory_space<hbm>>
      %dma_start3A_107 = arith.constant 0 : i32
      %dma_start3A_108 = tpu.memref_slice %dma_start3A_106[%arg1, %dma_start3A_107] : memref<16x20736xi32, #tpu.memory_space<hbm>> -> memref<1x20736xi32, #tpu.memory_space<hbm>>
      %dma_start3A_109 = tpu.memref_squeeze %dma_start3A_108 : memref<1x20736xi32, #tpu.memory_space<hbm>> -> memref<20736xi32, #tpu.memory_space<hbm>>
      tpu.enqueue_dma source(%dma_start3A_109 : memref<20736xi32, #tpu.memory_space<hbm>>) target(%arg6 : memref<20736xi32, #tpu.memory_space<vmem>>) target_semaphore(%run_scoped3A : memref<!tpu.dma_semaphore, #tpu.memory_space<semaphore_mem>>)
      %dma_wait3A_110 = arith.constant 0 : i32
      %dma_wait3A_111 = arith.constant 0 : i32
      %dma_wait3A_112 = tpu.memref_slice %arg3[%arg0, %dma_wait3A_110, %dma_wait3A_111] : memref<2x16x20736xi32, #tpu.memory_space<hbm>> -> memref<1x16x20736xi32, #tpu.memory_space<hbm>>
      %dma_wait3A_113 = tpu.memref_squeeze %dma_wait3A_112 : memref<1x16x20736xi32, #tpu.memory_space<hbm>> -> memref<16x20736xi32, #tpu.memory_space<hbm>>
      %dma_wait3A_114 = arith.constant 0 : i32
      %dma_wait3A_115 = tpu.memref_slice %dma_wait3A_113[%arg1, %dma_wait3A_114] : memref<16x20736xi32, #tpu.memory_space<hbm>> -> memref<1x20736xi32, #tpu.memory_space<hbm>>
      %dma_wait3A_116 = tpu.memref_squeeze %dma_wait3A_115 : memref<1x20736xi32, #tpu.memory_space<hbm>> -> memref<20736xi32, #tpu.memory_space<hbm>>
      %dma_wait3A_117 = arith.constant 0 : i32
      %dma_wait3A_118 = arith.constant 0 : i32
      %dma_wait3A_119 = tpu.memref_slice %arg3[%arg0, %dma_wait3A_117, %dma_wait3A_118] : memref<2x16x20736xi32, #tpu.memory_space<hbm>> -> memref<1x16x20736xi32, #tpu.memory_space<hbm>>
      %dma_wait3A_120 = tpu.memref_squeeze %dma_wait3A_119 : memref<1x16x20736xi32, #tpu.memory_space<hbm>> -> memref<16x20736xi32, #tpu.memory_space<hbm>>
      %dma_wait3A_121 = arith.constant 0 : i32
      %dma_wait3A_122 = tpu.memref_slice %dma_wait3A_120[%arg1, %dma_wait3A_121] : memref<16x20736xi32, #tpu.memory_space<hbm>> -> memref<1x20736xi32, #tpu.memory_space<hbm>>
      %dma_wait3A_123 = tpu.memref_squeeze %dma_wait3A_122 : memref<1x20736xi32, #tpu.memory_space<hbm>> -> memref<20736xi32, #tpu.memory_space<hbm>>
      tpu.wait_dma2 semaphore(%run_scoped3A : memref<!tpu.dma_semaphore, #tpu.memory_space<semaphore_mem>>) src(%dma_wait3A_123 : memref<20736xi32, #tpu.memory_space<hbm>>) dst(%arg6 : memref<20736xi32, #tpu.memory_space<vmem>>)
      tpu.yield
    }) : () -> ()
    "tpu.region"() ({
      %run_scoped3A = tpu.sem_alloc : memref<!tpu.dma_semaphore, #tpu.memory_space<semaphore_mem>>
      %dma_start3A_96 = arith.constant 0 : i32
      %dma_start3A_97 = arith.constant 0 : i32
      %dma_start3A_98 = tpu.memref_slice %arg4[%arg0, %dma_start3A_96, %dma_start3A_97] : memref<2x16x20736xi32, #tpu.memory_space<hbm>> -> memref<1x16x20736xi32, #tpu.memory_space<hbm>>
      %dma_start3A_99 = tpu.memref_squeeze %dma_start3A_98 : memref<1x16x20736xi32, #tpu.memory_space<hbm>> -> memref<16x20736xi32, #tpu.memory_space<hbm>>
      %dma_start3A_100 = arith.constant 0 : i32
      %dma_start3A_101 = tpu.memref_slice %dma_start3A_99[%arg1, %dma_start3A_100] : memref<16x20736xi32, #tpu.memory_space<hbm>> -> memref<1x20736xi32, #tpu.memory_space<hbm>>
      %dma_start3A_102 = tpu.memref_squeeze %dma_start3A_101 : memref<1x20736xi32, #tpu.memory_space<hbm>> -> memref<20736xi32, #tpu.memory_space<hbm>>
      %dma_start3A_103 = arith.constant 0 : i32
      %dma_start3A_104 = arith.constant 0 : i32
      %dma_start3A_105 = tpu.memref_slice %arg4[%arg0, %dma_start3A_103, %dma_start3A_104] : memref<2x16x20736xi32, #tpu.memory_space<hbm>> -> memref<1x16x20736xi32, #tpu.memory_space<hbm>>
      %dma_start3A_106 = tpu.memref_squeeze %dma_start3A_105 : memref<1x16x20736xi32, #tpu.memory_space<hbm>> -> memref<16x20736xi32, #tpu.memory_space<hbm>>
      %dma_start3A_107 = arith.constant 0 : i32
      %dma_start3A_108 = tpu.memref_slice %dma_start3A_106[%arg1, %dma_start3A_107] : memref<16x20736xi32, #tpu.memory_space<hbm>> -> memref<1x20736xi32, #tpu.memory_space<hbm>>
      %dma_start3A_109 = tpu.memref_squeeze %dma_start3A_108 : memref<1x20736xi32, #tpu.memory_space<hbm>> -> memref<20736xi32, #tpu.memory_space<hbm>>
      tpu.enqueue_dma source(%dma_start3A_109 : memref<20736xi32, #tpu.memory_space<hbm>>) target(%arg7 : memref<20736xi32, #tpu.memory_space<vmem>>) target_semaphore(%run_scoped3A : memref<!tpu.dma_semaphore, #tpu.memory_space<semaphore_mem>>)
      %dma_wait3A_110 = arith.constant 0 : i32
      %dma_wait3A_111 = arith.constant 0 : i32
      %dma_wait3A_112 = tpu.memref_slice %arg4[%arg0, %dma_wait3A_110, %dma_wait3A_111] : memref<2x16x20736xi32, #tpu.memory_space<hbm>> -> memref<1x16x20736xi32, #tpu.memory_space<hbm>>
      %dma_wait3A_113 = tpu.memref_squeeze %dma_wait3A_112 : memref<1x16x20736xi32, #tpu.memory_space<hbm>> -> memref<16x20736xi32, #tpu.memory_space<hbm>>
      %dma_wait3A_114 = arith.constant 0 : i32
      %dma_wait3A_115 = tpu.memref_slice %dma_wait3A_113[%arg1, %dma_wait3A_114] : memref<16x20736xi32, #tpu.memory_space<hbm>> -> memref<1x20736xi32, #tpu.memory_space<hbm>>
      %dma_wait3A_116 = tpu.memref_squeeze %dma_wait3A_115 : memref<1x20736xi32, #tpu.memory_space<hbm>> -> memref<20736xi32, #tpu.memory_space<hbm>>
      %dma_wait3A_117 = arith.constant 0 : i32
      %dma_wait3A_118 = arith.constant 0 : i32
      %dma_wait3A_119 = tpu.memref_slice %arg4[%arg0, %dma_wait3A_117, %dma_wait3A_118] : memref<2x16x20736xi32, #tpu.memory_space<hbm>> -> memref<1x16x20736xi32, #tpu.memory_space<hbm>>
      %dma_wait3A_120 = tpu.memref_squeeze %dma_wait3A_119 : memref<1x16x20736xi32, #tpu.memory_space<hbm>> -> memref<16x20736xi32, #tpu.memory_space<hbm>>
      %dma_wait3A_121 = arith.constant 0 : i32
      %dma_wait3A_122 = tpu.memref_slice %dma_wait3A_120[%arg1, %dma_wait3A_121] : memref<16x20736xi32, #tpu.memory_space<hbm>> -> memref<1x20736xi32, #tpu.memory_space<hbm>>
      %dma_wait3A_123 = tpu.memref_squeeze %dma_wait3A_122 : memref<1x20736xi32, #tpu.memory_space<hbm>> -> memref<20736xi32, #tpu.memory_space<hbm>>
      tpu.wait_dma2 semaphore(%run_scoped3A : memref<!tpu.dma_semaphore, #tpu.memory_space<semaphore_mem>>) src(%dma_wait3A_123 : memref<20736xi32, #tpu.memory_space<hbm>>) dst(%arg7 : memref<20736xi32, #tpu.memory_space<vmem>>)
      tpu.yield
    }) : () -> ()
    %get3A = arith.constant 20608 : index
    %get3A_17 = tpu.vector_load %arg7[%get3A] {strides = array<i32>} : memref<20736xi32, #tpu.memory_space<vmem>>, vector<16xi32>,
    %reduce_sum3A = arith.constant true
    %reduce_sum3A_18 = vector.broadcast %reduce_sum3A : i1 to vector<16xi1>
    %reduce_sum3A_19 = tpu.scan <sum>, %get3A_17 masked %reduce_sum3A_18 : vector<16xi32>, vector<16xi1> -> vector<16xi32>
    %reduce_sum3A_20 = vector.extract %reduce_sum3A_19[15] : i32 from vector<16xi32>
    %shift_right_arithmetic3A = arith.constant 4 : i32
    %shift_right_arithmetic3A_21 = arith.shrsi %reduce_sum3A_20, %shift_right_arithmetic3A : i32
    %add3A_22 = arith.constant 128 : i32
    %add3A_23 = arith.addi %shift_right_arithmetic3A_21, %add3A_22 : i32
    %sub3A = arith.constant 1 : i32
    %sub3A_24 = arith.subi %add3A_23, %sub3A : i32
    %shift_right_arithmetic3A_25 = arith.constant 7 : i32
    %shift_right_arithmetic3A_26 = arith.shrsi %sub3A_24, %shift_right_arithmetic3A_25 : i32
    %shift_right_arithmetic3A_27 = arith.constant 2 : i32
    %shift_right_arithmetic3A_28 = arith.shrsi %shift_right_arithmetic3A_26, %shift_right_arithmetic3A_27 : i32
    %eq3A = arith.constant 0 : i32
    %eq3A_29 = arith.cmpi eq, %arg0, %eq3A : i32
    %jit3A = arith.constant 5008 : i32
    %jit3A_30 = arith.constant 4992 : i32
    %select_n3A = arith.select %eq3A_29, %jit3A, %jit3A_30 : i32
    %barrier3A = arith.constant 0 : index
    tpu.barrier barrier_id(%barrier3A)
    %mul3A_31 = arith.constant 128 : i32
    %mul3A_32 = arith.muli %shift_right_arithmetic3A_26, %mul3A_31 : i32
    %dma_start3A = tpu.memref_slice %arg7[%mul3A_32] : memref<20736xi32, #tpu.memory_space<vmem>> -> memref<128xi32, #tpu.memory_space<vmem>>
    %dma_start3A_33 = arith.constant 0 : i32
    %dma_start3A_34 = arith.constant 0 : i32
    %dma_start3A_35 = tpu.memref_slice %arg12[%dma_start3A_33, %dma_start3A_34] : memref<5024x48xf32, #tpu.memory_space<vmem_shared>> -> memref<5024x48xf32, #tpu.memory_space<vmem_shared>>
    tpu.enqueue_indirect_dma source(%arg8 : memref<128x48xf32, #tpu.memory_space<vmem>>) target(%dma_start3A_35 : memref<5024x48xf32, #tpu.memory_space<vmem_shared>>) offsets(%dma_start3A : memref<128xi32, #tpu.memory_space<vmem>>) semaphore(%arg17 : memref<!tpu.dma_semaphore, #tpu.memory_space<semaphore_mem>>) {add = true}
    %dma_start3A_36 = tpu.memref_slice %arg7[%mul3A_32] : memref<20736xi32, #tpu.memory_space<vmem>> -> memref<128xi32, #tpu.memory_space<vmem>>
    %dma_start3A_37 = arith.constant 0 : i32
    %dma_start3A_38 = arith.constant 0 : i32
    %dma_start3A_39 = tpu.memref_slice %arg12[%dma_start3A_37, %dma_start3A_38] : memref<5024x48xf32, #tpu.memory_space<vmem_shared>> -> memref<5024x48xf32, #tpu.memory_space<vmem_shared>>
    tpu.enqueue_indirect_dma source(%arg8 : memref<128x48xf32, #tpu.memory_space<vmem>>) target(%dma_start3A_39 : memref<5024x48xf32, #tpu.memory_space<vmem_shared>>) offsets(%dma_start3A_36 : memref<128xi32, #tpu.memory_space<vmem>>) semaphore(%arg18 : memref<!tpu.dma_semaphore, #tpu.memory_space<semaphore_mem>>) {add = true}
    %dma_start3A_40 = tpu.memref_slice %arg7[%mul3A_32] : memref<20736xi32, #tpu.memory_space<vmem>> -> memref<128xi32, #tpu.memory_space<vmem>>
    %dma_start3A_41 = arith.constant 0 : i32
    %dma_start3A_42 = arith.constant 0 : i32
    %dma_start3A_43 = tpu.memref_slice %arg12[%dma_start3A_41, %dma_start3A_42] : memref<5024x48xf32, #tpu.memory_space<vmem_shared>> -> memref<5024x48xf32, #tpu.memory_space<vmem_shared>>
    tpu.enqueue_indirect_dma source(%arg8 : memref<128x48xf32, #tpu.memory_space<vmem>>) target(%dma_start3A_43 : memref<5024x48xf32, #tpu.memory_space<vmem_shared>>) offsets(%dma_start3A_40 : memref<128xi32, #tpu.memory_space<vmem>>) semaphore(%arg19 : memref<!tpu.dma_semaphore, #tpu.memory_space<semaphore_mem>>) {add = true}
    %dma_start3A_44 = tpu.memref_slice %arg7[%mul3A_32] : memref<20736xi32, #tpu.memory_space<vmem>> -> memref<128xi32, #tpu.memory_space<vmem>>
    %dma_start3A_45 = arith.constant 0 : i32
    %dma_start3A_46 = arith.constant 0 : i32
    %dma_start3A_47 = tpu.memref_slice %arg12[%dma_start3A_45, %dma_start3A_46] : memref<5024x48xf32, #tpu.memory_space<vmem_shared>> -> memref<5024x48xf32, #tpu.memory_space<vmem_shared>>
    tpu.enqueue_indirect_dma source(%arg8 : memref<128x48xf32, #tpu.memory_space<vmem>>) target(%dma_start3A_47 : memref<5024x48xf32, #tpu.memory_space<vmem_shared>>) offsets(%dma_start3A_44 : memref<128xi32, #tpu.memory_space<vmem>>) semaphore(%arg20 : memref<!tpu.dma_semaphore, #tpu.memory_space<semaphore_mem>>) {add = true}
    %while3A = arith.constant 0 : i32
    %while3A_48 = arith.constant 0 : i32
    %while3A_49 = arith.subi %shift_right_arithmetic3A_28, %while3A : i32
    %while3A_50 = arith.addi %while3A, %while3A_49 : i32
    %while3A_51 = arith.constant 1 : i32
    %while3A_52 = arith.divsi %while3A_49, %while3A_51 : i32
    %while3A_53 = arith.muli %while3A_52, %while3A_51 : i32
    %while3A_54 = arith.addi %while3A, %while3A_53 : i32
    %while3A_55 = arith.constant 1 : i32
    %while3A_56 = scf.for %while3A_96 = %while3A to %while3A_54 step %while3A_55 iter_args(%while3A_97 = %while3A_48) -> (i32)  : i32 {
      %mul3A_98 = arith.constant 4 : i32
      %mul3A_99 = arith.muli %mul3A_98, %while3A_96 : i32
      %dma_wait3A_100 = tpu.memref_slice %arg7[%mul3A_32] : memref<20736xi32, #tpu.memory_space<vmem>> -> memref<128xi32, #tpu.memory_space<vmem>>
      %dma_wait3A_101 = arith.constant 0 : i32
      %dma_wait3A_102 = arith.constant 0 : i32
      %dma_wait3A_103 = tpu.memref_slice %arg12[%dma_wait3A_101, %dma_wait3A_102] : memref<5024x48xf32, #tpu.memory_space<vmem_shared>> -> memref<5024x48xf32, #tpu.memory_space<vmem_shared>>
      tpu.wait_indirect_dma semaphore(%arg17 : memref<!tpu.dma_semaphore, #tpu.memory_space<semaphore_mem>>) src(%arg8 : memref<128x48xf32, #tpu.memory_space<vmem>>) dst(%dma_wait3A_103 : memref<5024x48xf32, #tpu.memory_space<vmem_shared>>)
      %dma_wait3A_104 = tpu.memref_slice %arg7[%mul3A_32] : memref<20736xi32, #tpu.memory_space<vmem>> -> memref<128xi32, #tpu.memory_space<vmem>>
      %dma_wait3A_105 = arith.constant 0 : i32
      %dma_wait3A_106 = arith.constant 0 : i32
      %dma_wait3A_107 = tpu.memref_slice %arg12[%dma_wait3A_105, %dma_wait3A_106] : memref<5024x48xf32, #tpu.memory_space<vmem_shared>> -> memref<5024x48xf32, #tpu.memory_space<vmem_shared>>
      tpu.wait_indirect_dma semaphore(%arg18 : memref<!tpu.dma_semaphore, #tpu.memory_space<semaphore_mem>>) src(%arg9 : memref<128x48xf32, #tpu.memory_space<vmem>>) dst(%dma_wait3A_107 : memref<5024x48xf32, #tpu.memory_space<vmem_shared>>)
      %dma_wait3A_108 = tpu.memref_slice %arg7[%mul3A_32] : memref<20736xi32, #tpu.memory_space<vmem>> -> memref<128xi32, #tpu.memory_space<vmem>>
      %dma_wait3A_109 = arith.constant 0 : i32
      %dma_wait3A_110 = arith.constant 0 : i32
      %dma_wait3A_111 = tpu.memref_slice %arg12[%dma_wait3A_109, %dma_wait3A_110] : memref<5024x48xf32, #tpu.memory_space<vmem_shared>> -> memref<5024x48xf32, #tpu.memory_space<vmem_shared>>
      tpu.wait_indirect_dma semaphore(%arg19 : memref<!tpu.dma_semaphore, #tpu.memory_space<semaphore_mem>>) src(%arg10 : memref<128x48xf32, #tpu.memory_space<vmem>>) dst(%dma_wait3A_111 : memref<5024x48xf32, #tpu.memory_space<vmem_shared>>)
      %dma_wait3A_112 = tpu.memref_slice %arg7[%mul3A_32] : memref<20736xi32, #tpu.memory_space<vmem>> -> memref<128xi32, #tpu.memory_space<vmem>>
      %dma_wait3A_113 = arith.constant 0 : i32
      %dma_wait3A_114 = arith.constant 0 : i32
      %dma_wait3A_115 = tpu.memref_slice %arg12[%dma_wait3A_113, %dma_wait3A_114] : memref<5024x48xf32, #tpu.memory_space<vmem_shared>> -> memref<5024x48xf32, #tpu.memory_space<vmem_shared>>
      tpu.wait_indirect_dma semaphore(%arg20 : memref<!tpu.dma_semaphore, #tpu.memory_space<semaphore_mem>>) src(%arg11 : memref<128x48xf32, #tpu.memory_space<vmem>>) dst(%dma_wait3A_115 : memref<5024x48xf32, #tpu.memory_space<vmem_shared>>)
      %add3A_116 = arith.constant 0 : i32
      %add3A_117 = arith.addi %mul3A_99, %add3A_116 : i32
      %mul3A_118 = arith.constant 128 : i32
      %mul3A_119 = arith.muli %add3A_117, %mul3A_118 : i32
      %dma_start3A_120 = tpu.memref_slice %arg6[%mul3A_119] : memref<20736xi32, #tpu.memory_space<vmem>> -> memref<128xi32, #tpu.memory_space<vmem>>
      %dma_start3A_121 = arith.constant 0 : i32
      %dma_start3A_122 = arith.constant 0 : i32
      %dma_start3A_123 = tpu.memref_slice %arg2[%dma_start3A_121, %dma_start3A_122] : memref<10000x48xf32, #tpu.memory_space<hbm>> -> memref<10000x48xf32, #tpu.memory_space<hbm>>
      tpu.enqueue_indirect_dma source(%dma_start3A_123 : memref<10000x48xf32, #tpu.memory_space<hbm>>) target(%arg8 : memref<128x48xf32, #tpu.memory_space<vmem>>) offsets(%dma_start3A_120 : memref<128xi32, #tpu.memory_space<vmem>>) semaphore(%arg13 : memref<!tpu.dma_semaphore, #tpu.memory_space<semaphore_mem>>)
      %add3A_124 = arith.constant 1 : i32
      %add3A_125 = arith.addi %mul3A_99, %add3A_124 : i32
      %mul3A_126 = arith.constant 128 : i32
      %mul3A_127 = arith.muli %add3A_125, %mul3A_126 : i32
      %dma_start3A_128 = tpu.memref_slice %arg6[%mul3A_127] : memref<20736xi32, #tpu.memory_space<vmem>> -> memref<128xi32, #tpu.memory_space<vmem>>
      %dma_start3A_129 = arith.constant 0 : i32
      %dma_start3A_130 = arith.constant 0 : i32
      %dma_start3A_131 = tpu.memref_slice %arg2[%dma_start3A_129, %dma_start3A_130] : memref<10000x48xf32, #tpu.memory_space<hbm>> -> memref<10000x48xf32, #tpu.memory_space<hbm>>
      tpu.enqueue_indirect_dma source(%dma_start3A_131 : memref<10000x48xf32, #tpu.memory_space<hbm>>) target(%arg9 : memref<128x48xf32, #tpu.memory_space<vmem>>) offsets(%dma_start3A_128 : memref<128xi32, #tpu.memory_space<vmem>>) semaphore(%arg14 : memref<!tpu.dma_semaphore, #tpu.memory_space<semaphore_mem>>)
      %add3A_132 = arith.constant 2 : i32
      %add3A_133 = arith.addi %mul3A_99, %add3A_132 : i32
      %mul3A_134 = arith.constant 128 : i32
      %mul3A_135 = arith.muli %add3A_133, %mul3A_134 : i32
      %dma_start3A_136 = tpu.memref_slice %arg6[%mul3A_135] : memref<20736xi32, #tpu.memory_space<vmem>> -> memref<128xi32, #tpu.memory_space<vmem>>
      %dma_start3A_137 = arith.constant 0 : i32
      %dma_start3A_138 = arith.constant 0 : i32
      %dma_start3A_139 = tpu.memref_slice %arg2[%dma_start3A_137, %dma_start3A_138] : memref<10000x48xf32, #tpu.memory_space<hbm>> -> memref<10000x48xf32, #tpu.memory_space<hbm>>
      tpu.enqueue_indirect_dma source(%dma_start3A_139 : memref<10000x48xf32, #tpu.memory_space<hbm>>) target(%arg10 : memref<128x48xf32, #tpu.memory_space<vmem>>) offsets(%dma_start3A_136 : memref<128xi32, #tpu.memory_space<vmem>>) semaphore(%arg15 : memref<!tpu.dma_semaphore, #tpu.memory_space<semaphore_mem>>)
      %add3A_140 = arith.constant 3 : i32
      %add3A_141 = arith.addi %mul3A_99, %add3A_140 : i32
      %mul3A_142 = arith.constant 128 : i32
      %mul3A_143 = arith.muli %add3A_141, %mul3A_142 : i32
      %dma_start3A_144 = tpu.memref_slice %arg6[%mul3A_143] : memref<20736xi32, #tpu.memory_space<vmem>> -> memref<128xi32, #tpu.memory_space<vmem>>
      %dma_start3A_145 = arith.constant 0 : i32
      %dma_start3A_146 = arith.constant 0 : i32
      %dma_start3A_147 = tpu.memref_slice %arg2[%dma_start3A_145, %dma_start3A_146] : memref<10000x48xf32, #tpu.memory_space<hbm>> -> memref<10000x48xf32, #tpu.memory_space<hbm>>
      tpu.enqueue_indirect_dma source(%dma_start3A_147 : memref<10000x48xf32, #tpu.memory_space<hbm>>) target(%arg11 : memref<128x48xf32, #tpu.memory_space<vmem>>) offsets(%dma_start3A_144 : memref<128xi32, #tpu.memory_space<vmem>>) semaphore(%arg16 : memref<!tpu.dma_semaphore, #tpu.memory_space<semaphore_mem>>)
      %dma_wait3A_148 = tpu.memref_slice %arg6[%mul3A_119] : memref<20736xi32, #tpu.memory_space<vmem>> -> memref<128xi32, #tpu.memory_space<vmem>>
      %dma_wait3A_149 = arith.constant 0 : i32
      %dma_wait3A_150 = arith.constant 0 : i32
      %dma_wait3A_151 = tpu.memref_slice %arg2[%dma_wait3A_149, %dma_wait3A_150] : memref<10000x48xf32, #tpu.memory_space<hbm>> -> memref<10000x48xf32, #tpu.memory_space<hbm>>
      tpu.wait_indirect_dma semaphore(%arg13 : memref<!tpu.dma_semaphore, #tpu.memory_space<semaphore_mem>>) src(%dma_wait3A_151 : memref<10000x48xf32, #tpu.memory_space<hbm>>) dst(%arg8 : memref<128x48xf32, #tpu.memory_space<vmem>>)
      %add3A_152 = arith.constant 0 : i32
      %add3A_153 = arith.addi %mul3A_99, %add3A_152 : i32
      %mul3A_154 = arith.constant 128 : i32
      %mul3A_155 = arith.muli %add3A_153, %mul3A_154 : i32
      %dma_start3A_156 = tpu.memref_slice %arg7[%mul3A_155] : memref<20736xi32, #tpu.memory_space<vmem>> -> memref<128xi32, #tpu.memory_space<vmem>>
      %dma_start3A_157 = arith.constant 0 : i32
      %dma_start3A_158 = arith.constant 0 : i32
      %dma_start3A_159 = tpu.memref_slice %arg12[%dma_start3A_157, %dma_start3A_158] : memref<5024x48xf32, #tpu.memory_space<vmem_shared>> -> memref<5024x48xf32, #tpu.memory_space<vmem_shared>>
      tpu.enqueue_indirect_dma source(%arg8 : memref<128x48xf32, #tpu.memory_space<vmem>>) target(%dma_start3A_159 : memref<5024x48xf32, #tpu.memory_space<vmem_shared>>) offsets(%dma_start3A_156 : memref<128xi32, #tpu.memory_space<vmem>>) semaphore(%arg17 : memref<!tpu.dma_semaphore, #tpu.memory_space<semaphore_mem>>) {add = true}
      %dma_wait3A_160 = tpu.memref_slice %arg6[%mul3A_127] : memref<20736xi32, #tpu.memory_space<vmem>> -> memref<128xi32, #tpu.memory_space<vmem>>
      %dma_wait3A_161 = arith.constant 0 : i32
      %dma_wait3A_162 = arith.constant 0 : i32
      %dma_wait3A_163 = tpu.memref_slice %arg2[%dma_wait3A_161, %dma_wait3A_162] : memref<10000x48xf32, #tpu.memory_space<hbm>> -> memref<10000x48xf32, #tpu.memory_space<hbm>>
      tpu.wait_indirect_dma semaphore(%arg14 : memref<!tpu.dma_semaphore, #tpu.memory_space<semaphore_mem>>) src(%dma_wait3A_163 : memref<10000x48xf32, #tpu.memory_space<hbm>>) dst(%arg9 : memref<128x48xf32, #tpu.memory_space<vmem>>)
      %add3A_164 = arith.constant 1 : i32
      %add3A_165 = arith.addi %mul3A_99, %add3A_164 : i32
      %mul3A_166 = arith.constant 128 : i32
      %mul3A_167 = arith.muli %add3A_165, %mul3A_166 : i32
      %dma_start3A_168 = tpu.memref_slice %arg7[%mul3A_167] : memref<20736xi32, #tpu.memory_space<vmem>> -> memref<128xi32, #tpu.memory_space<vmem>>
      %dma_start3A_169 = arith.constant 0 : i32
      %dma_start3A_170 = arith.constant 0 : i32
      %dma_start3A_171 = tpu.memref_slice %arg12[%dma_start3A_169, %dma_start3A_170] : memref<5024x48xf32, #tpu.memory_space<vmem_shared>> -> memref<5024x48xf32, #tpu.memory_space<vmem_shared>>
      tpu.enqueue_indirect_dma source(%arg9 : memref<128x48xf32, #tpu.memory_space<vmem>>) target(%dma_start3A_171 : memref<5024x48xf32, #tpu.memory_space<vmem_shared>>) offsets(%dma_start3A_168 : memref<128xi32, #tpu.memory_space<vmem>>) semaphore(%arg18 : memref<!tpu.dma_semaphore, #tpu.memory_space<semaphore_mem>>) {add = true}
      %dma_wait3A_172 = tpu.memref_slice %arg6[%mul3A_135] : memref<20736xi32, #tpu.memory_space<vmem>> -> memref<128xi32, #tpu.memory_space<vmem>>
      %dma_wait3A_173 = arith.constant 0 : i32
      %dma_wait3A_174 = arith.constant 0 : i32
      %dma_wait3A_175 = tpu.memref_slice %arg2[%dma_wait3A_173, %dma_wait3A_174] : memref<10000x48xf32, #tpu.memory_space<hbm>> -> memref<10000x48xf32, #tpu.memory_space<hbm>>
      tpu.wait_indirect_dma semaphore(%arg15 : memref<!tpu.dma_semaphore, #tpu.memory_space<semaphore_mem>>) src(%dma_wait3A_175 : memref<10000x48xf32, #tpu.memory_space<hbm>>) dst(%arg10 : memref<128x48xf32, #tpu.memory_space<vmem>>)
      %add3A_176 = arith.constant 2 : i32
      %add3A_177 = arith.addi %mul3A_99, %add3A_176 : i32
      %mul3A_178 = arith.constant 128 : i32
      %mul3A_179 = arith.muli %add3A_177, %mul3A_178 : i32
      %dma_start3A_180 = tpu.memref_slice %arg7[%mul3A_179] : memref<20736xi32, #tpu.memory_space<vmem>> -> memref<128xi32, #tpu.memory_space<vmem>>
      %dma_start3A_181 = arith.constant 0 : i32
      %dma_start3A_182 = arith.constant 0 : i32
      %dma_start3A_183 = tpu.memref_slice %arg12[%dma_start3A_181, %dma_start3A_182] : memref<5024x48xf32, #tpu.memory_space<vmem_shared>> -> memref<5024x48xf32, #tpu.memory_space<vmem_shared>>
      tpu.enqueue_indirect_dma source(%arg10 : memref<128x48xf32, #tpu.memory_space<vmem>>) target(%dma_start3A_183 : memref<5024x48xf32, #tpu.memory_space<vmem_shared>>) offsets(%dma_start3A_180 : memref<128xi32, #tpu.memory_space<vmem>>) semaphore(%arg19 : memref<!tpu.dma_semaphore, #tpu.memory_space<semaphore_mem>>) {add = true}
      %dma_wait3A_184 = tpu.memref_slice %arg6[%mul3A_143] : memref<20736xi32, #tpu.memory_space<vmem>> -> memref<128xi32, #tpu.memory_space<vmem>>
      %dma_wait3A_185 = arith.constant 0 : i32
      %dma_wait3A_186 = arith.constant 0 : i32
      %dma_wait3A_187 = tpu.memref_slice %arg2[%dma_wait3A_185, %dma_wait3A_186] : memref<10000x48xf32, #tpu.memory_space<hbm>> -> memref<10000x48xf32, #tpu.memory_space<hbm>>
      tpu.wait_indirect_dma semaphore(%arg16 : memref<!tpu.dma_semaphore, #tpu.memory_space<semaphore_mem>>) src(%dma_wait3A_187 : memref<10000x48xf32, #tpu.memory_space<hbm>>) dst(%arg11 : memref<128x48xf32, #tpu.memory_space<vmem>>)
      %add3A_188 = arith.constant 3 : i32
      %add3A_189 = arith.addi %mul3A_99, %add3A_188 : i32
      %mul3A_190 = arith.constant 128 : i32
      %mul3A_191 = arith.muli %add3A_189, %mul3A_190 : i32
      %dma_start3A_192 = tpu.memref_slice %arg7[%mul3A_191] : memref<20736xi32, #tpu.memory_space<vmem>> -> memref<128xi32, #tpu.memory_space<vmem>>
      %dma_start3A_193 = arith.constant 0 : i32
      %dma_start3A_194 = arith.constant 0 : i32
      %dma_start3A_195 = tpu.memref_slice %arg12[%dma_start3A_193, %dma_start3A_194] : memref<5024x48xf32, #tpu.memory_space<vmem_shared>> -> memref<5024x48xf32, #tpu.memory_space<vmem_shared>>
      tpu.enqueue_indirect_dma source(%arg11 : memref<128x48xf32, #tpu.memory_space<vmem>>) target(%dma_start3A_195 : memref<5024x48xf32, #tpu.memory_space<vmem_shared>>) offsets(%dma_start3A_192 : memref<128xi32, #tpu.memory_space<vmem>>) semaphore(%arg20 : memref<!tpu.dma_semaphore, #tpu.memory_space<semaphore_mem>>) {add = true}
      %while3A_196 = arith.constant 0 : i32
      scf.yield %while3A_196 : i32
    }
    %while3A_57 = arith.constant 1 : i32
    %while3A_58 = scf.for %while3A_96 = %while3A_54 to %while3A_50 step %while3A_57 iter_args(%while3A_97 = %while3A_56) -> (i32)  : i32 {
      %mul3A_98 = arith.constant 4 : i32
      %mul3A_99 = arith.muli %mul3A_98, %while3A_96 : i32
      %dma_wait3A_100 = tpu.memref_slice %arg7[%mul3A_32] : memref<20736xi32, #tpu.memory_space<vmem>> -> memref<128xi32, #tpu.memory_space<vmem>>
      %dma_wait3A_101 = arith.constant 0 : i32
      %dma_wait3A_102 = arith.constant 0 : i32
      %dma_wait3A_103 = tpu.memref_slice %arg12[%dma_wait3A_101, %dma_wait3A_102] : memref<5024x48xf32, #tpu.memory_space<vmem_shared>> -> memref<5024x48xf32, #tpu.memory_space<vmem_shared>>
      tpu.wait_indirect_dma semaphore(%arg17 : memref<!tpu.dma_semaphore, #tpu.memory_space<semaphore_mem>>) src(%arg8 : memref<128x48xf32, #tpu.memory_space<vmem>>) dst(%dma_wait3A_103 : memref<5024x48xf32, #tpu.memory_space<vmem_shared>>)
      %dma_wait3A_104 = tpu.memref_slice %arg7[%mul3A_32] : memref<20736xi32, #tpu.memory_space<vmem>> -> memref<128xi32, #tpu.memory_space<vmem>>
      %dma_wait3A_105 = arith.constant 0 : i32
      %dma_wait3A_106 = arith.constant 0 : i32
      %dma_wait3A_107 = tpu.memref_slice %arg12[%dma_wait3A_105, %dma_wait3A_106] : memref<5024x48xf32, #tpu.memory_space<vmem_shared>> -> memref<5024x48xf32, #tpu.memory_space<vmem_shared>>
      tpu.wait_indirect_dma semaphore(%arg18 : memref<!tpu.dma_semaphore, #tpu.memory_space<semaphore_mem>>) src(%arg9 : memref<128x48xf32, #tpu.memory_space<vmem>>) dst(%dma_wait3A_107 : memref<5024x48xf32, #tpu.memory_space<vmem_shared>>)
      %dma_wait3A_108 = tpu.memref_slice %arg7[%mul3A_32] : memref<20736xi32, #tpu.memory_space<vmem>> -> memref<128xi32, #tpu.memory_space<vmem>>
      %dma_wait3A_109 = arith.constant 0 : i32
      %dma_wait3A_110 = arith.constant 0 : i32
      %dma_wait3A_111 = tpu.memref_slice %arg12[%dma_wait3A_109, %dma_wait3A_110] : memref<5024x48xf32, #tpu.memory_space<vmem_shared>> -> memref<5024x48xf32, #tpu.memory_space<vmem_shared>>
      tpu.wait_indirect_dma semaphore(%arg19 : memref<!tpu.dma_semaphore, #tpu.memory_space<semaphore_mem>>) src(%arg10 : memref<128x48xf32, #tpu.memory_space<vmem>>) dst(%dma_wait3A_111 : memref<5024x48xf32, #tpu.memory_space<vmem_shared>>)
      %dma_wait3A_112 = tpu.memref_slice %arg7[%mul3A_32] : memref<20736xi32, #tpu.memory_space<vmem>> -> memref<128xi32, #tpu.memory_space<vmem>>
      %dma_wait3A_113 = arith.constant 0 : i32
      %dma_wait3A_114 = arith.constant 0 : i32
      %dma_wait3A_115 = tpu.memref_slice %arg12[%dma_wait3A_113, %dma_wait3A_114] : memref<5024x48xf32, #tpu.memory_space<vmem_shared>> -> memref<5024x48xf32, #tpu.memory_space<vmem_shared>>
      tpu.wait_indirect_dma semaphore(%arg20 : memref<!tpu.dma_semaphore, #tpu.memory_space<semaphore_mem>>) src(%arg11 : memref<128x48xf32, #tpu.memory_space<vmem>>) dst(%dma_wait3A_115 : memref<5024x48xf32, #tpu.memory_space<vmem_shared>>)
      %add3A_116 = arith.constant 0 : i32
      %add3A_117 = arith.addi %mul3A_99, %add3A_116 : i32
      %mul3A_118 = arith.constant 128 : i32
      %mul3A_119 = arith.muli %add3A_117, %mul3A_118 : i32
      %dma_start3A_120 = tpu.memref_slice %arg6[%mul3A_119] : memref<20736xi32, #tpu.memory_space<vmem>> -> memref<128xi32, #tpu.memory_space<vmem>>
      %dma_start3A_121 = arith.constant 0 : i32
      %dma_start3A_122 = arith.constant 0 : i32
      %dma_start3A_123 = tpu.memref_slice %arg2[%dma_start3A_121, %dma_start3A_122] : memref<10000x48xf32, #tpu.memory_space<hbm>> -> memref<10000x48xf32, #tpu.memory_space<hbm>>
      tpu.enqueue_indirect_dma source(%dma_start3A_123 : memref<10000x48xf32, #tpu.memory_space<hbm>>) target(%arg8 : memref<128x48xf32, #tpu.memory_space<vmem>>) offsets(%dma_start3A_120 : memref<128xi32, #tpu.memory_space<vmem>>) semaphore(%arg13 : memref<!tpu.dma_semaphore, #tpu.memory_space<semaphore_mem>>)
      %add3A_124 = arith.constant 1 : i32
      %add3A_125 = arith.addi %mul3A_99, %add3A_124 : i32
      %mul3A_126 = arith.constant 128 : i32
      %mul3A_127 = arith.muli %add3A_125, %mul3A_126 : i32
      %dma_start3A_128 = tpu.memref_slice %arg6[%mul3A_127] : memref<20736xi32, #tpu.memory_space<vmem>> -> memref<128xi32, #tpu.memory_space<vmem>>
      %dma_start3A_129 = arith.constant 0 : i32
      %dma_start3A_130 = arith.constant 0 : i32
      %dma_start3A_131 = tpu.memref_slice %arg2[%dma_start3A_129, %dma_start3A_130] : memref<10000x48xf32, #tpu.memory_space<hbm>> -> memref<10000x48xf32, #tpu.memory_space<hbm>>
      tpu.enqueue_indirect_dma source(%dma_start3A_131 : memref<10000x48xf32, #tpu.memory_space<hbm>>) target(%arg9 : memref<128x48xf32, #tpu.memory_space<vmem>>) offsets(%dma_start3A_128 : memref<128xi32, #tpu.memory_space<vmem>>) semaphore(%arg14 : memref<!tpu.dma_semaphore, #tpu.memory_space<semaphore_mem>>)
      %add3A_132 = arith.constant 2 : i32
      %add3A_133 = arith.addi %mul3A_99, %add3A_132 : i32
      %mul3A_134 = arith.constant 128 : i32
      %mul3A_135 = arith.muli %add3A_133, %mul3A_134 : i32
      %dma_start3A_136 = tpu.memref_slice %arg6[%mul3A_135] : memref<20736xi32, #tpu.memory_space<vmem>> -> memref<128xi32, #tpu.memory_space<vmem>>
      %dma_start3A_137 = arith.constant 0 : i32
      %dma_start3A_138 = arith.constant 0 : i32
      %dma_start3A_139 = tpu.memref_slice %arg2[%dma_start3A_137, %dma_start3A_138] : memref<10000x48xf32, #tpu.memory_space<hbm>> -> memref<10000x48xf32, #tpu.memory_space<hbm>>
      tpu.enqueue_indirect_dma source(%dma_start3A_139 : memref<10000x48xf32, #tpu.memory_space<hbm>>) target(%arg10 : memref<128x48xf32, #tpu.memory_space<vmem>>) offsets(%dma_start3A_136 : memref<128xi32, #tpu.memory_space<vmem>>) semaphore(%arg15 : memref<!tpu.dma_semaphore, #tpu.memory_space<semaphore_mem>>)
      %add3A_140 = arith.constant 3 : i32
      %add3A_141 = arith.addi %mul3A_99, %add3A_140 : i32
      %mul3A_142 = arith.constant 128 : i32
      %mul3A_143 = arith.muli %add3A_141, %mul3A_142 : i32
      %dma_start3A_144 = tpu.memref_slice %arg6[%mul3A_143] : memref<20736xi32, #tpu.memory_space<vmem>> -> memref<128xi32, #tpu.memory_space<vmem>>
      %dma_start3A_145 = arith.constant 0 : i32
      %dma_start3A_146 = arith.constant 0 : i32
      %dma_start3A_147 = tpu.memref_slice %arg2[%dma_start3A_145, %dma_start3A_146] : memref<10000x48xf32, #tpu.memory_space<hbm>> -> memref<10000x48xf32, #tpu.memory_space<hbm>>
      tpu.enqueue_indirect_dma source(%dma_start3A_147 : memref<10000x48xf32, #tpu.memory_space<hbm>>) target(%arg11 : memref<128x48xf32, #tpu.memory_space<vmem>>) offsets(%dma_start3A_144 : memref<128xi32, #tpu.memory_space<vmem>>) semaphore(%arg16 : memref<!tpu.dma_semaphore, #tpu.memory_space<semaphore_mem>>)
      %dma_wait3A_148 = tpu.memref_slice %arg6[%mul3A_119] : memref<20736xi32, #tpu.memory_space<vmem>> -> memref<128xi32, #tpu.memory_space<vmem>>
      %dma_wait3A_149 = arith.constant 0 : i32
      %dma_wait3A_150 = arith.constant 0 : i32
      %dma_wait3A_151 = tpu.memref_slice %arg2[%dma_wait3A_149, %dma_wait3A_150] : memref<10000x48xf32, #tpu.memory_space<hbm>> -> memref<10000x48xf32, #tpu.memory_space<hbm>>
      tpu.wait_indirect_dma semaphore(%arg13 : memref<!tpu.dma_semaphore, #tpu.memory_space<semaphore_mem>>) src(%dma_wait3A_151 : memref<10000x48xf32, #tpu.memory_space<hbm>>) dst(%arg8 : memref<128x48xf32, #tpu.memory_space<vmem>>)
      %add3A_152 = arith.constant 0 : i32
      %add3A_153 = arith.addi %mul3A_99, %add3A_152 : i32
      %mul3A_154 = arith.constant 128 : i32
      %mul3A_155 = arith.muli %add3A_153, %mul3A_154 : i32
      %dma_start3A_156 = tpu.memref_slice %arg7[%mul3A_155] : memref<20736xi32, #tpu.memory_space<vmem>> -> memref<128xi32, #tpu.memory_space<vmem>>
      %dma_start3A_157 = arith.constant 0 : i32
      %dma_start3A_158 = arith.constant 0 : i32
      %dma_start3A_159 = tpu.memref_slice %arg12[%dma_start3A_157, %dma_start3A_158] : memref<5024x48xf32, #tpu.memory_space<vmem_shared>> -> memref<5024x48xf32, #tpu.memory_space<vmem_shared>>
      tpu.enqueue_indirect_dma source(%arg8 : memref<128x48xf32, #tpu.memory_space<vmem>>) target(%dma_start3A_159 : memref<5024x48xf32, #tpu.memory_space<vmem_shared>>) offsets(%dma_start3A_156 : memref<128xi32, #tpu.memory_space<vmem>>) semaphore(%arg17 : memref<!tpu.dma_semaphore, #tpu.memory_space<semaphore_mem>>) {add = true}
      %dma_wait3A_160 = tpu.memref_slice %arg6[%mul3A_127] : memref<20736xi32, #tpu.memory_space<vmem>> -> memref<128xi32, #tpu.memory_space<vmem>>
      %dma_wait3A_161 = arith.constant 0 : i32
      %dma_wait3A_162 = arith.constant 0 : i32
      %dma_wait3A_163 = tpu.memref_slice %arg2[%dma_wait3A_161, %dma_wait3A_162] : memref<10000x48xf32, #tpu.memory_space<hbm>> -> memref<10000x48xf32, #tpu.memory_space<hbm>>
      tpu.wait_indirect_dma semaphore(%arg14 : memref<!tpu.dma_semaphore, #tpu.memory_space<semaphore_mem>>) src(%dma_wait3A_163 : memref<10000x48xf32, #tpu.memory_space<hbm>>) dst(%arg9 : memref<128x48xf32, #tpu.memory_space<vmem>>)
      %add3A_164 = arith.constant 1 : i32
      %add3A_165 = arith.addi %mul3A_99, %add3A_164 : i32
      %mul3A_166 = arith.constant 128 : i32
      %mul3A_167 = arith.muli %add3A_165, %mul3A_166 : i32
      %dma_start3A_168 = tpu.memref_slice %arg7[%mul3A_167] : memref<20736xi32, #tpu.memory_space<vmem>> -> memref<128xi32, #tpu.memory_space<vmem>>
      %dma_start3A_169 = arith.constant 0 : i32
      %dma_start3A_170 = arith.constant 0 : i32
      %dma_start3A_171 = tpu.memref_slice %arg12[%dma_start3A_169, %dma_start3A_170] : memref<5024x48xf32, #tpu.memory_space<vmem_shared>> -> memref<5024x48xf32, #tpu.memory_space<vmem_shared>>
      tpu.enqueue_indirect_dma source(%arg9 : memref<128x48xf32, #tpu.memory_space<vmem>>) target(%dma_start3A_171 : memref<5024x48xf32, #tpu.memory_space<vmem_shared>>) offsets(%dma_start3A_168 : memref<128xi32, #tpu.memory_space<vmem>>) semaphore(%arg18 : memref<!tpu.dma_semaphore, #tpu.memory_space<semaphore_mem>>) {add = true}
      %dma_wait3A_172 = tpu.memref_slice %arg6[%mul3A_135] : memref<20736xi32, #tpu.memory_space<vmem>> -> memref<128xi32, #tpu.memory_space<vmem>>
      %dma_wait3A_173 = arith.constant 0 : i32
      %dma_wait3A_174 = arith.constant 0 : i32
      %dma_wait3A_175 = tpu.memref_slice %arg2[%dma_wait3A_173, %dma_wait3A_174] : memref<10000x48xf32, #tpu.memory_space<hbm>> -> memref<10000x48xf32, #tpu.memory_space<hbm>>
      tpu.wait_indirect_dma semaphore(%arg15 : memref<!tpu.dma_semaphore, #tpu.memory_space<semaphore_mem>>) src(%dma_wait3A_175 : memref<10000x48xf32, #tpu.memory_space<hbm>>) dst(%arg10 : memref<128x48xf32, #tpu.memory_space<vmem>>)
      %add3A_176 = arith.constant 2 : i32
      %add3A_177 = arith.addi %mul3A_99, %add3A_176 : i32
      %mul3A_178 = arith.constant 128 : i32
      %mul3A_179 = arith.muli %add3A_177, %mul3A_178 : i32
      %dma_start3A_180 = tpu.memref_slice %arg7[%mul3A_179] : memref<20736xi32, #tpu.memory_space<vmem>> -> memref<128xi32, #tpu.memory_space<vmem>>
      %dma_start3A_181 = arith.constant 0 : i32
      %dma_start3A_182 = arith.constant 0 : i32
      %dma_start3A_183 = tpu.memref_slice %arg12[%dma_start3A_181, %dma_start3A_182] : memref<5024x48xf32, #tpu.memory_space<vmem_shared>> -> memref<5024x48xf32, #tpu.memory_space<vmem_shared>>
      tpu.enqueue_indirect_dma source(%arg10 : memref<128x48xf32, #tpu.memory_space<vmem>>) target(%dma_start3A_183 : memref<5024x48xf32, #tpu.memory_space<vmem_shared>>) offsets(%dma_start3A_180 : memref<128xi32, #tpu.memory_space<vmem>>) semaphore(%arg19 : memref<!tpu.dma_semaphore, #tpu.memory_space<semaphore_mem>>) {add = true}
      %dma_wait3A_184 = tpu.memref_slice %arg6[%mul3A_143] : memref<20736xi32, #tpu.memory_space<vmem>> -> memref<128xi32, #tpu.memory_space<vmem>>
      %dma_wait3A_185 = arith.constant 0 : i32
      %dma_wait3A_186 = arith.constant 0 : i32
      %dma_wait3A_187 = tpu.memref_slice %arg2[%dma_wait3A_185, %dma_wait3A_186] : memref<10000x48xf32, #tpu.memory_space<hbm>> -> memref<10000x48xf32, #tpu.memory_space<hbm>>
      tpu.wait_indirect_dma semaphore(%arg16 : memref<!tpu.dma_semaphore, #tpu.memory_space<semaphore_mem>>) src(%dma_wait3A_187 : memref<10000x48xf32, #tpu.memory_space<hbm>>) dst(%arg11 : memref<128x48xf32, #tpu.memory_space<vmem>>)
      %add3A_188 = arith.constant 3 : i32
      %add3A_189 = arith.addi %mul3A_99, %add3A_188 : i32
      %mul3A_190 = arith.constant 128 : i32
      %mul3A_191 = arith.muli %add3A_189, %mul3A_190 : i32
      %dma_start3A_192 = tpu.memref_slice %arg7[%mul3A_191] : memref<20736xi32, #tpu.memory_space<vmem>> -> memref<128xi32, #tpu.memory_space<vmem>>
      %dma_start3A_193 = arith.constant 0 : i32
      %dma_start3A_194 = arith.constant 0 : i32
      %dma_start3A_195 = tpu.memref_slice %arg12[%dma_start3A_193, %dma_start3A_194] : memref<5024x48xf32, #tpu.memory_space<vmem_shared>> -> memref<5024x48xf32, #tpu.memory_space<vmem_shared>>
      tpu.enqueue_indirect_dma source(%arg11 : memref<128x48xf32, #tpu.memory_space<vmem>>) target(%dma_start3A_195 : memref<5024x48xf32, #tpu.memory_space<vmem_shared>>) offsets(%dma_start3A_192 : memref<128xi32, #tpu.memory_space<vmem>>) semaphore(%arg20 : memref<!tpu.dma_semaphore, #tpu.memory_space<semaphore_mem>>) {add = true}
      %while3A_196 = arith.constant 0 : i32
      scf.yield %while3A_196 : i32
    }
    %mul3A_59 = arith.constant 4 : i32
    %mul3A_60 = arith.muli %mul3A_59, %shift_right_arithmetic3A_28 : i32
    %while3A_61 = arith.constant 0 : i32
    %while3A_62 = arith.subi %shift_right_arithmetic3A_26, %mul3A_60 : i32
    %while3A_63 = arith.addi %mul3A_60, %while3A_62 : i32
    %while3A_64 = arith.constant 1 : i32
    %while3A_65 = arith.divsi %while3A_62, %while3A_64 : i32
    %while3A_66 = arith.muli %while3A_65, %while3A_64 : i32
    %while3A_67 = arith.addi %mul3A_60, %while3A_66 : i32
    %while3A_68 = arith.constant 1 : i32
    %while3A_69 = scf.for %while3A_96 = %mul3A_60 to %while3A_67 step %while3A_68 iter_args(%while3A_97 = %while3A_61) -> (i32)  : i32 {
      %dma_wait3A_98 = tpu.memref_slice %arg7[%mul3A_32] : memref<20736xi32, #tpu.memory_space<vmem>> -> memref<128xi32, #tpu.memory_space<vmem>>
      %dma_wait3A_99 = arith.constant 0 : i32
      %dma_wait3A_100 = arith.constant 0 : i32
      %dma_wait3A_101 = tpu.memref_slice %arg12[%dma_wait3A_99, %dma_wait3A_100] : memref<5024x48xf32, #tpu.memory_space<vmem_shared>> -> memref<5024x48xf32, #tpu.memory_space<vmem_shared>>
      tpu.wait_indirect_dma semaphore(%arg17 : memref<!tpu.dma_semaphore, #tpu.memory_space<semaphore_mem>>) src(%arg8 : memref<128x48xf32, #tpu.memory_space<vmem>>) dst(%dma_wait3A_101 : memref<5024x48xf32, #tpu.memory_space<vmem_shared>>)
      %mul3A_102 = arith.constant 128 : i32
      %mul3A_103 = arith.muli %while3A_96, %mul3A_102 : i32
      %dma_start3A_104 = tpu.memref_slice %arg6[%mul3A_103] : memref<20736xi32, #tpu.memory_space<vmem>> -> memref<128xi32, #tpu.memory_space<vmem>>
      %dma_start3A_105 = arith.constant 0 : i32
      %dma_start3A_106 = arith.constant 0 : i32
      %dma_start3A_107 = tpu.memref_slice %arg2[%dma_start3A_105, %dma_start3A_106] : memref<10000x48xf32, #tpu.memory_space<hbm>> -> memref<10000x48xf32, #tpu.memory_space<hbm>>
      tpu.enqueue_indirect_dma source(%dma_start3A_107 : memref<10000x48xf32, #tpu.memory_space<hbm>>) target(%arg8 : memref<128x48xf32, #tpu.memory_space<vmem>>) offsets(%dma_start3A_104 : memref<128xi32, #tpu.memory_space<vmem>>) semaphore(%arg13 : memref<!tpu.dma_semaphore, #tpu.memory_space<semaphore_mem>>)
      %dma_wait3A_108 = tpu.memref_slice %arg6[%mul3A_103] : memref<20736xi32, #tpu.memory_space<vmem>> -> memref<128xi32, #tpu.memory_space<vmem>>
      %dma_wait3A_109 = arith.constant 0 : i32
      %dma_wait3A_110 = arith.constant 0 : i32
      %dma_wait3A_111 = tpu.memref_slice %arg2[%dma_wait3A_109, %dma_wait3A_110] : memref<10000x48xf32, #tpu.memory_space<hbm>> -> memref<10000x48xf32, #tpu.memory_space<hbm>>
      tpu.wait_indirect_dma semaphore(%arg13 : memref<!tpu.dma_semaphore, #tpu.memory_space<semaphore_mem>>) src(%dma_wait3A_111 : memref<10000x48xf32, #tpu.memory_space<hbm>>) dst(%arg8 : memref<128x48xf32, #tpu.memory_space<vmem>>)
      %mul3A_112 = arith.constant 128 : i32
      %mul3A_113 = arith.muli %while3A_96, %mul3A_112 : i32
      %dma_start3A_114 = tpu.memref_slice %arg7[%mul3A_113] : memref<20736xi32, #tpu.memory_space<vmem>> -> memref<128xi32, #tpu.memory_space<vmem>>
      %dma_start3A_115 = arith.constant 0 : i32
      %dma_start3A_116 = arith.constant 0 : i32
      %dma_start3A_117 = tpu.memref_slice %arg12[%dma_start3A_115, %dma_start3A_116] : memref<5024x48xf32, #tpu.memory_space<vmem_shared>> -> memref<5024x48xf32, #tpu.memory_space<vmem_shared>>
      tpu.enqueue_indirect_dma source(%arg8 : memref<128x48xf32, #tpu.memory_space<vmem>>) target(%dma_start3A_117 : memref<5024x48xf32, #tpu.memory_space<vmem_shared>>) offsets(%dma_start3A_114 : memref<128xi32, #tpu.memory_space<vmem>>) semaphore(%arg17 : memref<!tpu.dma_semaphore, #tpu.memory_space<semaphore_mem>>) {add = true}
      %while3A_118 = arith.constant 0 : i32
      scf.yield %while3A_118 : i32
    }
    %while3A_70 = arith.constant 1 : i32
    %while3A_71 = scf.for %while3A_96 = %while3A_67 to %while3A_63 step %while3A_70 iter_args(%while3A_97 = %while3A_69) -> (i32)  : i32 {
      %dma_wait3A_98 = tpu.memref_slice %arg7[%mul3A_32] : memref<20736xi32, #tpu.memory_space<vmem>> -> memref<128xi32, #tpu.memory_space<vmem>>
      %dma_wait3A_99 = arith.constant 0 : i32
      %dma_wait3A_100 = arith.constant 0 : i32
      %dma_wait3A_101 = tpu.memref_slice %arg12[%dma_wait3A_99, %dma_wait3A_100] : memref<5024x48xf32, #tpu.memory_space<vmem_shared>> -> memref<5024x48xf32, #tpu.memory_space<vmem_shared>>
      tpu.wait_indirect_dma semaphore(%arg17 : memref<!tpu.dma_semaphore, #tpu.memory_space<semaphore_mem>>) src(%arg8 : memref<128x48xf32, #tpu.memory_space<vmem>>) dst(%dma_wait3A_101 : memref<5024x48xf32, #tpu.memory_space<vmem_shared>>)
      %mul3A_102 = arith.constant 128 : i32
      %mul3A_103 = arith.muli %while3A_96, %mul3A_102 : i32
      %dma_start3A_104 = tpu.memref_slice %arg6[%mul3A_103] : memref<20736xi32, #tpu.memory_space<vmem>> -> memref<128xi32, #tpu.memory_space<vmem>>
      %dma_start3A_105 = arith.constant 0 : i32
      %dma_start3A_106 = arith.constant 0 : i32
      %dma_start3A_107 = tpu.memref_slice %arg2[%dma_start3A_105, %dma_start3A_106] : memref<10000x48xf32, #tpu.memory_space<hbm>> -> memref<10000x48xf32, #tpu.memory_space<hbm>>
      tpu.enqueue_indirect_dma source(%dma_start3A_107 : memref<10000x48xf32, #tpu.memory_space<hbm>>) target(%arg8 : memref<128x48xf32, #tpu.memory_space<vmem>>) offsets(%dma_start3A_104 : memref<128xi32, #tpu.memory_space<vmem>>) semaphore(%arg13 : memref<!tpu.dma_semaphore, #tpu.memory_space<semaphore_mem>>)
      %dma_wait3A_108 = tpu.memref_slice %arg6[%mul3A_103] : memref<20736xi32, #tpu.memory_space<vmem>> -> memref<128xi32, #tpu.memory_space<vmem>>
      %dma_wait3A_109 = arith.constant 0 : i32
      %dma_wait3A_110 = arith.constant 0 : i32
      %dma_wait3A_111 = tpu.memref_slice %arg2[%dma_wait3A_109, %dma_wait3A_110] : memref<10000x48xf32, #tpu.memory_space<hbm>> -> memref<10000x48xf32, #tpu.memory_space<hbm>>
      tpu.wait_indirect_dma semaphore(%arg13 : memref<!tpu.dma_semaphore, #tpu.memory_space<semaphore_mem>>) src(%dma_wait3A_111 : memref<10000x48xf32, #tpu.memory_space<hbm>>) dst(%arg8 : memref<128x48xf32, #tpu.memory_space<vmem>>)
      %mul3A_112 = arith.constant 128 : i32
      %mul3A_113 = arith.muli %while3A_96, %mul3A_112 : i32
      %dma_start3A_114 = tpu.memref_slice %arg7[%mul3A_113] : memref<20736xi32, #tpu.memory_space<vmem>> -> memref<128xi32, #tpu.memory_space<vmem>>
      %dma_start3A_115 = arith.constant 0 : i32
      %dma_start3A_116 = arith.constant 0 : i32
      %dma_start3A_117 = tpu.memref_slice %arg12[%dma_start3A_115, %dma_start3A_116] : memref<5024x48xf32, #tpu.memory_space<vmem_shared>> -> memref<5024x48xf32, #tpu.memory_space<vmem_shared>>
      tpu.enqueue_indirect_dma source(%arg8 : memref<128x48xf32, #tpu.memory_space<vmem>>) target(%dma_start3A_117 : memref<5024x48xf32, #tpu.memory_space<vmem_shared>>) offsets(%dma_start3A_114 : memref<128xi32, #tpu.memory_space<vmem>>) semaphore(%arg17 : memref<!tpu.dma_semaphore, #tpu.memory_space<semaphore_mem>>) {add = true}
      %while3A_118 = arith.constant 0 : i32
      scf.yield %while3A_118 : i32
    }
    %dma_wait3A = tpu.memref_slice %arg7[%mul3A_32] : memref<20736xi32, #tpu.memory_space<vmem>> -> memref<128xi32, #tpu.memory_space<vmem>>
    %dma_wait3A_72 = arith.constant 0 : i32
    %dma_wait3A_73 = arith.constant 0 : i32
    %dma_wait3A_74 = tpu.memref_slice %arg12[%dma_wait3A_72, %dma_wait3A_73] : memref<5024x48xf32, #tpu.memory_space<vmem_shared>> -> memref<5024x48xf32, #tpu.memory_space<vmem_shared>>
    tpu.wait_indirect_dma semaphore(%arg17 : memref<!tpu.dma_semaphore, #tpu.memory_space<semaphore_mem>>) src(%arg8 : memref<128x48xf32, #tpu.memory_space<vmem>>) dst(%dma_wait3A_74 : memref<5024x48xf32, #tpu.memory_space<vmem_shared>>)
    %dma_wait3A_75 = tpu.memref_slice %arg7[%mul3A_32] : memref<20736xi32, #tpu.memory_space<vmem>> -> memref<128xi32, #tpu.memory_space<vmem>>
    %dma_wait3A_76 = arith.constant 0 : i32
    %dma_wait3A_77 = arith.constant 0 : i32
    %dma_wait3A_78 = tpu.memref_slice %arg12[%dma_wait3A_76, %dma_wait3A_77] : memref<5024x48xf32, #tpu.memory_space<vmem_shared>> -> memref<5024x48xf32, #tpu.memory_space<vmem_shared>>
    tpu.wait_indirect_dma semaphore(%arg18 : memref<!tpu.dma_semaphore, #tpu.memory_space<semaphore_mem>>) src(%arg9 : memref<128x48xf32, #tpu.memory_space<vmem>>) dst(%dma_wait3A_78 : memref<5024x48xf32, #tpu.memory_space<vmem_shared>>)
    %dma_wait3A_79 = tpu.memref_slice %arg7[%mul3A_32] : memref<20736xi32, #tpu.memory_space<vmem>> -> memref<128xi32, #tpu.memory_space<vmem>>
    %dma_wait3A_80 = arith.constant 0 : i32
    %dma_wait3A_81 = arith.constant 0 : i32
    %dma_wait3A_82 = tpu.memref_slice %arg12[%dma_wait3A_80, %dma_wait3A_81] : memref<5024x48xf32, #tpu.memory_space<vmem_shared>> -> memref<5024x48xf32, #tpu.memory_space<vmem_shared>>
    tpu.wait_indirect_dma semaphore(%arg19 : memref<!tpu.dma_semaphore, #tpu.memory_space<semaphore_mem>>) src(%arg10 : memref<128x48xf32, #tpu.memory_space<vmem>>) dst(%dma_wait3A_82 : memref<5024x48xf32, #tpu.memory_space<vmem_shared>>)
    %dma_wait3A_83 = tpu.memref_slice %arg7[%mul3A_32] : memref<20736xi32, #tpu.memory_space<vmem>> -> memref<128xi32, #tpu.memory_space<vmem>>
    %dma_wait3A_84 = arith.constant 0 : i32
    %dma_wait3A_85 = arith.constant 0 : i32
    %dma_wait3A_86 = tpu.memref_slice %arg12[%dma_wait3A_84, %dma_wait3A_85] : memref<5024x48xf32, #tpu.memory_space<vmem_shared>> -> memref<5024x48xf32, #tpu.memory_space<vmem_shared>>
    tpu.wait_indirect_dma semaphore(%arg20 : memref<!tpu.dma_semaphore, #tpu.memory_space<semaphore_mem>>) src(%arg11 : memref<128x48xf32, #tpu.memory_space<vmem>>) dst(%dma_wait3A_86 : memref<5024x48xf32, #tpu.memory_space<vmem_shared>>)
    %barrier3A_87 = arith.constant 0 : index
    tpu.barrier barrier_id(%barrier3A_87)
    %mul3A_88 = arith.constant 320 : i32
    %mul3A_89 = arith.muli %arg1, %mul3A_88 : i32
    %sub3A_90 = arith.constant 320 : i32
    %sub3A_91 = arith.subi %select_n3A, %sub3A_90 : i32
    %min3A_92 = arith.minsi %mul3A_89, %sub3A_91 : i32
    %mul3A_93 = arith.constant 5008 : i32
    %mul3A_94 = arith.muli %arg0, %mul3A_93 : i32
    %add3A_95 = arith.addi %mul3A_94, %min3A_92 : i32
    "tpu.region"() ({
      %run_scoped3A = tpu.sem_alloc : memref<!tpu.dma_semaphore, #tpu.memory_space<semaphore_mem>>
      %dma_start3A_96 = arith.constant 0 : i32
      %dma_start3A_97 = tpu.memref_slice %arg5[%add3A_95, %dma_start3A_96] : memref<10000x48xf32, #tpu.memory_space<hbm>> -> memref<320x48xf32, #tpu.memory_space<hbm>>
      %dma_start3A_98 = arith.constant 0 : i32
      %dma_start3A_99 = tpu.memref_slice %arg12[%min3A_92, %dma_start3A_98] : memref<5024x48xf32, #tpu.memory_space<vmem_shared>> -> memref<320x48xf32, #tpu.memory_space<vmem_shared>>
      tpu.enqueue_dma source(%dma_start3A_99 : memref<320x48xf32, #tpu.memory_space<vmem_shared>>) target(%dma_start3A_97 : memref<320x48xf32, #tpu.memory_space<hbm>>) target_semaphore(%run_scoped3A : memref<!tpu.dma_semaphore, #tpu.memory_space<semaphore_mem>>)
      %dma_wait3A_100 = arith.constant 0 : i32
      %dma_wait3A_101 = tpu.memref_slice %arg5[%add3A_95, %dma_wait3A_100] : memref<10000x48xf32, #tpu.memory_space<hbm>> -> memref<320x48xf32, #tpu.memory_space<hbm>>
      %dma_wait3A_102 = arith.constant 0 : i32
      %dma_wait3A_103 = tpu.memref_slice %arg12[%min3A_92, %dma_wait3A_102] : memref<5024x48xf32, #tpu.memory_space<vmem_shared>> -> memref<320x48xf32, #tpu.memory_space<vmem_shared>>
      tpu.wait_dma2 semaphore(%run_scoped3A : memref<!tpu.dma_semaphore, #tpu.memory_space<semaphore_mem>>) src(%dma_wait3A_103 : memref<320x48xf32, #tpu.memory_space<vmem_shared>>) dst(%dma_wait3A_101 : memref<320x48xf32, #tpu.memory_space<hbm>>)
      tpu.yield
    }) : () -> ()
    return
  }
}

#map = affine_map<(d0, d1) -> (0)>
#map1 = affine_map<(d0, d1) -> (0, 0)>
#map2 = affine_map<(d0, d1) -> (0, 0, 0)>
module attributes {stable_mosaic.version = 14 : i64} {
  func.func @prep_kernel(%arg0: i32, %arg1: i32, %arg2: memref<327680xi32, #tpu.memory_space<hbm>>, %arg3: memref<327680xi32, #tpu.memory_space<hbm>>, %arg4: memref<10000x16xf32, #tpu.memory_space<hbm>>, %arg5: memref<2x16x20736xi32, #tpu.memory_space<hbm>>, %arg6: memref<2x16x20736xi32, #tpu.memory_space<hbm>>, %arg7: memref<20736xi32, #tpu.memory_space<vmem>>, %arg8: memref<20736xi32, #tpu.memory_space<vmem>>, %arg9: memref<128x16xf32, #tpu.memory_space<vmem>>, %arg10: memref<128x16xf32, #tpu.memory_space<vmem>>, %arg11: memref<5024x16xf32, #tpu.memory_space<vmem_shared>>) attributes {dimension_semantics = [#tpu.dimension_semantics<core_parallel>, #tpu.dimension_semantics<subcore_parallel>], iteration_bounds = array<i64: 2, 16>, scalar_prefetch = 0 : i64, scratch_operands = 5 : i64, tpu.core_type = #tpu.core_type<sc_vector_subcore>, window_params = [{transform_indices = #map}, {transform_indices = #map}, {transform_indices = #map1}, {transform_indices = #map2}, {transform_indices = #map2}]} {
    %scan3A = arith.constant 0 : i32
    %scan3A_0 = arith.constant 0 : i32
    %scan3A_1 = arith.constant 128 : i32
    %scan3A_2 = arith.addi %scan3A_0, %scan3A_1 : i32
    %scan3A_3 = arith.constant 1 : i32
    %scan3A_4 = scf.for %scan3A_195 = %scan3A_0 to %scan3A_2 step %scan3A_3 iter_args(%scan3A_196 = %scan3A) -> (i32)  : i32 {
      %broadcast_in_dim3A_197 = arith.constant 1.000000e+00 : f32
      %broadcast_in_dim3A_198 = vector.broadcast %broadcast_in_dim3A_197 : f32 to vector<16xf32>
      %swap3A_199 = arith.index_cast %scan3A_195 : i32 to index
      %swap3A_200 = arith.constant 0 : index
      %swap3A_201 = tpu.vector_load %arg9[%swap3A_199, %swap3A_200] {strides = array<i32>} : memref<128x16xf32, #tpu.memory_space<vmem>>, vector<16xf32>,
      tpu.vector_store %arg9[%swap3A_199, %swap3A_200], %broadcast_in_dim3A_198 {strides = array<i32>} : memref<128x16xf32, #tpu.memory_space<vmem>>, vector<16xf32>,
      %scan3A_202 = arith.constant 0 : i32
      scf.yield %scan3A_202 : i32
    }
    %scan3A_5 = arith.constant 128 : i32
    %scan3A_6 = arith.constant 0 : i32
    %scan3A_7 = arith.constant 0 : i32
    %scan3A_8 = arith.constant 128 : i32
    %scan3A_9 = arith.addi %scan3A_7, %scan3A_8 : i32
    %scan3A_10 = arith.constant 1 : i32
    %scan3A_11 = scf.for %scan3A_195 = %scan3A_7 to %scan3A_9 step %scan3A_10 iter_args(%scan3A_196 = %scan3A_6) -> (i32)  : i32 {
      %broadcast_in_dim3A_197 = arith.constant 0.000000e+00 : f32
      %broadcast_in_dim3A_198 = vector.broadcast %broadcast_in_dim3A_197 : f32 to vector<16xf32>
      %swap3A_199 = arith.index_cast %scan3A_195 : i32 to index
      %swap3A_200 = arith.constant 0 : index
      %swap3A_201 = tpu.vector_load %arg10[%swap3A_199, %swap3A_200] {strides = array<i32>} : memref<128x16xf32, #tpu.memory_space<vmem>>, vector<16xf32>,
      tpu.vector_store %arg10[%swap3A_199, %swap3A_200], %broadcast_in_dim3A_198 {strides = array<i32>} : memref<128x16xf32, #tpu.memory_space<vmem>>, vector<16xf32>,
      %scan3A_202 = arith.constant 0 : i32
      scf.yield %scan3A_202 : i32
    }
    %scan3A_12 = arith.constant 128 : i32
    %mul3A = arith.constant 320 : i32
    %mul3A_13 = arith.muli %arg1, %mul3A : i32
    %min3A = arith.constant 4704 : i32
    %min3A_14 = arith.minsi %mul3A_13, %min3A : i32
    %add3A = arith.constant 0 : i32
    %add3A_15 = arith.addi %min3A_14, %add3A : i32
    "tpu.region"() ({
      %run_scoped3A = tpu.sem_alloc : memref<!tpu.dma_semaphore, #tpu.memory_space<semaphore_mem>>
      %dma_start3A = arith.constant 0 : i32
      %dma_start3A_195 = arith.constant 0 : i32
      %dma_start3A_196 = tpu.memref_slice %arg10[%dma_start3A, %dma_start3A_195] : memref<128x16xf32, #tpu.memory_space<vmem>> -> memref<64x16xf32, #tpu.memory_space<vmem>>
      %dma_start3A_197 = arith.constant 0 : i32
      %dma_start3A_198 = tpu.memref_slice %arg11[%add3A_15, %dma_start3A_197] : memref<5024x16xf32, #tpu.memory_space<vmem_shared>> -> memref<64x16xf32, #tpu.memory_space<vmem_shared>>
      %dma_start3A_199 = arith.constant 0 : i32
      %dma_start3A_200 = tpu.memref_slice %arg11[%add3A_15, %dma_start3A_199] : memref<5024x16xf32, #tpu.memory_space<vmem_shared>> -> memref<64x16xf32, #tpu.memory_space<vmem_shared>>
      %dma_start3A_201 = arith.constant 0 : i32
      %dma_start3A_202 = arith.constant 0 : i32
      %dma_start3A_203 = tpu.memref_slice %arg10[%dma_start3A_201, %dma_start3A_202] : memref<128x16xf32, #tpu.memory_space<vmem>> -> memref<64x16xf32, #tpu.memory_space<vmem>>
      tpu.enqueue_dma source(%dma_start3A_203 : memref<64x16xf32, #tpu.memory_space<vmem>>) target(%dma_start3A_200 : memref<64x16xf32, #tpu.memory_space<vmem_shared>>) target_semaphore(%run_scoped3A : memref<!tpu.dma_semaphore, #tpu.memory_space<semaphore_mem>>)
      %dma_wait3A = arith.constant 0 : i32
      %dma_wait3A_204 = arith.constant 0 : i32
      %dma_wait3A_205 = tpu.memref_slice %arg10[%dma_wait3A, %dma_wait3A_204] : memref<128x16xf32, #tpu.memory_space<vmem>> -> memref<64x16xf32, #tpu.memory_space<vmem>>
      %dma_wait3A_206 = arith.constant 0 : i32
      %dma_wait3A_207 = tpu.memref_slice %arg11[%add3A_15, %dma_wait3A_206] : memref<5024x16xf32, #tpu.memory_space<vmem_shared>> -> memref<64x16xf32, #tpu.memory_space<vmem_shared>>
      %dma_wait3A_208 = arith.constant 0 : i32
      %dma_wait3A_209 = tpu.memref_slice %arg11[%add3A_15, %dma_wait3A_208] : memref<5024x16xf32, #tpu.memory_space<vmem_shared>> -> memref<64x16xf32, #tpu.memory_space<vmem_shared>>
      %dma_wait3A_210 = arith.constant 0 : i32
      %dma_wait3A_211 = arith.constant 0 : i32
      %dma_wait3A_212 = tpu.memref_slice %arg10[%dma_wait3A_210, %dma_wait3A_211] : memref<128x16xf32, #tpu.memory_space<vmem>> -> memref<64x16xf32, #tpu.memory_space<vmem>>
      tpu.wait_dma2 semaphore(%run_scoped3A : memref<!tpu.dma_semaphore, #tpu.memory_space<semaphore_mem>>) src(%dma_wait3A_212 : memref<64x16xf32, #tpu.memory_space<vmem>>) dst(%dma_wait3A_209 : memref<64x16xf32, #tpu.memory_space<vmem_shared>>)
      tpu.yield
    }) : () -> ()
    %add3A_16 = arith.constant 64 : i32
    %add3A_17 = arith.addi %min3A_14, %add3A_16 : i32
    "tpu.region"() ({
      %run_scoped3A = tpu.sem_alloc : memref<!tpu.dma_semaphore, #tpu.memory_space<semaphore_mem>>
      %dma_start3A = arith.constant 0 : i32
      %dma_start3A_195 = arith.constant 0 : i32
      %dma_start3A_196 = tpu.memref_slice %arg10[%dma_start3A, %dma_start3A_195] : memref<128x16xf32, #tpu.memory_space<vmem>> -> memref<64x16xf32, #tpu.memory_space<vmem>>
      %dma_start3A_197 = arith.constant 0 : i32
      %dma_start3A_198 = tpu.memref_slice %arg11[%add3A_17, %dma_start3A_197] : memref<5024x16xf32, #tpu.memory_space<vmem_shared>> -> memref<64x16xf32, #tpu.memory_space<vmem_shared>>
      %dma_start3A_199 = arith.constant 0 : i32
      %dma_start3A_200 = tpu.memref_slice %arg11[%add3A_17, %dma_start3A_199] : memref<5024x16xf32, #tpu.memory_space<vmem_shared>> -> memref<64x16xf32, #tpu.memory_space<vmem_shared>>
      %dma_start3A_201 = arith.constant 0 : i32
      %dma_start3A_202 = arith.constant 0 : i32
      %dma_start3A_203 = tpu.memref_slice %arg10[%dma_start3A_201, %dma_start3A_202] : memref<128x16xf32, #tpu.memory_space<vmem>> -> memref<64x16xf32, #tpu.memory_space<vmem>>
      tpu.enqueue_dma source(%dma_start3A_203 : memref<64x16xf32, #tpu.memory_space<vmem>>) target(%dma_start3A_200 : memref<64x16xf32, #tpu.memory_space<vmem_shared>>) target_semaphore(%run_scoped3A : memref<!tpu.dma_semaphore, #tpu.memory_space<semaphore_mem>>)
      %dma_wait3A = arith.constant 0 : i32
      %dma_wait3A_204 = arith.constant 0 : i32
      %dma_wait3A_205 = tpu.memref_slice %arg10[%dma_wait3A, %dma_wait3A_204] : memref<128x16xf32, #tpu.memory_space<vmem>> -> memref<64x16xf32, #tpu.memory_space<vmem>>
      %dma_wait3A_206 = arith.constant 0 : i32
      %dma_wait3A_207 = tpu.memref_slice %arg11[%add3A_17, %dma_wait3A_206] : memref<5024x16xf32, #tpu.memory_space<vmem_shared>> -> memref<64x16xf32, #tpu.memory_space<vmem_shared>>
      %dma_wait3A_208 = arith.constant 0 : i32
      %dma_wait3A_209 = tpu.memref_slice %arg11[%add3A_17, %dma_wait3A_208] : memref<5024x16xf32, #tpu.memory_space<vmem_shared>> -> memref<64x16xf32, #tpu.memory_space<vmem_shared>>
      %dma_wait3A_210 = arith.constant 0 : i32
      %dma_wait3A_211 = arith.constant 0 : i32
      %dma_wait3A_212 = tpu.memref_slice %arg10[%dma_wait3A_210, %dma_wait3A_211] : memref<128x16xf32, #tpu.memory_space<vmem>> -> memref<64x16xf32, #tpu.memory_space<vmem>>
      tpu.wait_dma2 semaphore(%run_scoped3A : memref<!tpu.dma_semaphore, #tpu.memory_space<semaphore_mem>>) src(%dma_wait3A_212 : memref<64x16xf32, #tpu.memory_space<vmem>>) dst(%dma_wait3A_209 : memref<64x16xf32, #tpu.memory_space<vmem_shared>>)
      tpu.yield
    }) : () -> ()
    %add3A_18 = arith.constant 128 : i32
    %add3A_19 = arith.addi %min3A_14, %add3A_18 : i32
    "tpu.region"() ({
      %run_scoped3A = tpu.sem_alloc : memref<!tpu.dma_semaphore, #tpu.memory_space<semaphore_mem>>
      %dma_start3A = arith.constant 0 : i32
      %dma_start3A_195 = arith.constant 0 : i32
      %dma_start3A_196 = tpu.memref_slice %arg10[%dma_start3A, %dma_start3A_195] : memref<128x16xf32, #tpu.memory_space<vmem>> -> memref<64x16xf32, #tpu.memory_space<vmem>>
      %dma_start3A_197 = arith.constant 0 : i32
      %dma_start3A_198 = tpu.memref_slice %arg11[%add3A_19, %dma_start3A_197] : memref<5024x16xf32, #tpu.memory_space<vmem_shared>> -> memref<64x16xf32, #tpu.memory_space<vmem_shared>>
      %dma_start3A_199 = arith.constant 0 : i32
      %dma_start3A_200 = tpu.memref_slice %arg11[%add3A_19, %dma_start3A_199] : memref<5024x16xf32, #tpu.memory_space<vmem_shared>> -> memref<64x16xf32, #tpu.memory_space<vmem_shared>>
      %dma_start3A_201 = arith.constant 0 : i32
      %dma_start3A_202 = arith.constant 0 : i32
      %dma_start3A_203 = tpu.memref_slice %arg10[%dma_start3A_201, %dma_start3A_202] : memref<128x16xf32, #tpu.memory_space<vmem>> -> memref<64x16xf32, #tpu.memory_space<vmem>>
      tpu.enqueue_dma source(%dma_start3A_203 : memref<64x16xf32, #tpu.memory_space<vmem>>) target(%dma_start3A_200 : memref<64x16xf32, #tpu.memory_space<vmem_shared>>) target_semaphore(%run_scoped3A : memref<!tpu.dma_semaphore, #tpu.memory_space<semaphore_mem>>)
      %dma_wait3A = arith.constant 0 : i32
      %dma_wait3A_204 = arith.constant 0 : i32
      %dma_wait3A_205 = tpu.memref_slice %arg10[%dma_wait3A, %dma_wait3A_204] : memref<128x16xf32, #tpu.memory_space<vmem>> -> memref<64x16xf32, #tpu.memory_space<vmem>>
      %dma_wait3A_206 = arith.constant 0 : i32
      %dma_wait3A_207 = tpu.memref_slice %arg11[%add3A_19, %dma_wait3A_206] : memref<5024x16xf32, #tpu.memory_space<vmem_shared>> -> memref<64x16xf32, #tpu.memory_space<vmem_shared>>
      %dma_wait3A_208 = arith.constant 0 : i32
      %dma_wait3A_209 = tpu.memref_slice %arg11[%add3A_19, %dma_wait3A_208] : memref<5024x16xf32, #tpu.memory_space<vmem_shared>> -> memref<64x16xf32, #tpu.memory_space<vmem_shared>>
      %dma_wait3A_210 = arith.constant 0 : i32
      %dma_wait3A_211 = arith.constant 0 : i32
      %dma_wait3A_212 = tpu.memref_slice %arg10[%dma_wait3A_210, %dma_wait3A_211] : memref<128x16xf32, #tpu.memory_space<vmem>> -> memref<64x16xf32, #tpu.memory_space<vmem>>
      tpu.wait_dma2 semaphore(%run_scoped3A : memref<!tpu.dma_semaphore, #tpu.memory_space<semaphore_mem>>) src(%dma_wait3A_212 : memref<64x16xf32, #tpu.memory_space<vmem>>) dst(%dma_wait3A_209 : memref<64x16xf32, #tpu.memory_space<vmem_shared>>)
      tpu.yield
    }) : () -> ()
    %add3A_20 = arith.constant 192 : i32
    %add3A_21 = arith.addi %min3A_14, %add3A_20 : i32
    "tpu.region"() ({
      %run_scoped3A = tpu.sem_alloc : memref<!tpu.dma_semaphore, #tpu.memory_space<semaphore_mem>>
      %dma_start3A = arith.constant 0 : i32
      %dma_start3A_195 = arith.constant 0 : i32
      %dma_start3A_196 = tpu.memref_slice %arg10[%dma_start3A, %dma_start3A_195] : memref<128x16xf32, #tpu.memory_space<vmem>> -> memref<64x16xf32, #tpu.memory_space<vmem>>
      %dma_start3A_197 = arith.constant 0 : i32
      %dma_start3A_198 = tpu.memref_slice %arg11[%add3A_21, %dma_start3A_197] : memref<5024x16xf32, #tpu.memory_space<vmem_shared>> -> memref<64x16xf32, #tpu.memory_space<vmem_shared>>
      %dma_start3A_199 = arith.constant 0 : i32
      %dma_start3A_200 = tpu.memref_slice %arg11[%add3A_21, %dma_start3A_199] : memref<5024x16xf32, #tpu.memory_space<vmem_shared>> -> memref<64x16xf32, #tpu.memory_space<vmem_shared>>
      %dma_start3A_201 = arith.constant 0 : i32
      %dma_start3A_202 = arith.constant 0 : i32
      %dma_start3A_203 = tpu.memref_slice %arg10[%dma_start3A_201, %dma_start3A_202] : memref<128x16xf32, #tpu.memory_space<vmem>> -> memref<64x16xf32, #tpu.memory_space<vmem>>
      tpu.enqueue_dma source(%dma_start3A_203 : memref<64x16xf32, #tpu.memory_space<vmem>>) target(%dma_start3A_200 : memref<64x16xf32, #tpu.memory_space<vmem_shared>>) target_semaphore(%run_scoped3A : memref<!tpu.dma_semaphore, #tpu.memory_space<semaphore_mem>>)
      %dma_wait3A = arith.constant 0 : i32
      %dma_wait3A_204 = arith.constant 0 : i32
      %dma_wait3A_205 = tpu.memref_slice %arg10[%dma_wait3A, %dma_wait3A_204] : memref<128x16xf32, #tpu.memory_space<vmem>> -> memref<64x16xf32, #tpu.memory_space<vmem>>
      %dma_wait3A_206 = arith.constant 0 : i32
      %dma_wait3A_207 = tpu.memref_slice %arg11[%add3A_21, %dma_wait3A_206] : memref<5024x16xf32, #tpu.memory_space<vmem_shared>> -> memref<64x16xf32, #tpu.memory_space<vmem_shared>>
      %dma_wait3A_208 = arith.constant 0 : i32
      %dma_wait3A_209 = tpu.memref_slice %arg11[%add3A_21, %dma_wait3A_208] : memref<5024x16xf32, #tpu.memory_space<vmem_shared>> -> memref<64x16xf32, #tpu.memory_space<vmem_shared>>
      %dma_wait3A_210 = arith.constant 0 : i32
      %dma_wait3A_211 = arith.constant 0 : i32
      %dma_wait3A_212 = tpu.memref_slice %arg10[%dma_wait3A_210, %dma_wait3A_211] : memref<128x16xf32, #tpu.memory_space<vmem>> -> memref<64x16xf32, #tpu.memory_space<vmem>>
      tpu.wait_dma2 semaphore(%run_scoped3A : memref<!tpu.dma_semaphore, #tpu.memory_space<semaphore_mem>>) src(%dma_wait3A_212 : memref<64x16xf32, #tpu.memory_space<vmem>>) dst(%dma_wait3A_209 : memref<64x16xf32, #tpu.memory_space<vmem_shared>>)
      tpu.yield
    }) : () -> ()
    %add3A_22 = arith.constant 256 : i32
    %add3A_23 = arith.addi %min3A_14, %add3A_22 : i32
    "tpu.region"() ({
      %run_scoped3A = tpu.sem_alloc : memref<!tpu.dma_semaphore, #tpu.memory_space<semaphore_mem>>
      %dma_start3A = arith.constant 0 : i32
      %dma_start3A_195 = arith.constant 0 : i32
      %dma_start3A_196 = tpu.memref_slice %arg10[%dma_start3A, %dma_start3A_195] : memref<128x16xf32, #tpu.memory_space<vmem>> -> memref<64x16xf32, #tpu.memory_space<vmem>>
      %dma_start3A_197 = arith.constant 0 : i32
      %dma_start3A_198 = tpu.memref_slice %arg11[%add3A_23, %dma_start3A_197] : memref<5024x16xf32, #tpu.memory_space<vmem_shared>> -> memref<64x16xf32, #tpu.memory_space<vmem_shared>>
      %dma_start3A_199 = arith.constant 0 : i32
      %dma_start3A_200 = tpu.memref_slice %arg11[%add3A_23, %dma_start3A_199] : memref<5024x16xf32, #tpu.memory_space<vmem_shared>> -> memref<64x16xf32, #tpu.memory_space<vmem_shared>>
      %dma_start3A_201 = arith.constant 0 : i32
      %dma_start3A_202 = arith.constant 0 : i32
      %dma_start3A_203 = tpu.memref_slice %arg10[%dma_start3A_201, %dma_start3A_202] : memref<128x16xf32, #tpu.memory_space<vmem>> -> memref<64x16xf32, #tpu.memory_space<vmem>>
      tpu.enqueue_dma source(%dma_start3A_203 : memref<64x16xf32, #tpu.memory_space<vmem>>) target(%dma_start3A_200 : memref<64x16xf32, #tpu.memory_space<vmem_shared>>) target_semaphore(%run_scoped3A : memref<!tpu.dma_semaphore, #tpu.memory_space<semaphore_mem>>)
      %dma_wait3A = arith.constant 0 : i32
      %dma_wait3A_204 = arith.constant 0 : i32
      %dma_wait3A_205 = tpu.memref_slice %arg10[%dma_wait3A, %dma_wait3A_204] : memref<128x16xf32, #tpu.memory_space<vmem>> -> memref<64x16xf32, #tpu.memory_space<vmem>>
      %dma_wait3A_206 = arith.constant 0 : i32
      %dma_wait3A_207 = tpu.memref_slice %arg11[%add3A_23, %dma_wait3A_206] : memref<5024x16xf32, #tpu.memory_space<vmem_shared>> -> memref<64x16xf32, #tpu.memory_space<vmem_shared>>
      %dma_wait3A_208 = arith.constant 0 : i32
      %dma_wait3A_209 = tpu.memref_slice %arg11[%add3A_23, %dma_wait3A_208] : memref<5024x16xf32, #tpu.memory_space<vmem_shared>> -> memref<64x16xf32, #tpu.memory_space<vmem_shared>>
      %dma_wait3A_210 = arith.constant 0 : i32
      %dma_wait3A_211 = arith.constant 0 : i32
      %dma_wait3A_212 = tpu.memref_slice %arg10[%dma_wait3A_210, %dma_wait3A_211] : memref<128x16xf32, #tpu.memory_space<vmem>> -> memref<64x16xf32, #tpu.memory_space<vmem>>
      tpu.wait_dma2 semaphore(%run_scoped3A : memref<!tpu.dma_semaphore, #tpu.memory_space<semaphore_mem>>) src(%dma_wait3A_212 : memref<64x16xf32, #tpu.memory_space<vmem>>) dst(%dma_wait3A_209 : memref<64x16xf32, #tpu.memory_space<vmem_shared>>)
      tpu.yield
    }) : () -> ()
    %mul3A_24 = arith.constant 20480 : i32
    %mul3A_25 = arith.muli %arg1, %mul3A_24 : i32
    "tpu.region"() ({
      %run_scoped3A = tpu.sem_alloc : memref<!tpu.dma_semaphore, #tpu.memory_space<semaphore_mem>>
      %dma_start3A = arith.constant 0 : i32
      %dma_start3A_195 = tpu.memref_slice %arg7[%dma_start3A] : memref<20736xi32, #tpu.memory_space<vmem>> -> memref<20480xi32, #tpu.memory_space<vmem>>
      %dma_start3A_196 = tpu.memref_slice %arg2[%mul3A_25] : memref<327680xi32, #tpu.memory_space<hbm>> -> memref<20480xi32, #tpu.memory_space<hbm>>
      %dma_start3A_197 = arith.constant 0 : i32
      %dma_start3A_198 = tpu.memref_slice %arg7[%dma_start3A_197] : memref<20736xi32, #tpu.memory_space<vmem>> -> memref<20480xi32, #tpu.memory_space<vmem>>
      %dma_start3A_199 = tpu.memref_slice %arg2[%mul3A_25] : memref<327680xi32, #tpu.memory_space<hbm>> -> memref<20480xi32, #tpu.memory_space<hbm>>
      tpu.enqueue_dma source(%dma_start3A_199 : memref<20480xi32, #tpu.memory_space<hbm>>) target(%dma_start3A_198 : memref<20480xi32, #tpu.memory_space<vmem>>) target_semaphore(%run_scoped3A : memref<!tpu.dma_semaphore, #tpu.memory_space<semaphore_mem>>)
      %dma_wait3A = arith.constant 0 : i32
      %dma_wait3A_200 = tpu.memref_slice %arg7[%dma_wait3A] : memref<20736xi32, #tpu.memory_space<vmem>> -> memref<20480xi32, #tpu.memory_space<vmem>>
      %dma_wait3A_201 = tpu.memref_slice %arg2[%mul3A_25] : memref<327680xi32, #tpu.memory_space<hbm>> -> memref<20480xi32, #tpu.memory_space<hbm>>
      %dma_wait3A_202 = arith.constant 0 : i32
      %dma_wait3A_203 = tpu.memref_slice %arg7[%dma_wait3A_202] : memref<20736xi32, #tpu.memory_space<vmem>> -> memref<20480xi32, #tpu.memory_space<vmem>>
      %dma_wait3A_204 = tpu.memref_slice %arg2[%mul3A_25] : memref<327680xi32, #tpu.memory_space<hbm>> -> memref<20480xi32, #tpu.memory_space<hbm>>
      tpu.wait_dma2 semaphore(%run_scoped3A : memref<!tpu.dma_semaphore, #tpu.memory_space<semaphore_mem>>) src(%dma_wait3A_204 : memref<20480xi32, #tpu.memory_space<hbm>>) dst(%dma_wait3A_203 : memref<20480xi32, #tpu.memory_space<vmem>>)
      tpu.yield
    }) : () -> ()
    "tpu.region"() ({
      %run_scoped3A = tpu.sem_alloc : memref<!tpu.dma_semaphore, #tpu.memory_space<semaphore_mem>>
      %dma_start3A = arith.constant 0 : i32
      %dma_start3A_195 = tpu.memref_slice %arg8[%dma_start3A] : memref<20736xi32, #tpu.memory_space<vmem>> -> memref<20480xi32, #tpu.memory_space<vmem>>
      %dma_start3A_196 = tpu.memref_slice %arg3[%mul3A_25] : memref<327680xi32, #tpu.memory_space<hbm>> -> memref<20480xi32, #tpu.memory_space<hbm>>
      %dma_start3A_197 = arith.constant 0 : i32
      %dma_start3A_198 = tpu.memref_slice %arg8[%dma_start3A_197] : memref<20736xi32, #tpu.memory_space<vmem>> -> memref<20480xi32, #tpu.memory_space<vmem>>
      %dma_start3A_199 = tpu.memref_slice %arg3[%mul3A_25] : memref<327680xi32, #tpu.memory_space<hbm>> -> memref<20480xi32, #tpu.memory_space<hbm>>
      tpu.enqueue_dma source(%dma_start3A_199 : memref<20480xi32, #tpu.memory_space<hbm>>) target(%dma_start3A_198 : memref<20480xi32, #tpu.memory_space<vmem>>) target_semaphore(%run_scoped3A : memref<!tpu.dma_semaphore, #tpu.memory_space<semaphore_mem>>)
      %dma_wait3A = arith.constant 0 : i32
      %dma_wait3A_200 = tpu.memref_slice %arg8[%dma_wait3A] : memref<20736xi32, #tpu.memory_space<vmem>> -> memref<20480xi32, #tpu.memory_space<vmem>>
      %dma_wait3A_201 = tpu.memref_slice %arg3[%mul3A_25] : memref<327680xi32, #tpu.memory_space<hbm>> -> memref<20480xi32, #tpu.memory_space<hbm>>
      %dma_wait3A_202 = arith.constant 0 : i32
      %dma_wait3A_203 = tpu.memref_slice %arg8[%dma_wait3A_202] : memref<20736xi32, #tpu.memory_space<vmem>> -> memref<20480xi32, #tpu.memory_space<vmem>>
      %dma_wait3A_204 = tpu.memref_slice %arg3[%mul3A_25] : memref<327680xi32, #tpu.memory_space<hbm>> -> memref<20480xi32, #tpu.memory_space<hbm>>
      tpu.wait_dma2 semaphore(%run_scoped3A : memref<!tpu.dma_semaphore, #tpu.memory_space<semaphore_mem>>) src(%dma_wait3A_204 : memref<20480xi32, #tpu.memory_space<hbm>>) dst(%dma_wait3A_203 : memref<20480xi32, #tpu.memory_space<vmem>>)
      tpu.yield
    }) : () -> ()
    %mul3A_26 = arith.constant 5008 : i32
    %mul3A_27 = arith.muli %arg0, %mul3A_26 : i32
    %eq3A = arith.constant 0 : i32
    %eq3A_28 = arith.cmpi eq, %arg0, %eq3A : i32
    %jit3A = arith.constant 5008 : i32
    %jit3A_29 = arith.constant 4992 : i32
    %select_n3A = arith.select %eq3A_28, %jit3A, %jit3A_29 : i32
    %iota3A = tpu.iota {dimensions = array<i32: 0>} : vector<16xi32>
    %add3A_30 = arith.constant 5008 : i32
    %add3A_31 = vector.broadcast %add3A_30 : i32 to vector<16xi32>
    %add3A_32 = arith.addi %add3A_31, %iota3A : vector<16xi32>
    %iota3A_33 = tpu.iota {dimensions = array<i32: 0>} : vector<16xi32>
    %add3A_34 = arith.constant 20624 : i32
    %add3A_35 = vector.broadcast %add3A_34 : i32 to vector<16xi32>
    %add3A_36 = arith.addi %add3A_35, %iota3A_33 : vector<16xi32>
    %scan3A_37 = arith.constant 0 : i32
    %scan3A_38 = arith.constant 0 : i32
    %scan3A_39 = arith.constant 1280 : i32
    %scan3A_40 = arith.addi %scan3A_38, %scan3A_39 : i32
    %scan3A_41 = arith.constant 1 : i32
    %scan3A_42 = scf.for %scan3A_195 = %scan3A_38 to %scan3A_40 step %scan3A_41 iter_args(%scan3A_196 = %scan3A_37) -> (i32)  : i32 {
      %mul3A_197 = arith.constant 16 : i32
      %mul3A_198 = arith.muli %scan3A_195, %mul3A_197 : i32
      %get3A = arith.index_cast %mul3A_198 : i32 to index
      %get3A_199 = tpu.vector_load %arg8[%get3A] {strides = array<i32>} : memref<20736xi32, #tpu.memory_space<vmem>>, vector<16xi32>,
      %mul3A_200 = arith.constant 16 : i32
      %mul3A_201 = arith.muli %scan3A_195, %mul3A_200 : i32
      %get3A_202 = arith.index_cast %mul3A_201 : i32 to index
      %get3A_203 = tpu.vector_load %arg7[%get3A_202] {strides = array<i32>} : memref<20736xi32, #tpu.memory_space<vmem>>, vector<16xi32>,
      %sub3A_204 = vector.broadcast %mul3A_27 : i32 to vector<16xi32>
      %sub3A_205 = arith.subi %get3A_199, %sub3A_204 : vector<16xi32>
      %ge3A = arith.constant 0 : i32
      %ge3A_206 = vector.broadcast %ge3A : i32 to vector<16xi32>
      %ge3A_207 = arith.cmpi sge, %sub3A_205, %ge3A_206 : vector<16xi32>
      %lt3A = vector.broadcast %select_n3A : i32 to vector<16xi32>
      %lt3A_208 = arith.cmpi slt, %sub3A_205, %lt3A : vector<16xi32>
      %and3A = arith.andi %ge3A_207, %lt3A_208 : vector<16xi1>
      %convert_element_type3A = arith.extui %and3A : vector<16xi1> to vector<16xi32>
      %broadcast_in_dim3A_209 = arith.constant true
      %broadcast_in_dim3A_210 = vector.broadcast %broadcast_in_dim3A_209 : i1 to vector<16xi1>
      %masked_cumsum3A = tpu.scan <sum>, %convert_element_type3A masked %broadcast_in_dim3A_210 : vector<16xi32>, vector<16xi1> -> vector<16xi32>
      %add3A_211 = vector.broadcast %scan3A_196 : i32 to vector<16xi32>
      %add3A_212 = arith.addi %add3A_211, %masked_cumsum3A : vector<16xi32>
      %sub3A_213 = arith.constant 1 : i32
      %sub3A_214 = vector.broadcast %sub3A_213 : i32 to vector<16xi32>
      %sub3A_215 = arith.subi %add3A_212, %sub3A_214 : vector<16xi32>
      %select_n3A_216 = arith.select %and3A, %sub3A_215, %add3A_36 : vector<16xi1>, vector<16xi32>
      tpu.vector_store_idx %arg8[%select_n3A_216], %sub3A_205 : memref<20736xi32, #tpu.memory_space<vmem>>[vector<16xi32>], vector<16xi32>,
      tpu.vector_store_idx %arg7[%select_n3A_216], %get3A_203 : memref<20736xi32, #tpu.memory_space<vmem>>[vector<16xi32>], vector<16xi32>,
      %slice3A = vector.extract_strided_slice %masked_cumsum3A {offsets = [15], sizes = [1], strides = [1]} : vector<16xi32> to vector<1xi32>
      %squeeze3A = vector.extract %slice3A[0] : i32 from vector<1xi32>
      %add3A_217 = arith.addi %scan3A_196, %squeeze3A : i32
      scf.yield %add3A_217 : i32
    }
    %scan3A_43 = arith.constant 1280 : i32
    %add3A_44 = arith.constant 0 : i32
    %add3A_45 = arith.addi %scan3A_42, %add3A_44 : i32
    %swap3A = arith.index_cast %add3A_45 : i32 to index
    %swap3A_46 = tpu.vector_load %arg8[%swap3A] {strides = array<i32>} : memref<20736xi32, #tpu.memory_space<vmem>>, vector<16xi32>,
    tpu.vector_store %arg8[%swap3A], %add3A_32 {strides = array<i32>} : memref<20736xi32, #tpu.memory_space<vmem>>, vector<16xi32>,
    %broadcast_in_dim3A = arith.constant 0 : i32
    %broadcast_in_dim3A_47 = vector.broadcast %broadcast_in_dim3A : i32 to vector<16xi32>
    %add3A_48 = arith.constant 0 : i32
    %add3A_49 = arith.addi %scan3A_42, %add3A_48 : i32
    %swap3A_50 = arith.index_cast %add3A_49 : i32 to index
    %swap3A_51 = tpu.vector_load %arg7[%swap3A_50] {strides = array<i32>} : memref<20736xi32, #tpu.memory_space<vmem>>, vector<16xi32>,
    tpu.vector_store %arg7[%swap3A_50], %broadcast_in_dim3A_47 {strides = array<i32>} : memref<20736xi32, #tpu.memory_space<vmem>>, vector<16xi32>,
    %add3A_52 = arith.constant 16 : i32
    %add3A_53 = arith.addi %scan3A_42, %add3A_52 : i32
    %swap3A_54 = arith.index_cast %add3A_53 : i32 to index
    %swap3A_55 = tpu.vector_load %arg8[%swap3A_54] {strides = array<i32>} : memref<20736xi32, #tpu.memory_space<vmem>>, vector<16xi32>,
    tpu.vector_store %arg8[%swap3A_54], %add3A_32 {strides = array<i32>} : memref<20736xi32, #tpu.memory_space<vmem>>, vector<16xi32>,
    %broadcast_in_dim3A_56 = arith.constant 0 : i32
    %broadcast_in_dim3A_57 = vector.broadcast %broadcast_in_dim3A_56 : i32 to vector<16xi32>
    %add3A_58 = arith.constant 16 : i32
    %add3A_59 = arith.addi %scan3A_42, %add3A_58 : i32
    %swap3A_60 = arith.index_cast %add3A_59 : i32 to index
    %swap3A_61 = tpu.vector_load %arg7[%swap3A_60] {strides = array<i32>} : memref<20736xi32, #tpu.memory_space<vmem>>, vector<16xi32>,
    tpu.vector_store %arg7[%swap3A_60], %broadcast_in_dim3A_57 {strides = array<i32>} : memref<20736xi32, #tpu.memory_space<vmem>>, vector<16xi32>,
    %add3A_62 = arith.constant 32 : i32
    %add3A_63 = arith.addi %scan3A_42, %add3A_62 : i32
    %swap3A_64 = arith.index_cast %add3A_63 : i32 to index
    %swap3A_65 = tpu.vector_load %arg8[%swap3A_64] {strides = array<i32>} : memref<20736xi32, #tpu.memory_space<vmem>>, vector<16xi32>,
    tpu.vector_store %arg8[%swap3A_64], %add3A_32 {strides = array<i32>} : memref<20736xi32, #tpu.memory_space<vmem>>, vector<16xi32>,
    %broadcast_in_dim3A_66 = arith.constant 0 : i32
    %broadcast_in_dim3A_67 = vector.broadcast %broadcast_in_dim3A_66 : i32 to vector<16xi32>
    %add3A_68 = arith.constant 32 : i32
    %add3A_69 = arith.addi %scan3A_42, %add3A_68 : i32
    %swap3A_70 = arith.index_cast %add3A_69 : i32 to index
    %swap3A_71 = tpu.vector_load %arg7[%swap3A_70] {strides = array<i32>} : memref<20736xi32, #tpu.memory_space<vmem>>, vector<16xi32>,
    tpu.vector_store %arg7[%swap3A_70], %broadcast_in_dim3A_67 {strides = array<i32>} : memref<20736xi32, #tpu.memory_space<vmem>>, vector<16xi32>,
    %add3A_72 = arith.constant 48 : i32
    %add3A_73 = arith.addi %scan3A_42, %add3A_72 : i32
    %swap3A_74 = arith.index_cast %add3A_73 : i32 to index
    %swap3A_75 = tpu.vector_load %arg8[%swap3A_74] {strides = array<i32>} : memref<20736xi32, #tpu.memory_space<vmem>>, vector<16xi32>,
    tpu.vector_store %arg8[%swap3A_74], %add3A_32 {strides = array<i32>} : memref<20736xi32, #tpu.memory_space<vmem>>, vector<16xi32>,
    %broadcast_in_dim3A_76 = arith.constant 0 : i32
    %broadcast_in_dim3A_77 = vector.broadcast %broadcast_in_dim3A_76 : i32 to vector<16xi32>
    %add3A_78 = arith.constant 48 : i32
    %add3A_79 = arith.addi %scan3A_42, %add3A_78 : i32
    %swap3A_80 = arith.index_cast %add3A_79 : i32 to index
    %swap3A_81 = tpu.vector_load %arg7[%swap3A_80] {strides = array<i32>} : memref<20736xi32, #tpu.memory_space<vmem>>, vector<16xi32>,
    tpu.vector_store %arg7[%swap3A_80], %broadcast_in_dim3A_77 {strides = array<i32>} : memref<20736xi32, #tpu.memory_space<vmem>>, vector<16xi32>,
    %add3A_82 = arith.constant 64 : i32
    %add3A_83 = arith.addi %scan3A_42, %add3A_82 : i32
    %swap3A_84 = arith.index_cast %add3A_83 : i32 to index
    %swap3A_85 = tpu.vector_load %arg8[%swap3A_84] {strides = array<i32>} : memref<20736xi32, #tpu.memory_space<vmem>>, vector<16xi32>,
    tpu.vector_store %arg8[%swap3A_84], %add3A_32 {strides = array<i32>} : memref<20736xi32, #tpu.memory_space<vmem>>, vector<16xi32>,
    %broadcast_in_dim3A_86 = arith.constant 0 : i32
    %broadcast_in_dim3A_87 = vector.broadcast %broadcast_in_dim3A_86 : i32 to vector<16xi32>
    %add3A_88 = arith.constant 64 : i32
    %add3A_89 = arith.addi %scan3A_42, %add3A_88 : i32
    %swap3A_90 = arith.index_cast %add3A_89 : i32 to index
    %swap3A_91 = tpu.vector_load %arg7[%swap3A_90] {strides = array<i32>} : memref<20736xi32, #tpu.memory_space<vmem>>, vector<16xi32>,
    tpu.vector_store %arg7[%swap3A_90], %broadcast_in_dim3A_87 {strides = array<i32>} : memref<20736xi32, #tpu.memory_space<vmem>>, vector<16xi32>,
    %add3A_92 = arith.constant 80 : i32
    %add3A_93 = arith.addi %scan3A_42, %add3A_92 : i32
    %swap3A_94 = arith.index_cast %add3A_93 : i32 to index
    %swap3A_95 = tpu.vector_load %arg8[%swap3A_94] {strides = array<i32>} : memref<20736xi32, #tpu.memory_space<vmem>>, vector<16xi32>,
    tpu.vector_store %arg8[%swap3A_94], %add3A_32 {strides = array<i32>} : memref<20736xi32, #tpu.memory_space<vmem>>, vector<16xi32>,
    %broadcast_in_dim3A_96 = arith.constant 0 : i32
    %broadcast_in_dim3A_97 = vector.broadcast %broadcast_in_dim3A_96 : i32 to vector<16xi32>
    %add3A_98 = arith.constant 80 : i32
    %add3A_99 = arith.addi %scan3A_42, %add3A_98 : i32
    %swap3A_100 = arith.index_cast %add3A_99 : i32 to index
    %swap3A_101 = tpu.vector_load %arg7[%swap3A_100] {strides = array<i32>} : memref<20736xi32, #tpu.memory_space<vmem>>, vector<16xi32>,
    tpu.vector_store %arg7[%swap3A_100], %broadcast_in_dim3A_97 {strides = array<i32>} : memref<20736xi32, #tpu.memory_space<vmem>>, vector<16xi32>,
    %add3A_102 = arith.constant 96 : i32
    %add3A_103 = arith.addi %scan3A_42, %add3A_102 : i32
    %swap3A_104 = arith.index_cast %add3A_103 : i32 to index
    %swap3A_105 = tpu.vector_load %arg8[%swap3A_104] {strides = array<i32>} : memref<20736xi32, #tpu.memory_space<vmem>>, vector<16xi32>,
    tpu.vector_store %arg8[%swap3A_104], %add3A_32 {strides = array<i32>} : memref<20736xi32, #tpu.memory_space<vmem>>, vector<16xi32>,
    %broadcast_in_dim3A_106 = arith.constant 0 : i32
    %broadcast_in_dim3A_107 = vector.broadcast %broadcast_in_dim3A_106 : i32 to vector<16xi32>
    %add3A_108 = arith.constant 96 : i32
    %add3A_109 = arith.addi %scan3A_42, %add3A_108 : i32
    %swap3A_110 = arith.index_cast %add3A_109 : i32 to index
    %swap3A_111 = tpu.vector_load %arg7[%swap3A_110] {strides = array<i32>} : memref<20736xi32, #tpu.memory_space<vmem>>, vector<16xi32>,
    tpu.vector_store %arg7[%swap3A_110], %broadcast_in_dim3A_107 {strides = array<i32>} : memref<20736xi32, #tpu.memory_space<vmem>>, vector<16xi32>,
    %add3A_112 = arith.constant 112 : i32
    %add3A_113 = arith.addi %scan3A_42, %add3A_112 : i32
    %swap3A_114 = arith.index_cast %add3A_113 : i32 to index
    %swap3A_115 = tpu.vector_load %arg8[%swap3A_114] {strides = array<i32>} : memref<20736xi32, #tpu.memory_space<vmem>>, vector<16xi32>,
    tpu.vector_store %arg8[%swap3A_114], %add3A_32 {strides = array<i32>} : memref<20736xi32, #tpu.memory_space<vmem>>, vector<16xi32>,
    %broadcast_in_dim3A_116 = arith.constant 0 : i32
    %broadcast_in_dim3A_117 = vector.broadcast %broadcast_in_dim3A_116 : i32 to vector<16xi32>
    %add3A_118 = arith.constant 112 : i32
    %add3A_119 = arith.addi %scan3A_42, %add3A_118 : i32
    %swap3A_120 = arith.index_cast %add3A_119 : i32 to index
    %swap3A_121 = tpu.vector_load %arg7[%swap3A_120] {strides = array<i32>} : memref<20736xi32, #tpu.memory_space<vmem>>, vector<16xi32>,
    tpu.vector_store %arg7[%swap3A_120], %broadcast_in_dim3A_117 {strides = array<i32>} : memref<20736xi32, #tpu.memory_space<vmem>>, vector<16xi32>,
    %add3A_122 = arith.constant 128 : i32
    %add3A_123 = arith.addi %scan3A_42, %add3A_122 : i32
    %sub3A = arith.constant 1 : i32
    %sub3A_124 = arith.subi %add3A_123, %sub3A : i32
    %shift_right_arithmetic3A = arith.constant 7 : i32
    %shift_right_arithmetic3A_125 = arith.shrsi %sub3A_124, %shift_right_arithmetic3A : i32
    %mul3A_126 = arith.constant 128 : i32
    %mul3A_127 = arith.muli %shift_right_arithmetic3A_125, %mul3A_126 : i32
    %add3A_128 = arith.constant 0 : i32
    %add3A_129 = arith.addi %mul3A_127, %add3A_128 : i32
    %swap3A_130 = arith.index_cast %add3A_129 : i32 to index
    %swap3A_131 = tpu.vector_load %arg8[%swap3A_130] {strides = array<i32>} : memref<20736xi32, #tpu.memory_space<vmem>>, vector<16xi32>,
    tpu.vector_store %arg8[%swap3A_130], %add3A_32 {strides = array<i32>} : memref<20736xi32, #tpu.memory_space<vmem>>, vector<16xi32>,
    %mul3A_132 = arith.constant 128 : i32
    %mul3A_133 = arith.muli %shift_right_arithmetic3A_125, %mul3A_132 : i32
    %add3A_134 = arith.constant 16 : i32
    %add3A_135 = arith.addi %mul3A_133, %add3A_134 : i32
    %swap3A_136 = arith.index_cast %add3A_135 : i32 to index
    %swap3A_137 = tpu.vector_load %arg8[%swap3A_136] {strides = array<i32>} : memref<20736xi32, #tpu.memory_space<vmem>>, vector<16xi32>,
    tpu.vector_store %arg8[%swap3A_136], %add3A_32 {strides = array<i32>} : memref<20736xi32, #tpu.memory_space<vmem>>, vector<16xi32>,
    %mul3A_138 = arith.constant 128 : i32
    %mul3A_139 = arith.muli %shift_right_arithmetic3A_125, %mul3A_138 : i32
    %add3A_140 = arith.constant 32 : i32
    %add3A_141 = arith.addi %mul3A_139, %add3A_140 : i32
    %swap3A_142 = arith.index_cast %add3A_141 : i32 to index
    %swap3A_143 = tpu.vector_load %arg8[%swap3A_142] {strides = array<i32>} : memref<20736xi32, #tpu.memory_space<vmem>>, vector<16xi32>,
    tpu.vector_store %arg8[%swap3A_142], %add3A_32 {strides = array<i32>} : memref<20736xi32, #tpu.memory_space<vmem>>, vector<16xi32>,
    %mul3A_144 = arith.constant 128 : i32
    %mul3A_145 = arith.muli %shift_right_arithmetic3A_125, %mul3A_144 : i32
    %add3A_146 = arith.constant 48 : i32
    %add3A_147 = arith.addi %mul3A_145, %add3A_146 : i32
    %swap3A_148 = arith.index_cast %add3A_147 : i32 to index
    %swap3A_149 = tpu.vector_load %arg8[%swap3A_148] {strides = array<i32>} : memref<20736xi32, #tpu.memory_space<vmem>>, vector<16xi32>,
    tpu.vector_store %arg8[%swap3A_148], %add3A_32 {strides = array<i32>} : memref<20736xi32, #tpu.memory_space<vmem>>, vector<16xi32>,
    %mul3A_150 = arith.constant 128 : i32
    %mul3A_151 = arith.muli %shift_right_arithmetic3A_125, %mul3A_150 : i32
    %add3A_152 = arith.constant 64 : i32
    %add3A_153 = arith.addi %mul3A_151, %add3A_152 : i32
    %swap3A_154 = arith.index_cast %add3A_153 : i32 to index
    %swap3A_155 = tpu.vector_load %arg8[%swap3A_154] {strides = array<i32>} : memref<20736xi32, #tpu.memory_space<vmem>>, vector<16xi32>,
    tpu.vector_store %arg8[%swap3A_154], %add3A_32 {strides = array<i32>} : memref<20736xi32, #tpu.memory_space<vmem>>, vector<16xi32>,
    %mul3A_156 = arith.constant 128 : i32
    %mul3A_157 = arith.muli %shift_right_arithmetic3A_125, %mul3A_156 : i32
    %add3A_158 = arith.constant 80 : i32
    %add3A_159 = arith.addi %mul3A_157, %add3A_158 : i32
    %swap3A_160 = arith.index_cast %add3A_159 : i32 to index
    %swap3A_161 = tpu.vector_load %arg8[%swap3A_160] {strides = array<i32>} : memref<20736xi32, #tpu.memory_space<vmem>>, vector<16xi32>,
    tpu.vector_store %arg8[%swap3A_160], %add3A_32 {strides = array<i32>} : memref<20736xi32, #tpu.memory_space<vmem>>, vector<16xi32>,
    %mul3A_162 = arith.constant 128 : i32
    %mul3A_163 = arith.muli %shift_right_arithmetic3A_125, %mul3A_162 : i32
    %add3A_164 = arith.constant 96 : i32
    %add3A_165 = arith.addi %mul3A_163, %add3A_164 : i32
    %swap3A_166 = arith.index_cast %add3A_165 : i32 to index
    %swap3A_167 = tpu.vector_load %arg8[%swap3A_166] {strides = array<i32>} : memref<20736xi32, #tpu.memory_space<vmem>>, vector<16xi32>,
    tpu.vector_store %arg8[%swap3A_166], %add3A_32 {strides = array<i32>} : memref<20736xi32, #tpu.memory_space<vmem>>, vector<16xi32>,
    %mul3A_168 = arith.constant 128 : i32
    %mul3A_169 = arith.muli %shift_right_arithmetic3A_125, %mul3A_168 : i32
    %add3A_170 = arith.constant 112 : i32
    %add3A_171 = arith.addi %mul3A_169, %add3A_170 : i32
    %swap3A_172 = arith.index_cast %add3A_171 : i32 to index
    %swap3A_173 = tpu.vector_load %arg8[%swap3A_172] {strides = array<i32>} : memref<20736xi32, #tpu.memory_space<vmem>>, vector<16xi32>,
    tpu.vector_store %arg8[%swap3A_172], %add3A_32 {strides = array<i32>} : memref<20736xi32, #tpu.memory_space<vmem>>, vector<16xi32>,
    %broadcast_in_dim3A_174 = vector.broadcast %scan3A_42 : i32 to vector<16xi32>
    %swap3A_175 = arith.constant 20608 : index
    %swap3A_176 = tpu.vector_load %arg8[%swap3A_175] {strides = array<i32>} : memref<20736xi32, #tpu.memory_space<vmem>>, vector<16xi32>,
    tpu.vector_store %arg8[%swap3A_175], %broadcast_in_dim3A_174 {strides = array<i32>} : memref<20736xi32, #tpu.memory_space<vmem>>, vector<16xi32>,
    "tpu.region"() ({
      %run_scoped3A = tpu.sem_alloc : memref<!tpu.dma_semaphore, #tpu.memory_space<semaphore_mem>>
      %dma_start3A = arith.constant 0 : i32
      %dma_start3A_195 = arith.constant 0 : i32
      %dma_start3A_196 = tpu.memref_slice %arg5[%arg0, %dma_start3A, %dma_start3A_195] : memref<2x16x20736xi32, #tpu.memory_space<hbm>> -> memref<1x16x20736xi32, #tpu.memory_space<hbm>>
      %dma_start3A_197 = tpu.memref_squeeze %dma_start3A_196 : memref<1x16x20736xi32, #tpu.memory_space<hbm>> -> memref<16x20736xi32, #tpu.memory_space<hbm>>
      %dma_start3A_198 = arith.constant 0 : i32
      %dma_start3A_199 = tpu.memref_slice %dma_start3A_197[%arg1, %dma_start3A_198] : memref<16x20736xi32, #tpu.memory_space<hbm>> -> memref<1x20736xi32, #tpu.memory_space<hbm>>
      %dma_start3A_200 = tpu.memref_squeeze %dma_start3A_199 : memref<1x20736xi32, #tpu.memory_space<hbm>> -> memref<20736xi32, #tpu.memory_space<hbm>>
      %dma_start3A_201 = arith.constant 0 : i32
      %dma_start3A_202 = arith.constant 0 : i32
      %dma_start3A_203 = tpu.memref_slice %arg5[%arg0, %dma_start3A_201, %dma_start3A_202] : memref<2x16x20736xi32, #tpu.memory_space<hbm>> -> memref<1x16x20736xi32, #tpu.memory_space<hbm>>
      %dma_start3A_204 = tpu.memref_squeeze %dma_start3A_203 : memref<1x16x20736xi32, #tpu.memory_space<hbm>> -> memref<16x20736xi32, #tpu.memory_space<hbm>>
      %dma_start3A_205 = arith.constant 0 : i32
      %dma_start3A_206 = tpu.memref_slice %dma_start3A_204[%arg1, %dma_start3A_205] : memref<16x20736xi32, #tpu.memory_space<hbm>> -> memref<1x20736xi32, #tpu.memory_space<hbm>>
      %dma_start3A_207 = tpu.memref_squeeze %dma_start3A_206 : memref<1x20736xi32, #tpu.memory_space<hbm>> -> memref<20736xi32, #tpu.memory_space<hbm>>
      tpu.enqueue_dma source(%arg7 : memref<20736xi32, #tpu.memory_space<vmem>>) target(%dma_start3A_207 : memref<20736xi32, #tpu.memory_space<hbm>>) target_semaphore(%run_scoped3A : memref<!tpu.dma_semaphore, #tpu.memory_space<semaphore_mem>>)
      %dma_wait3A = arith.constant 0 : i32
      %dma_wait3A_208 = arith.constant 0 : i32
      %dma_wait3A_209 = tpu.memref_slice %arg5[%arg0, %dma_wait3A, %dma_wait3A_208] : memref<2x16x20736xi32, #tpu.memory_space<hbm>> -> memref<1x16x20736xi32, #tpu.memory_space<hbm>>
      %dma_wait3A_210 = tpu.memref_squeeze %dma_wait3A_209 : memref<1x16x20736xi32, #tpu.memory_space<hbm>> -> memref<16x20736xi32, #tpu.memory_space<hbm>>
      %dma_wait3A_211 = arith.constant 0 : i32
      %dma_wait3A_212 = tpu.memref_slice %dma_wait3A_210[%arg1, %dma_wait3A_211] : memref<16x20736xi32, #tpu.memory_space<hbm>> -> memref<1x20736xi32, #tpu.memory_space<hbm>>
      %dma_wait3A_213 = tpu.memref_squeeze %dma_wait3A_212 : memref<1x20736xi32, #tpu.memory_space<hbm>> -> memref<20736xi32, #tpu.memory_space<hbm>>
      %dma_wait3A_214 = arith.constant 0 : i32
      %dma_wait3A_215 = arith.constant 0 : i32
      %dma_wait3A_216 = tpu.memref_slice %arg5[%arg0, %dma_wait3A_214, %dma_wait3A_215] : memref<2x16x20736xi32, #tpu.memory_space<hbm>> -> memref<1x16x20736xi32, #tpu.memory_space<hbm>>
      %dma_wait3A_217 = tpu.memref_squeeze %dma_wait3A_216 : memref<1x16x20736xi32, #tpu.memory_space<hbm>> -> memref<16x20736xi32, #tpu.memory_space<hbm>>
      %dma_wait3A_218 = arith.constant 0 : i32
      %dma_wait3A_219 = tpu.memref_slice %dma_wait3A_217[%arg1, %dma_wait3A_218] : memref<16x20736xi32, #tpu.memory_space<hbm>> -> memref<1x20736xi32, #tpu.memory_space<hbm>>
      %dma_wait3A_220 = tpu.memref_squeeze %dma_wait3A_219 : memref<1x20736xi32, #tpu.memory_space<hbm>> -> memref<20736xi32, #tpu.memory_space<hbm>>
      tpu.wait_dma2 semaphore(%run_scoped3A : memref<!tpu.dma_semaphore, #tpu.memory_space<semaphore_mem>>) src(%arg7 : memref<20736xi32, #tpu.memory_space<vmem>>) dst(%dma_wait3A_220 : memref<20736xi32, #tpu.memory_space<hbm>>)
      tpu.yield
    }) : () -> ()
    "tpu.region"() ({
      %run_scoped3A = tpu.sem_alloc : memref<!tpu.dma_semaphore, #tpu.memory_space<semaphore_mem>>
      %dma_start3A = arith.constant 0 : i32
      %dma_start3A_195 = arith.constant 0 : i32
      %dma_start3A_196 = tpu.memref_slice %arg6[%arg0, %dma_start3A, %dma_start3A_195] : memref<2x16x20736xi32, #tpu.memory_space<hbm>> -> memref<1x16x20736xi32, #tpu.memory_space<hbm>>
      %dma_start3A_197 = tpu.memref_squeeze %dma_start3A_196 : memref<1x16x20736xi32, #tpu.memory_space<hbm>> -> memref<16x20736xi32, #tpu.memory_space<hbm>>
      %dma_start3A_198 = arith.constant 0 : i32
      %dma_start3A_199 = tpu.memref_slice %dma_start3A_197[%arg1, %dma_start3A_198] : memref<16x20736xi32, #tpu.memory_space<hbm>> -> memref<1x20736xi32, #tpu.memory_space<hbm>>
      %dma_start3A_200 = tpu.memref_squeeze %dma_start3A_199 : memref<1x20736xi32, #tpu.memory_space<hbm>> -> memref<20736xi32, #tpu.memory_space<hbm>>
      %dma_start3A_201 = arith.constant 0 : i32
      %dma_start3A_202 = arith.constant 0 : i32
      %dma_start3A_203 = tpu.memref_slice %arg6[%arg0, %dma_start3A_201, %dma_start3A_202] : memref<2x16x20736xi32, #tpu.memory_space<hbm>> -> memref<1x16x20736xi32, #tpu.memory_space<hbm>>
      %dma_start3A_204 = tpu.memref_squeeze %dma_start3A_203 : memref<1x16x20736xi32, #tpu.memory_space<hbm>> -> memref<16x20736xi32, #tpu.memory_space<hbm>>
      %dma_start3A_205 = arith.constant 0 : i32
      %dma_start3A_206 = tpu.memref_slice %dma_start3A_204[%arg1, %dma_start3A_205] : memref<16x20736xi32, #tpu.memory_space<hbm>> -> memref<1x20736xi32, #tpu.memory_space<hbm>>
      %dma_start3A_207 = tpu.memref_squeeze %dma_start3A_206 : memref<1x20736xi32, #tpu.memory_space<hbm>> -> memref<20736xi32, #tpu.memory_space<hbm>>
      tpu.enqueue_dma source(%arg8 : memref<20736xi32, #tpu.memory_space<vmem>>) target(%dma_start3A_207 : memref<20736xi32, #tpu.memory_space<hbm>>) target_semaphore(%run_scoped3A : memref<!tpu.dma_semaphore, #tpu.memory_space<semaphore_mem>>)
      %dma_wait3A = arith.constant 0 : i32
      %dma_wait3A_208 = arith.constant 0 : i32
      %dma_wait3A_209 = tpu.memref_slice %arg6[%arg0, %dma_wait3A, %dma_wait3A_208] : memref<2x16x20736xi32, #tpu.memory_space<hbm>> -> memref<1x16x20736xi32, #tpu.memory_space<hbm>>
      %dma_wait3A_210 = tpu.memref_squeeze %dma_wait3A_209 : memref<1x16x20736xi32, #tpu.memory_space<hbm>> -> memref<16x20736xi32, #tpu.memory_space<hbm>>
      %dma_wait3A_211 = arith.constant 0 : i32
      %dma_wait3A_212 = tpu.memref_slice %dma_wait3A_210[%arg1, %dma_wait3A_211] : memref<16x20736xi32, #tpu.memory_space<hbm>> -> memref<1x20736xi32, #tpu.memory_space<hbm>>
      %dma_wait3A_213 = tpu.memref_squeeze %dma_wait3A_212 : memref<1x20736xi32, #tpu.memory_space<hbm>> -> memref<20736xi32, #tpu.memory_space<hbm>>
      %dma_wait3A_214 = arith.constant 0 : i32
      %dma_wait3A_215 = arith.constant 0 : i32
      %dma_wait3A_216 = tpu.memref_slice %arg6[%arg0, %dma_wait3A_214, %dma_wait3A_215] : memref<2x16x20736xi32, #tpu.memory_space<hbm>> -> memref<1x16x20736xi32, #tpu.memory_space<hbm>>
      %dma_wait3A_217 = tpu.memref_squeeze %dma_wait3A_216 : memref<1x16x20736xi32, #tpu.memory_space<hbm>> -> memref<16x20736xi32, #tpu.memory_space<hbm>>
      %dma_wait3A_218 = arith.constant 0 : i32
      %dma_wait3A_219 = tpu.memref_slice %dma_wait3A_217[%arg1, %dma_wait3A_218] : memref<16x20736xi32, #tpu.memory_space<hbm>> -> memref<1x20736xi32, #tpu.memory_space<hbm>>
      %dma_wait3A_220 = tpu.memref_squeeze %dma_wait3A_219 : memref<1x20736xi32, #tpu.memory_space<hbm>> -> memref<20736xi32, #tpu.memory_space<hbm>>
      tpu.wait_dma2 semaphore(%run_scoped3A : memref<!tpu.dma_semaphore, #tpu.memory_space<semaphore_mem>>) src(%arg8 : memref<20736xi32, #tpu.memory_space<vmem>>) dst(%dma_wait3A_220 : memref<20736xi32, #tpu.memory_space<hbm>>)
      tpu.yield
    }) : () -> ()
    %barrier3A = arith.constant 0 : index
    tpu.barrier barrier_id(%barrier3A)
    %while3A = arith.constant 0 : i32
    %while3A_177 = arith.constant 0 : i32
    %while3A_178 = arith.subi %shift_right_arithmetic3A_125, %while3A : i32
    %while3A_179 = arith.addi %while3A, %while3A_178 : i32
    %while3A_180 = arith.constant 1 : i32
    %while3A_181 = arith.divsi %while3A_178, %while3A_180 : i32
    %while3A_182 = arith.muli %while3A_181, %while3A_180 : i32
    %while3A_183 = arith.addi %while3A, %while3A_182 : i32
    %while3A_184 = arith.constant 1 : i32
    %while3A_185 = scf.for %while3A_195 = %while3A to %while3A_183 step %while3A_184 iter_args(%while3A_196 = %while3A_177) -> (i32)  : i32 {
      %mul3A_197 = arith.constant 128 : i32
      %mul3A_198 = arith.muli %while3A_195, %mul3A_197 : i32
      "tpu.region"() ({
        %run_scoped3A = tpu.sem_alloc : memref<!tpu.dma_semaphore, #tpu.memory_space<semaphore_mem>>
        %dma_start3A = tpu.memref_slice %arg8[%mul3A_198] : memref<20736xi32, #tpu.memory_space<vmem>> -> memref<128xi32, #tpu.memory_space<vmem>>
        %dma_start3A_200 = arith.constant 0 : i32
        %dma_start3A_201 = arith.constant 0 : i32
        %dma_start3A_202 = tpu.memref_slice %arg11[%dma_start3A_200, %dma_start3A_201] : memref<5024x16xf32, #tpu.memory_space<vmem_shared>> -> memref<5024x16xf32, #tpu.memory_space<vmem_shared>>
        tpu.enqueue_indirect_dma source(%arg9 : memref<128x16xf32, #tpu.memory_space<vmem>>) target(%dma_start3A_202 : memref<5024x16xf32, #tpu.memory_space<vmem_shared>>) offsets(%dma_start3A : memref<128xi32, #tpu.memory_space<vmem>>) semaphore(%run_scoped3A : memref<!tpu.dma_semaphore, #tpu.memory_space<semaphore_mem>>) {add = true}
        %dma_wait3A = tpu.memref_slice %arg8[%mul3A_198] : memref<20736xi32, #tpu.memory_space<vmem>> -> memref<128xi32, #tpu.memory_space<vmem>>
        %dma_wait3A_203 = arith.constant 0 : i32
        %dma_wait3A_204 = arith.constant 0 : i32
        %dma_wait3A_205 = tpu.memref_slice %arg11[%dma_wait3A_203, %dma_wait3A_204] : memref<5024x16xf32, #tpu.memory_space<vmem_shared>> -> memref<5024x16xf32, #tpu.memory_space<vmem_shared>>
        tpu.wait_indirect_dma semaphore(%run_scoped3A : memref<!tpu.dma_semaphore, #tpu.memory_space<semaphore_mem>>) src(%arg9 : memref<128x16xf32, #tpu.memory_space<vmem>>) dst(%dma_wait3A_205 : memref<5024x16xf32, #tpu.memory_space<vmem_shared>>)
        tpu.yield
      }) : () -> ()
      %while3A_199 = arith.constant 0 : i32
      scf.yield %while3A_199 : i32
    }
    %while3A_186 = arith.constant 1 : i32
    %while3A_187 = scf.for %while3A_195 = %while3A_183 to %while3A_179 step %while3A_186 iter_args(%while3A_196 = %while3A_185) -> (i32)  : i32 {
      %mul3A_197 = arith.constant 128 : i32
      %mul3A_198 = arith.muli %while3A_195, %mul3A_197 : i32
      "tpu.region"() ({
        %run_scoped3A = tpu.sem_alloc : memref<!tpu.dma_semaphore, #tpu.memory_space<semaphore_mem>>
        %dma_start3A = tpu.memref_slice %arg8[%mul3A_198] : memref<20736xi32, #tpu.memory_space<vmem>> -> memref<128xi32, #tpu.memory_space<vmem>>
        %dma_start3A_200 = arith.constant 0 : i32
        %dma_start3A_201 = arith.constant 0 : i32
        %dma_start3A_202 = tpu.memref_slice %arg11[%dma_start3A_200, %dma_start3A_201] : memref<5024x16xf32, #tpu.memory_space<vmem_shared>> -> memref<5024x16xf32, #tpu.memory_space<vmem_shared>>
        tpu.enqueue_indirect_dma source(%arg9 : memref<128x16xf32, #tpu.memory_space<vmem>>) target(%dma_start3A_202 : memref<5024x16xf32, #tpu.memory_space<vmem_shared>>) offsets(%dma_start3A : memref<128xi32, #tpu.memory_space<vmem>>) semaphore(%run_scoped3A : memref<!tpu.dma_semaphore, #tpu.memory_space<semaphore_mem>>) {add = true}
        %dma_wait3A = tpu.memref_slice %arg8[%mul3A_198] : memref<20736xi32, #tpu.memory_space<vmem>> -> memref<128xi32, #tpu.memory_space<vmem>>
        %dma_wait3A_203 = arith.constant 0 : i32
        %dma_wait3A_204 = arith.constant 0 : i32
        %dma_wait3A_205 = tpu.memref_slice %arg11[%dma_wait3A_203, %dma_wait3A_204] : memref<5024x16xf32, #tpu.memory_space<vmem_shared>> -> memref<5024x16xf32, #tpu.memory_space<vmem_shared>>
        tpu.wait_indirect_dma semaphore(%run_scoped3A : memref<!tpu.dma_semaphore, #tpu.memory_space<semaphore_mem>>) src(%arg9 : memref<128x16xf32, #tpu.memory_space<vmem>>) dst(%dma_wait3A_205 : memref<5024x16xf32, #tpu.memory_space<vmem_shared>>)
        tpu.yield
      }) : () -> ()
      %while3A_199 = arith.constant 0 : i32
      scf.yield %while3A_199 : i32
    }
    %barrier3A_188 = arith.constant 0 : index
    tpu.barrier barrier_id(%barrier3A_188)
    %mul3A_189 = arith.constant 320 : i32
    %mul3A_190 = arith.muli %arg1, %mul3A_189 : i32
    %sub3A_191 = arith.constant 320 : i32
    %sub3A_192 = arith.subi %select_n3A, %sub3A_191 : i32
    %min3A_193 = arith.minsi %mul3A_190, %sub3A_192 : i32
    %add3A_194 = arith.addi %mul3A_27, %min3A_193 : i32
    "tpu.region"() ({
      %run_scoped3A = tpu.sem_alloc : memref<!tpu.dma_semaphore, #tpu.memory_space<semaphore_mem>>
      %dma_start3A = arith.constant 0 : i32
      %dma_start3A_195 = tpu.memref_slice %arg4[%add3A_194, %dma_start3A] : memref<10000x16xf32, #tpu.memory_space<hbm>> -> memref<320x16xf32, #tpu.memory_space<hbm>>
      %dma_start3A_196 = arith.constant 0 : i32
      %dma_start3A_197 = tpu.memref_slice %arg11[%min3A_193, %dma_start3A_196] : memref<5024x16xf32, #tpu.memory_space<vmem_shared>> -> memref<320x16xf32, #tpu.memory_space<vmem_shared>>
      tpu.enqueue_dma source(%dma_start3A_197 : memref<320x16xf32, #tpu.memory_space<vmem_shared>>) target(%dma_start3A_195 : memref<320x16xf32, #tpu.memory_space<hbm>>) target_semaphore(%run_scoped3A : memref<!tpu.dma_semaphore, #tpu.memory_space<semaphore_mem>>)
      %dma_wait3A = arith.constant 0 : i32
      %dma_wait3A_198 = tpu.memref_slice %arg4[%add3A_194, %dma_wait3A] : memref<10000x16xf32, #tpu.memory_space<hbm>> -> memref<320x16xf32, #tpu.memory_space<hbm>>
      %dma_wait3A_199 = arith.constant 0 : i32
      %dma_wait3A_200 = tpu.memref_slice %arg11[%min3A_193, %dma_wait3A_199] : memref<5024x16xf32, #tpu.memory_space<vmem_shared>> -> memref<320x16xf32, #tpu.memory_space<vmem_shared>>
      tpu.wait_dma2 semaphore(%run_scoped3A : memref<!tpu.dma_semaphore, #tpu.memory_space<semaphore_mem>>) src(%dma_wait3A_200 : memref<320x16xf32, #tpu.memory_space<vmem_shared>>) dst(%dma_wait3A_198 : memref<320x16xf32, #tpu.memory_space<hbm>>)
      tpu.yield
    }) : () -> ()
    return
  }
}

#map = affine_map<(d0, d1) -> (0, 0)>
#map1 = affine_map<(d0, d1) -> (0, 0, 0)>
module attributes {stable_mosaic.version = 14 : i64} {
  func.func @agg_kernel(%arg0: i32, %arg1: i32, %arg2: memref<10000x128xf32, #tpu.memory_space<hbm>>, %arg3: memref<2x16x20736xi32, #tpu.memory_space<hbm>>, %arg4: memref<2x16x20736xi32, #tpu.memory_space<hbm>>, %arg5: memref<10000x128xf32, #tpu.memory_space<hbm>>, %arg6: memref<20736xi32, #tpu.memory_space<vmem>>, %arg7: memref<20736xi32, #tpu.memory_space<vmem>>, %arg8: memref<128x128xf32, #tpu.memory_space<vmem>>, %arg9: memref<128x128xf32, #tpu.memory_space<vmem>>, %arg10: memref<128x128xf32, #tpu.memory_space<vmem>>, %arg11: memref<5024x128xf32, #tpu.memory_space<vmem_shared>>, %arg12: memref<!tpu.dma_semaphore, #tpu.memory_space<semaphore_mem>>, %arg13: memref<!tpu.dma_semaphore, #tpu.memory_space<semaphore_mem>>, %arg14: memref<!tpu.dma_semaphore, #tpu.memory_space<semaphore_mem>>, %arg15: memref<!tpu.dma_semaphore, #tpu.memory_space<semaphore_mem>>, %arg16: memref<!tpu.dma_semaphore, #tpu.memory_space<semaphore_mem>>, %arg17: memref<!tpu.dma_semaphore, #tpu.memory_space<semaphore_mem>>) attributes {dimension_semantics = [#tpu.dimension_semantics<core_parallel>, #tpu.dimension_semantics<subcore_parallel>], iteration_bounds = array<i64: 2, 16>, scalar_prefetch = 0 : i64, scratch_operands = 12 : i64, tpu.core_type = #tpu.core_type<sc_vector_subcore>, window_params = [{transform_indices = #map}, {transform_indices = #map1}, {transform_indices = #map1}, {transform_indices = #map}]} {
    %scan3A = arith.constant 0 : i32
    %scan3A_0 = arith.constant 0 : i32
    %scan3A_1 = arith.constant 64 : i32
    %scan3A_2 = arith.addi %scan3A_0, %scan3A_1 : i32
    %scan3A_3 = arith.constant 1 : i32
    %scan3A_4 = scf.for %scan3A_90 = %scan3A_0 to %scan3A_2 step %scan3A_3 iter_args(%scan3A_91 = %scan3A) -> (i32)  : i32 {
      %broadcast_in_dim3A = arith.constant 0.000000e+00 : f32
      %broadcast_in_dim3A_92 = vector.broadcast %broadcast_in_dim3A : f32 to vector<16xf32>
      %swap3A = arith.index_cast %scan3A_90 : i32 to index
      %swap3A_93 = arith.constant 0 : index
      %swap3A_94 = tpu.vector_load %arg8[%swap3A, %swap3A_93] {strides = array<i32>} : memref<128x128xf32, #tpu.memory_space<vmem>>, vector<16xf32>,
      tpu.vector_store %arg8[%swap3A, %swap3A_93], %broadcast_in_dim3A_92 {strides = array<i32>} : memref<128x128xf32, #tpu.memory_space<vmem>>, vector<16xf32>,
      %broadcast_in_dim3A_95 = arith.constant 0.000000e+00 : f32
      %broadcast_in_dim3A_96 = vector.broadcast %broadcast_in_dim3A_95 : f32 to vector<16xf32>
      %swap3A_97 = arith.index_cast %scan3A_90 : i32 to index
      %swap3A_98 = arith.constant 16 : index
      %swap3A_99 = tpu.vector_load %arg8[%swap3A_97, %swap3A_98] {strides = array<i32>} : memref<128x128xf32, #tpu.memory_space<vmem>>, vector<16xf32>,
      tpu.vector_store %arg8[%swap3A_97, %swap3A_98], %broadcast_in_dim3A_96 {strides = array<i32>} : memref<128x128xf32, #tpu.memory_space<vmem>>, vector<16xf32>,
      %broadcast_in_dim3A_100 = arith.constant 0.000000e+00 : f32
      %broadcast_in_dim3A_101 = vector.broadcast %broadcast_in_dim3A_100 : f32 to vector<16xf32>
      %swap3A_102 = arith.index_cast %scan3A_90 : i32 to index
      %swap3A_103 = arith.constant 32 : index
      %swap3A_104 = tpu.vector_load %arg8[%swap3A_102, %swap3A_103] {strides = array<i32>} : memref<128x128xf32, #tpu.memory_space<vmem>>, vector<16xf32>,
      tpu.vector_store %arg8[%swap3A_102, %swap3A_103], %broadcast_in_dim3A_101 {strides = array<i32>} : memref<128x128xf32, #tpu.memory_space<vmem>>, vector<16xf32>,
      %broadcast_in_dim3A_105 = arith.constant 0.000000e+00 : f32
      %broadcast_in_dim3A_106 = vector.broadcast %broadcast_in_dim3A_105 : f32 to vector<16xf32>
      %swap3A_107 = arith.index_cast %scan3A_90 : i32 to index
      %swap3A_108 = arith.constant 48 : index
      %swap3A_109 = tpu.vector_load %arg8[%swap3A_107, %swap3A_108] {strides = array<i32>} : memref<128x128xf32, #tpu.memory_space<vmem>>, vector<16xf32>,
      tpu.vector_store %arg8[%swap3A_107, %swap3A_108], %broadcast_in_dim3A_106 {strides = array<i32>} : memref<128x128xf32, #tpu.memory_space<vmem>>, vector<16xf32>,
      %broadcast_in_dim3A_110 = arith.constant 0.000000e+00 : f32
      %broadcast_in_dim3A_111 = vector.broadcast %broadcast_in_dim3A_110 : f32 to vector<16xf32>
      %swap3A_112 = arith.index_cast %scan3A_90 : i32 to index
      %swap3A_113 = arith.constant 64 : index
      %swap3A_114 = tpu.vector_load %arg8[%swap3A_112, %swap3A_113] {strides = array<i32>} : memref<128x128xf32, #tpu.memory_space<vmem>>, vector<16xf32>,
      tpu.vector_store %arg8[%swap3A_112, %swap3A_113], %broadcast_in_dim3A_111 {strides = array<i32>} : memref<128x128xf32, #tpu.memory_space<vmem>>, vector<16xf32>,
      %broadcast_in_dim3A_115 = arith.constant 0.000000e+00 : f32
      %broadcast_in_dim3A_116 = vector.broadcast %broadcast_in_dim3A_115 : f32 to vector<16xf32>
      %swap3A_117 = arith.index_cast %scan3A_90 : i32 to index
      %swap3A_118 = arith.constant 80 : index
      %swap3A_119 = tpu.vector_load %arg8[%swap3A_117, %swap3A_118] {strides = array<i32>} : memref<128x128xf32, #tpu.memory_space<vmem>>, vector<16xf32>,
      tpu.vector_store %arg8[%swap3A_117, %swap3A_118], %broadcast_in_dim3A_116 {strides = array<i32>} : memref<128x128xf32, #tpu.memory_space<vmem>>, vector<16xf32>,
      %broadcast_in_dim3A_120 = arith.constant 0.000000e+00 : f32
      %broadcast_in_dim3A_121 = vector.broadcast %broadcast_in_dim3A_120 : f32 to vector<16xf32>
      %swap3A_122 = arith.index_cast %scan3A_90 : i32 to index
      %swap3A_123 = arith.constant 96 : index
      %swap3A_124 = tpu.vector_load %arg8[%swap3A_122, %swap3A_123] {strides = array<i32>} : memref<128x128xf32, #tpu.memory_space<vmem>>, vector<16xf32>,
      tpu.vector_store %arg8[%swap3A_122, %swap3A_123], %broadcast_in_dim3A_121 {strides = array<i32>} : memref<128x128xf32, #tpu.memory_space<vmem>>, vector<16xf32>,
      %broadcast_in_dim3A_125 = arith.constant 0.000000e+00 : f32
      %broadcast_in_dim3A_126 = vector.broadcast %broadcast_in_dim3A_125 : f32 to vector<16xf32>
      %swap3A_127 = arith.index_cast %scan3A_90 : i32 to index
      %swap3A_128 = arith.constant 112 : index
      %swap3A_129 = tpu.vector_load %arg8[%swap3A_127, %swap3A_128] {strides = array<i32>} : memref<128x128xf32, #tpu.memory_space<vmem>>, vector<16xf32>,
      tpu.vector_store %arg8[%swap3A_127, %swap3A_128], %broadcast_in_dim3A_126 {strides = array<i32>} : memref<128x128xf32, #tpu.memory_space<vmem>>, vector<16xf32>,
      %scan3A_130 = arith.constant 0 : i32
      scf.yield %scan3A_130 : i32
    }
    %scan3A_5 = arith.constant 64 : i32
    %mul3A = arith.constant 320 : i32
    %mul3A_6 = arith.muli %arg1, %mul3A : i32
    %min3A = arith.constant 4704 : i32
    %min3A_7 = arith.minsi %mul3A_6, %min3A : i32
    %add3A = arith.constant 0 : i32
    %add3A_8 = arith.addi %min3A_7, %add3A : i32
    "tpu.region"() ({
      %run_scoped3A = tpu.sem_alloc : memref<!tpu.dma_semaphore, #tpu.memory_space<semaphore_mem>>
      %dma_start3A_90 = arith.constant 0 : i32
      %dma_start3A_91 = arith.constant 0 : i32
      %dma_start3A_92 = tpu.memref_slice %arg8[%dma_start3A_90, %dma_start3A_91] : memref<128x128xf32, #tpu.memory_space<vmem>> -> memref<64x128xf32, #tpu.memory_space<vmem>>
      %dma_start3A_93 = arith.constant 0 : i32
      %dma_start3A_94 = tpu.memref_slice %arg11[%add3A_8, %dma_start3A_93] : memref<5024x128xf32, #tpu.memory_space<vmem_shared>> -> memref<64x128xf32, #tpu.memory_space<vmem_shared>>
      %dma_start3A_95 = arith.constant 0 : i32
      %dma_start3A_96 = tpu.memref_slice %arg11[%add3A_8, %dma_start3A_95] : memref<5024x128xf32, #tpu.memory_space<vmem_shared>> -> memref<64x128xf32, #tpu.memory_space<vmem_shared>>
      %dma_start3A_97 = arith.constant 0 : i32
      %dma_start3A_98 = arith.constant 0 : i32
      %dma_start3A_99 = tpu.memref_slice %arg8[%dma_start3A_97, %dma_start3A_98] : memref<128x128xf32, #tpu.memory_space<vmem>> -> memref<64x128xf32, #tpu.memory_space<vmem>>
      tpu.enqueue_dma source(%dma_start3A_99 : memref<64x128xf32, #tpu.memory_space<vmem>>) target(%dma_start3A_96 : memref<64x128xf32, #tpu.memory_space<vmem_shared>>) target_semaphore(%run_scoped3A : memref<!tpu.dma_semaphore, #tpu.memory_space<semaphore_mem>>)
      %dma_wait3A_100 = arith.constant 0 : i32
      %dma_wait3A_101 = arith.constant 0 : i32
      %dma_wait3A_102 = tpu.memref_slice %arg8[%dma_wait3A_100, %dma_wait3A_101] : memref<128x128xf32, #tpu.memory_space<vmem>> -> memref<64x128xf32, #tpu.memory_space<vmem>>
      %dma_wait3A_103 = arith.constant 0 : i32
      %dma_wait3A_104 = tpu.memref_slice %arg11[%add3A_8, %dma_wait3A_103] : memref<5024x128xf32, #tpu.memory_space<vmem_shared>> -> memref<64x128xf32, #tpu.memory_space<vmem_shared>>
      %dma_wait3A_105 = arith.constant 0 : i32
      %dma_wait3A_106 = tpu.memref_slice %arg11[%add3A_8, %dma_wait3A_105] : memref<5024x128xf32, #tpu.memory_space<vmem_shared>> -> memref<64x128xf32, #tpu.memory_space<vmem_shared>>
      %dma_wait3A_107 = arith.constant 0 : i32
      %dma_wait3A_108 = arith.constant 0 : i32
      %dma_wait3A_109 = tpu.memref_slice %arg8[%dma_wait3A_107, %dma_wait3A_108] : memref<128x128xf32, #tpu.memory_space<vmem>> -> memref<64x128xf32, #tpu.memory_space<vmem>>
      tpu.wait_dma2 semaphore(%run_scoped3A : memref<!tpu.dma_semaphore, #tpu.memory_space<semaphore_mem>>) src(%dma_wait3A_109 : memref<64x128xf32, #tpu.memory_space<vmem>>) dst(%dma_wait3A_106 : memref<64x128xf32, #tpu.memory_space<vmem_shared>>)
      tpu.yield
    }) : () -> ()
    %add3A_9 = arith.constant 64 : i32
    %add3A_10 = arith.addi %min3A_7, %add3A_9 : i32
    "tpu.region"() ({
      %run_scoped3A = tpu.sem_alloc : memref<!tpu.dma_semaphore, #tpu.memory_space<semaphore_mem>>
      %dma_start3A_90 = arith.constant 0 : i32
      %dma_start3A_91 = arith.constant 0 : i32
      %dma_start3A_92 = tpu.memref_slice %arg8[%dma_start3A_90, %dma_start3A_91] : memref<128x128xf32, #tpu.memory_space<vmem>> -> memref<64x128xf32, #tpu.memory_space<vmem>>
      %dma_start3A_93 = arith.constant 0 : i32
      %dma_start3A_94 = tpu.memref_slice %arg11[%add3A_10, %dma_start3A_93] : memref<5024x128xf32, #tpu.memory_space<vmem_shared>> -> memref<64x128xf32, #tpu.memory_space<vmem_shared>>
      %dma_start3A_95 = arith.constant 0 : i32
      %dma_start3A_96 = tpu.memref_slice %arg11[%add3A_10, %dma_start3A_95] : memref<5024x128xf32, #tpu.memory_space<vmem_shared>> -> memref<64x128xf32, #tpu.memory_space<vmem_shared>>
      %dma_start3A_97 = arith.constant 0 : i32
      %dma_start3A_98 = arith.constant 0 : i32
      %dma_start3A_99 = tpu.memref_slice %arg8[%dma_start3A_97, %dma_start3A_98] : memref<128x128xf32, #tpu.memory_space<vmem>> -> memref<64x128xf32, #tpu.memory_space<vmem>>
      tpu.enqueue_dma source(%dma_start3A_99 : memref<64x128xf32, #tpu.memory_space<vmem>>) target(%dma_start3A_96 : memref<64x128xf32, #tpu.memory_space<vmem_shared>>) target_semaphore(%run_scoped3A : memref<!tpu.dma_semaphore, #tpu.memory_space<semaphore_mem>>)
      %dma_wait3A_100 = arith.constant 0 : i32
      %dma_wait3A_101 = arith.constant 0 : i32
      %dma_wait3A_102 = tpu.memref_slice %arg8[%dma_wait3A_100, %dma_wait3A_101] : memref<128x128xf32, #tpu.memory_space<vmem>> -> memref<64x128xf32, #tpu.memory_space<vmem>>
      %dma_wait3A_103 = arith.constant 0 : i32
      %dma_wait3A_104 = tpu.memref_slice %arg11[%add3A_10, %dma_wait3A_103] : memref<5024x128xf32, #tpu.memory_space<vmem_shared>> -> memref<64x128xf32, #tpu.memory_space<vmem_shared>>
      %dma_wait3A_105 = arith.constant 0 : i32
      %dma_wait3A_106 = tpu.memref_slice %arg11[%add3A_10, %dma_wait3A_105] : memref<5024x128xf32, #tpu.memory_space<vmem_shared>> -> memref<64x128xf32, #tpu.memory_space<vmem_shared>>
      %dma_wait3A_107 = arith.constant 0 : i32
      %dma_wait3A_108 = arith.constant 0 : i32
      %dma_wait3A_109 = tpu.memref_slice %arg8[%dma_wait3A_107, %dma_wait3A_108] : memref<128x128xf32, #tpu.memory_space<vmem>> -> memref<64x128xf32, #tpu.memory_space<vmem>>
      tpu.wait_dma2 semaphore(%run_scoped3A : memref<!tpu.dma_semaphore, #tpu.memory_space<semaphore_mem>>) src(%dma_wait3A_109 : memref<64x128xf32, #tpu.memory_space<vmem>>) dst(%dma_wait3A_106 : memref<64x128xf32, #tpu.memory_space<vmem_shared>>)
      tpu.yield
    }) : () -> ()
    %add3A_11 = arith.constant 128 : i32
    %add3A_12 = arith.addi %min3A_7, %add3A_11 : i32
    "tpu.region"() ({
      %run_scoped3A = tpu.sem_alloc : memref<!tpu.dma_semaphore, #tpu.memory_space<semaphore_mem>>
      %dma_start3A_90 = arith.constant 0 : i32
      %dma_start3A_91 = arith.constant 0 : i32
      %dma_start3A_92 = tpu.memref_slice %arg8[%dma_start3A_90, %dma_start3A_91] : memref<128x128xf32, #tpu.memory_space<vmem>> -> memref<64x128xf32, #tpu.memory_space<vmem>>
      %dma_start3A_93 = arith.constant 0 : i32
      %dma_start3A_94 = tpu.memref_slice %arg11[%add3A_12, %dma_start3A_93] : memref<5024x128xf32, #tpu.memory_space<vmem_shared>> -> memref<64x128xf32, #tpu.memory_space<vmem_shared>>
      %dma_start3A_95 = arith.constant 0 : i32
      %dma_start3A_96 = tpu.memref_slice %arg11[%add3A_12, %dma_start3A_95] : memref<5024x128xf32, #tpu.memory_space<vmem_shared>> -> memref<64x128xf32, #tpu.memory_space<vmem_shared>>
      %dma_start3A_97 = arith.constant 0 : i32
      %dma_start3A_98 = arith.constant 0 : i32
      %dma_start3A_99 = tpu.memref_slice %arg8[%dma_start3A_97, %dma_start3A_98] : memref<128x128xf32, #tpu.memory_space<vmem>> -> memref<64x128xf32, #tpu.memory_space<vmem>>
      tpu.enqueue_dma source(%dma_start3A_99 : memref<64x128xf32, #tpu.memory_space<vmem>>) target(%dma_start3A_96 : memref<64x128xf32, #tpu.memory_space<vmem_shared>>) target_semaphore(%run_scoped3A : memref<!tpu.dma_semaphore, #tpu.memory_space<semaphore_mem>>)
      %dma_wait3A_100 = arith.constant 0 : i32
      %dma_wait3A_101 = arith.constant 0 : i32
      %dma_wait3A_102 = tpu.memref_slice %arg8[%dma_wait3A_100, %dma_wait3A_101] : memref<128x128xf32, #tpu.memory_space<vmem>> -> memref<64x128xf32, #tpu.memory_space<vmem>>
      %dma_wait3A_103 = arith.constant 0 : i32
      %dma_wait3A_104 = tpu.memref_slice %arg11[%add3A_12, %dma_wait3A_103] : memref<5024x128xf32, #tpu.memory_space<vmem_shared>> -> memref<64x128xf32, #tpu.memory_space<vmem_shared>>
      %dma_wait3A_105 = arith.constant 0 : i32
      %dma_wait3A_106 = tpu.memref_slice %arg11[%add3A_12, %dma_wait3A_105] : memref<5024x128xf32, #tpu.memory_space<vmem_shared>> -> memref<64x128xf32, #tpu.memory_space<vmem_shared>>
      %dma_wait3A_107 = arith.constant 0 : i32
      %dma_wait3A_108 = arith.constant 0 : i32
      %dma_wait3A_109 = tpu.memref_slice %arg8[%dma_wait3A_107, %dma_wait3A_108] : memref<128x128xf32, #tpu.memory_space<vmem>> -> memref<64x128xf32, #tpu.memory_space<vmem>>
      tpu.wait_dma2 semaphore(%run_scoped3A : memref<!tpu.dma_semaphore, #tpu.memory_space<semaphore_mem>>) src(%dma_wait3A_109 : memref<64x128xf32, #tpu.memory_space<vmem>>) dst(%dma_wait3A_106 : memref<64x128xf32, #tpu.memory_space<vmem_shared>>)
      tpu.yield
    }) : () -> ()
    %add3A_13 = arith.constant 192 : i32
    %add3A_14 = arith.addi %min3A_7, %add3A_13 : i32
    "tpu.region"() ({
      %run_scoped3A = tpu.sem_alloc : memref<!tpu.dma_semaphore, #tpu.memory_space<semaphore_mem>>
      %dma_start3A_90 = arith.constant 0 : i32
      %dma_start3A_91 = arith.constant 0 : i32
      %dma_start3A_92 = tpu.memref_slice %arg8[%dma_start3A_90, %dma_start3A_91] : memref<128x128xf32, #tpu.memory_space<vmem>> -> memref<64x128xf32, #tpu.memory_space<vmem>>
      %dma_start3A_93 = arith.constant 0 : i32
      %dma_start3A_94 = tpu.memref_slice %arg11[%add3A_14, %dma_start3A_93] : memref<5024x128xf32, #tpu.memory_space<vmem_shared>> -> memref<64x128xf32, #tpu.memory_space<vmem_shared>>
      %dma_start3A_95 = arith.constant 0 : i32
      %dma_start3A_96 = tpu.memref_slice %arg11[%add3A_14, %dma_start3A_95] : memref<5024x128xf32, #tpu.memory_space<vmem_shared>> -> memref<64x128xf32, #tpu.memory_space<vmem_shared>>
      %dma_start3A_97 = arith.constant 0 : i32
      %dma_start3A_98 = arith.constant 0 : i32
      %dma_start3A_99 = tpu.memref_slice %arg8[%dma_start3A_97, %dma_start3A_98] : memref<128x128xf32, #tpu.memory_space<vmem>> -> memref<64x128xf32, #tpu.memory_space<vmem>>
      tpu.enqueue_dma source(%dma_start3A_99 : memref<64x128xf32, #tpu.memory_space<vmem>>) target(%dma_start3A_96 : memref<64x128xf32, #tpu.memory_space<vmem_shared>>) target_semaphore(%run_scoped3A : memref<!tpu.dma_semaphore, #tpu.memory_space<semaphore_mem>>)
      %dma_wait3A_100 = arith.constant 0 : i32
      %dma_wait3A_101 = arith.constant 0 : i32
      %dma_wait3A_102 = tpu.memref_slice %arg8[%dma_wait3A_100, %dma_wait3A_101] : memref<128x128xf32, #tpu.memory_space<vmem>> -> memref<64x128xf32, #tpu.memory_space<vmem>>
      %dma_wait3A_103 = arith.constant 0 : i32
      %dma_wait3A_104 = tpu.memref_slice %arg11[%add3A_14, %dma_wait3A_103] : memref<5024x128xf32, #tpu.memory_space<vmem_shared>> -> memref<64x128xf32, #tpu.memory_space<vmem_shared>>
      %dma_wait3A_105 = arith.constant 0 : i32
      %dma_wait3A_106 = tpu.memref_slice %arg11[%add3A_14, %dma_wait3A_105] : memref<5024x128xf32, #tpu.memory_space<vmem_shared>> -> memref<64x128xf32, #tpu.memory_space<vmem_shared>>
      %dma_wait3A_107 = arith.constant 0 : i32
      %dma_wait3A_108 = arith.constant 0 : i32
      %dma_wait3A_109 = tpu.memref_slice %arg8[%dma_wait3A_107, %dma_wait3A_108] : memref<128x128xf32, #tpu.memory_space<vmem>> -> memref<64x128xf32, #tpu.memory_space<vmem>>
      tpu.wait_dma2 semaphore(%run_scoped3A : memref<!tpu.dma_semaphore, #tpu.memory_space<semaphore_mem>>) src(%dma_wait3A_109 : memref<64x128xf32, #tpu.memory_space<vmem>>) dst(%dma_wait3A_106 : memref<64x128xf32, #tpu.memory_space<vmem_shared>>)
      tpu.yield
    }) : () -> ()
    %add3A_15 = arith.constant 256 : i32
    %add3A_16 = arith.addi %min3A_7, %add3A_15 : i32
    "tpu.region"() ({
      %run_scoped3A = tpu.sem_alloc : memref<!tpu.dma_semaphore, #tpu.memory_space<semaphore_mem>>
      %dma_start3A_90 = arith.constant 0 : i32
      %dma_start3A_91 = arith.constant 0 : i32
      %dma_start3A_92 = tpu.memref_slice %arg8[%dma_start3A_90, %dma_start3A_91] : memref<128x128xf32, #tpu.memory_space<vmem>> -> memref<64x128xf32, #tpu.memory_space<vmem>>
      %dma_start3A_93 = arith.constant 0 : i32
      %dma_start3A_94 = tpu.memref_slice %arg11[%add3A_16, %dma_start3A_93] : memref<5024x128xf32, #tpu.memory_space<vmem_shared>> -> memref<64x128xf32, #tpu.memory_space<vmem_shared>>
      %dma_start3A_95 = arith.constant 0 : i32
      %dma_start3A_96 = tpu.memref_slice %arg11[%add3A_16, %dma_start3A_95] : memref<5024x128xf32, #tpu.memory_space<vmem_shared>> -> memref<64x128xf32, #tpu.memory_space<vmem_shared>>
      %dma_start3A_97 = arith.constant 0 : i32
      %dma_start3A_98 = arith.constant 0 : i32
      %dma_start3A_99 = tpu.memref_slice %arg8[%dma_start3A_97, %dma_start3A_98] : memref<128x128xf32, #tpu.memory_space<vmem>> -> memref<64x128xf32, #tpu.memory_space<vmem>>
      tpu.enqueue_dma source(%dma_start3A_99 : memref<64x128xf32, #tpu.memory_space<vmem>>) target(%dma_start3A_96 : memref<64x128xf32, #tpu.memory_space<vmem_shared>>) target_semaphore(%run_scoped3A : memref<!tpu.dma_semaphore, #tpu.memory_space<semaphore_mem>>)
      %dma_wait3A_100 = arith.constant 0 : i32
      %dma_wait3A_101 = arith.constant 0 : i32
      %dma_wait3A_102 = tpu.memref_slice %arg8[%dma_wait3A_100, %dma_wait3A_101] : memref<128x128xf32, #tpu.memory_space<vmem>> -> memref<64x128xf32, #tpu.memory_space<vmem>>
      %dma_wait3A_103 = arith.constant 0 : i32
      %dma_wait3A_104 = tpu.memref_slice %arg11[%add3A_16, %dma_wait3A_103] : memref<5024x128xf32, #tpu.memory_space<vmem_shared>> -> memref<64x128xf32, #tpu.memory_space<vmem_shared>>
      %dma_wait3A_105 = arith.constant 0 : i32
      %dma_wait3A_106 = tpu.memref_slice %arg11[%add3A_16, %dma_wait3A_105] : memref<5024x128xf32, #tpu.memory_space<vmem_shared>> -> memref<64x128xf32, #tpu.memory_space<vmem_shared>>
      %dma_wait3A_107 = arith.constant 0 : i32
      %dma_wait3A_108 = arith.constant 0 : i32
      %dma_wait3A_109 = tpu.memref_slice %arg8[%dma_wait3A_107, %dma_wait3A_108] : memref<128x128xf32, #tpu.memory_space<vmem>> -> memref<64x128xf32, #tpu.memory_space<vmem>>
      tpu.wait_dma2 semaphore(%run_scoped3A : memref<!tpu.dma_semaphore, #tpu.memory_space<semaphore_mem>>) src(%dma_wait3A_109 : memref<64x128xf32, #tpu.memory_space<vmem>>) dst(%dma_wait3A_106 : memref<64x128xf32, #tpu.memory_space<vmem_shared>>)
      tpu.yield
    }) : () -> ()
    "tpu.region"() ({
      %run_scoped3A = tpu.sem_alloc : memref<!tpu.dma_semaphore, #tpu.memory_space<semaphore_mem>>
      %dma_start3A_90 = arith.constant 0 : i32
      %dma_start3A_91 = arith.constant 0 : i32
      %dma_start3A_92 = tpu.memref_slice %arg3[%arg0, %dma_start3A_90, %dma_start3A_91] : memref<2x16x20736xi32, #tpu.memory_space<hbm>> -> memref<1x16x20736xi32, #tpu.memory_space<hbm>>
      %dma_start3A_93 = tpu.memref_squeeze %dma_start3A_92 : memref<1x16x20736xi32, #tpu.memory_space<hbm>> -> memref<16x20736xi32, #tpu.memory_space<hbm>>
      %dma_start3A_94 = arith.constant 0 : i32
      %dma_start3A_95 = tpu.memref_slice %dma_start3A_93[%arg1, %dma_start3A_94] : memref<16x20736xi32, #tpu.memory_space<hbm>> -> memref<1x20736xi32, #tpu.memory_space<hbm>>
      %dma_start3A_96 = tpu.memref_squeeze %dma_start3A_95 : memref<1x20736xi32, #tpu.memory_space<hbm>> -> memref<20736xi32, #tpu.memory_space<hbm>>
      %dma_start3A_97 = arith.constant 0 : i32
      %dma_start3A_98 = arith.constant 0 : i32
      %dma_start3A_99 = tpu.memref_slice %arg3[%arg0, %dma_start3A_97, %dma_start3A_98] : memref<2x16x20736xi32, #tpu.memory_space<hbm>> -> memref<1x16x20736xi32, #tpu.memory_space<hbm>>
      %dma_start3A_100 = tpu.memref_squeeze %dma_start3A_99 : memref<1x16x20736xi32, #tpu.memory_space<hbm>> -> memref<16x20736xi32, #tpu.memory_space<hbm>>
      %dma_start3A_101 = arith.constant 0 : i32
      %dma_start3A_102 = tpu.memref_slice %dma_start3A_100[%arg1, %dma_start3A_101] : memref<16x20736xi32, #tpu.memory_space<hbm>> -> memref<1x20736xi32, #tpu.memory_space<hbm>>
      %dma_start3A_103 = tpu.memref_squeeze %dma_start3A_102 : memref<1x20736xi32, #tpu.memory_space<hbm>> -> memref<20736xi32, #tpu.memory_space<hbm>>
      tpu.enqueue_dma source(%dma_start3A_103 : memref<20736xi32, #tpu.memory_space<hbm>>) target(%arg6 : memref<20736xi32, #tpu.memory_space<vmem>>) target_semaphore(%run_scoped3A : memref<!tpu.dma_semaphore, #tpu.memory_space<semaphore_mem>>)
      %dma_wait3A_104 = arith.constant 0 : i32
      %dma_wait3A_105 = arith.constant 0 : i32
      %dma_wait3A_106 = tpu.memref_slice %arg3[%arg0, %dma_wait3A_104, %dma_wait3A_105] : memref<2x16x20736xi32, #tpu.memory_space<hbm>> -> memref<1x16x20736xi32, #tpu.memory_space<hbm>>
      %dma_wait3A_107 = tpu.memref_squeeze %dma_wait3A_106 : memref<1x16x20736xi32, #tpu.memory_space<hbm>> -> memref<16x20736xi32, #tpu.memory_space<hbm>>
      %dma_wait3A_108 = arith.constant 0 : i32
      %dma_wait3A_109 = tpu.memref_slice %dma_wait3A_107[%arg1, %dma_wait3A_108] : memref<16x20736xi32, #tpu.memory_space<hbm>> -> memref<1x20736xi32, #tpu.memory_space<hbm>>
      %dma_wait3A_110 = tpu.memref_squeeze %dma_wait3A_109 : memref<1x20736xi32, #tpu.memory_space<hbm>> -> memref<20736xi32, #tpu.memory_space<hbm>>
      %dma_wait3A_111 = arith.constant 0 : i32
      %dma_wait3A_112 = arith.constant 0 : i32
      %dma_wait3A_113 = tpu.memref_slice %arg3[%arg0, %dma_wait3A_111, %dma_wait3A_112] : memref<2x16x20736xi32, #tpu.memory_space<hbm>> -> memref<1x16x20736xi32, #tpu.memory_space<hbm>>
      %dma_wait3A_114 = tpu.memref_squeeze %dma_wait3A_113 : memref<1x16x20736xi32, #tpu.memory_space<hbm>> -> memref<16x20736xi32, #tpu.memory_space<hbm>>
      %dma_wait3A_115 = arith.constant 0 : i32
      %dma_wait3A_116 = tpu.memref_slice %dma_wait3A_114[%arg1, %dma_wait3A_115] : memref<16x20736xi32, #tpu.memory_space<hbm>> -> memref<1x20736xi32, #tpu.memory_space<hbm>>
      %dma_wait3A_117 = tpu.memref_squeeze %dma_wait3A_116 : memref<1x20736xi32, #tpu.memory_space<hbm>> -> memref<20736xi32, #tpu.memory_space<hbm>>
      tpu.wait_dma2 semaphore(%run_scoped3A : memref<!tpu.dma_semaphore, #tpu.memory_space<semaphore_mem>>) src(%dma_wait3A_117 : memref<20736xi32, #tpu.memory_space<hbm>>) dst(%arg6 : memref<20736xi32, #tpu.memory_space<vmem>>)
      tpu.yield
    }) : () -> ()
    "tpu.region"() ({
      %run_scoped3A = tpu.sem_alloc : memref<!tpu.dma_semaphore, #tpu.memory_space<semaphore_mem>>
      %dma_start3A_90 = arith.constant 0 : i32
      %dma_start3A_91 = arith.constant 0 : i32
      %dma_start3A_92 = tpu.memref_slice %arg4[%arg0, %dma_start3A_90, %dma_start3A_91] : memref<2x16x20736xi32, #tpu.memory_space<hbm>> -> memref<1x16x20736xi32, #tpu.memory_space<hbm>>
      %dma_start3A_93 = tpu.memref_squeeze %dma_start3A_92 : memref<1x16x20736xi32, #tpu.memory_space<hbm>> -> memref<16x20736xi32, #tpu.memory_space<hbm>>
      %dma_start3A_94 = arith.constant 0 : i32
      %dma_start3A_95 = tpu.memref_slice %dma_start3A_93[%arg1, %dma_start3A_94] : memref<16x20736xi32, #tpu.memory_space<hbm>> -> memref<1x20736xi32, #tpu.memory_space<hbm>>
      %dma_start3A_96 = tpu.memref_squeeze %dma_start3A_95 : memref<1x20736xi32, #tpu.memory_space<hbm>> -> memref<20736xi32, #tpu.memory_space<hbm>>
      %dma_start3A_97 = arith.constant 0 : i32
      %dma_start3A_98 = arith.constant 0 : i32
      %dma_start3A_99 = tpu.memref_slice %arg4[%arg0, %dma_start3A_97, %dma_start3A_98] : memref<2x16x20736xi32, #tpu.memory_space<hbm>> -> memref<1x16x20736xi32, #tpu.memory_space<hbm>>
      %dma_start3A_100 = tpu.memref_squeeze %dma_start3A_99 : memref<1x16x20736xi32, #tpu.memory_space<hbm>> -> memref<16x20736xi32, #tpu.memory_space<hbm>>
      %dma_start3A_101 = arith.constant 0 : i32
      %dma_start3A_102 = tpu.memref_slice %dma_start3A_100[%arg1, %dma_start3A_101] : memref<16x20736xi32, #tpu.memory_space<hbm>> -> memref<1x20736xi32, #tpu.memory_space<hbm>>
      %dma_start3A_103 = tpu.memref_squeeze %dma_start3A_102 : memref<1x20736xi32, #tpu.memory_space<hbm>> -> memref<20736xi32, #tpu.memory_space<hbm>>
      tpu.enqueue_dma source(%dma_start3A_103 : memref<20736xi32, #tpu.memory_space<hbm>>) target(%arg7 : memref<20736xi32, #tpu.memory_space<vmem>>) target_semaphore(%run_scoped3A : memref<!tpu.dma_semaphore, #tpu.memory_space<semaphore_mem>>)
      %dma_wait3A_104 = arith.constant 0 : i32
      %dma_wait3A_105 = arith.constant 0 : i32
      %dma_wait3A_106 = tpu.memref_slice %arg4[%arg0, %dma_wait3A_104, %dma_wait3A_105] : memref<2x16x20736xi32, #tpu.memory_space<hbm>> -> memref<1x16x20736xi32, #tpu.memory_space<hbm>>
      %dma_wait3A_107 = tpu.memref_squeeze %dma_wait3A_106 : memref<1x16x20736xi32, #tpu.memory_space<hbm>> -> memref<16x20736xi32, #tpu.memory_space<hbm>>
      %dma_wait3A_108 = arith.constant 0 : i32
      %dma_wait3A_109 = tpu.memref_slice %dma_wait3A_107[%arg1, %dma_wait3A_108] : memref<16x20736xi32, #tpu.memory_space<hbm>> -> memref<1x20736xi32, #tpu.memory_space<hbm>>
      %dma_wait3A_110 = tpu.memref_squeeze %dma_wait3A_109 : memref<1x20736xi32, #tpu.memory_space<hbm>> -> memref<20736xi32, #tpu.memory_space<hbm>>
      %dma_wait3A_111 = arith.constant 0 : i32
      %dma_wait3A_112 = arith.constant 0 : i32
      %dma_wait3A_113 = tpu.memref_slice %arg4[%arg0, %dma_wait3A_111, %dma_wait3A_112] : memref<2x16x20736xi32, #tpu.memory_space<hbm>> -> memref<1x16x20736xi32, #tpu.memory_space<hbm>>
      %dma_wait3A_114 = tpu.memref_squeeze %dma_wait3A_113 : memref<1x16x20736xi32, #tpu.memory_space<hbm>> -> memref<16x20736xi32, #tpu.memory_space<hbm>>
      %dma_wait3A_115 = arith.constant 0 : i32
      %dma_wait3A_116 = tpu.memref_slice %dma_wait3A_114[%arg1, %dma_wait3A_115] : memref<16x20736xi32, #tpu.memory_space<hbm>> -> memref<1x20736xi32, #tpu.memory_space<hbm>>
      %dma_wait3A_117 = tpu.memref_squeeze %dma_wait3A_116 : memref<1x20736xi32, #tpu.memory_space<hbm>> -> memref<20736xi32, #tpu.memory_space<hbm>>
      tpu.wait_dma2 semaphore(%run_scoped3A : memref<!tpu.dma_semaphore, #tpu.memory_space<semaphore_mem>>) src(%dma_wait3A_117 : memref<20736xi32, #tpu.memory_space<hbm>>) dst(%arg7 : memref<20736xi32, #tpu.memory_space<vmem>>)
      tpu.yield
    }) : () -> ()
    %get3A = arith.constant 20608 : index
    %get3A_17 = tpu.vector_load %arg7[%get3A] {strides = array<i32>} : memref<20736xi32, #tpu.memory_space<vmem>>, vector<16xi32>,
    %reduce_sum3A = arith.constant true
    %reduce_sum3A_18 = vector.broadcast %reduce_sum3A : i1 to vector<16xi1>
    %reduce_sum3A_19 = tpu.scan <sum>, %get3A_17 masked %reduce_sum3A_18 : vector<16xi32>, vector<16xi1> -> vector<16xi32>
    %reduce_sum3A_20 = vector.extract %reduce_sum3A_19[15] : i32 from vector<16xi32>
    %shift_right_arithmetic3A = arith.constant 4 : i32
    %shift_right_arithmetic3A_21 = arith.shrsi %reduce_sum3A_20, %shift_right_arithmetic3A : i32
    %add3A_22 = arith.constant 128 : i32
    %add3A_23 = arith.addi %shift_right_arithmetic3A_21, %add3A_22 : i32
    %sub3A = arith.constant 1 : i32
    %sub3A_24 = arith.subi %add3A_23, %sub3A : i32
    %shift_right_arithmetic3A_25 = arith.constant 7 : i32
    %shift_right_arithmetic3A_26 = arith.shrsi %sub3A_24, %shift_right_arithmetic3A_25 : i32
    %mul3A_27 = arith.constant 43691 : i32
    %mul3A_28 = arith.muli %shift_right_arithmetic3A_26, %mul3A_27 : i32
    %shift_right_arithmetic3A_29 = arith.constant 17 : i32
    %shift_right_arithmetic3A_30 = arith.shrsi %mul3A_28, %shift_right_arithmetic3A_29 : i32
    %eq3A = arith.constant 0 : i32
    %eq3A_31 = arith.cmpi eq, %arg0, %eq3A : i32
    %jit3A = arith.constant 5008 : i32
    %jit3A_32 = arith.constant 4992 : i32
    %select_n3A = arith.select %eq3A_31, %jit3A, %jit3A_32 : i32
    %barrier3A = arith.constant 0 : index
    tpu.barrier barrier_id(%barrier3A)
    %mul3A_33 = arith.constant 128 : i32
    %mul3A_34 = arith.muli %shift_right_arithmetic3A_26, %mul3A_33 : i32
    %dma_start3A = tpu.memref_slice %arg7[%mul3A_34] : memref<20736xi32, #tpu.memory_space<vmem>> -> memref<128xi32, #tpu.memory_space<vmem>>
    %dma_start3A_35 = arith.constant 0 : i32
    %dma_start3A_36 = arith.constant 0 : i32
    %dma_start3A_37 = tpu.memref_slice %arg11[%dma_start3A_35, %dma_start3A_36] : memref<5024x128xf32, #tpu.memory_space<vmem_shared>> -> memref<5024x128xf32, #tpu.memory_space<vmem_shared>>
    tpu.enqueue_indirect_dma source(%arg8 : memref<128x128xf32, #tpu.memory_space<vmem>>) target(%dma_start3A_37 : memref<5024x128xf32, #tpu.memory_space<vmem_shared>>) offsets(%dma_start3A : memref<128xi32, #tpu.memory_space<vmem>>) semaphore(%arg15 : memref<!tpu.dma_semaphore, #tpu.memory_space<semaphore_mem>>) {add = true}
    %dma_start3A_38 = tpu.memref_slice %arg7[%mul3A_34] : memref<20736xi32, #tpu.memory_space<vmem>> -> memref<128xi32, #tpu.memory_space<vmem>>
    %dma_start3A_39 = arith.constant 0 : i32
    %dma_start3A_40 = arith.constant 0 : i32
    %dma_start3A_41 = tpu.memref_slice %arg11[%dma_start3A_39, %dma_start3A_40] : memref<5024x128xf32, #tpu.memory_space<vmem_shared>> -> memref<5024x128xf32, #tpu.memory_space<vmem_shared>>
    tpu.enqueue_indirect_dma source(%arg8 : memref<128x128xf32, #tpu.memory_space<vmem>>) target(%dma_start3A_41 : memref<5024x128xf32, #tpu.memory_space<vmem_shared>>) offsets(%dma_start3A_38 : memref<128xi32, #tpu.memory_space<vmem>>) semaphore(%arg16 : memref<!tpu.dma_semaphore, #tpu.memory_space<semaphore_mem>>) {add = true}
    %dma_start3A_42 = tpu.memref_slice %arg7[%mul3A_34] : memref<20736xi32, #tpu.memory_space<vmem>> -> memref<128xi32, #tpu.memory_space<vmem>>
    %dma_start3A_43 = arith.constant 0 : i32
    %dma_start3A_44 = arith.constant 0 : i32
    %dma_start3A_45 = tpu.memref_slice %arg11[%dma_start3A_43, %dma_start3A_44] : memref<5024x128xf32, #tpu.memory_space<vmem_shared>> -> memref<5024x128xf32, #tpu.memory_space<vmem_shared>>
    tpu.enqueue_indirect_dma source(%arg8 : memref<128x128xf32, #tpu.memory_space<vmem>>) target(%dma_start3A_45 : memref<5024x128xf32, #tpu.memory_space<vmem_shared>>) offsets(%dma_start3A_42 : memref<128xi32, #tpu.memory_space<vmem>>) semaphore(%arg17 : memref<!tpu.dma_semaphore, #tpu.memory_space<semaphore_mem>>) {add = true}
    %while3A = arith.constant 0 : i32
    %while3A_46 = arith.constant 0 : i32
    %while3A_47 = arith.subi %shift_right_arithmetic3A_30, %while3A : i32
    %while3A_48 = arith.addi %while3A, %while3A_47 : i32
    %while3A_49 = arith.constant 1 : i32
    %while3A_50 = arith.divsi %while3A_47, %while3A_49 : i32
    %while3A_51 = arith.muli %while3A_50, %while3A_49 : i32
    %while3A_52 = arith.addi %while3A, %while3A_51 : i32
    %while3A_53 = arith.constant 1 : i32
    %while3A_54 = scf.for %while3A_90 = %while3A to %while3A_52 step %while3A_53 iter_args(%while3A_91 = %while3A_46) -> (i32)  : i32 {
      %mul3A_92 = arith.constant 3 : i32
      %mul3A_93 = arith.muli %mul3A_92, %while3A_90 : i32
      %dma_wait3A_94 = tpu.memref_slice %arg7[%mul3A_34] : memref<20736xi32, #tpu.memory_space<vmem>> -> memref<128xi32, #tpu.memory_space<vmem>>
      %dma_wait3A_95 = arith.constant 0 : i32
      %dma_wait3A_96 = arith.constant 0 : i32
      %dma_wait3A_97 = tpu.memref_slice %arg11[%dma_wait3A_95, %dma_wait3A_96] : memref<5024x128xf32, #tpu.memory_space<vmem_shared>> -> memref<5024x128xf32, #tpu.memory_space<vmem_shared>>
      tpu.wait_indirect_dma semaphore(%arg15 : memref<!tpu.dma_semaphore, #tpu.memory_space<semaphore_mem>>) src(%arg8 : memref<128x128xf32, #tpu.memory_space<vmem>>) dst(%dma_wait3A_97 : memref<5024x128xf32, #tpu.memory_space<vmem_shared>>)
      %dma_wait3A_98 = tpu.memref_slice %arg7[%mul3A_34] : memref<20736xi32, #tpu.memory_space<vmem>> -> memref<128xi32, #tpu.memory_space<vmem>>
      %dma_wait3A_99 = arith.constant 0 : i32
      %dma_wait3A_100 = arith.constant 0 : i32
      %dma_wait3A_101 = tpu.memref_slice %arg11[%dma_wait3A_99, %dma_wait3A_100] : memref<5024x128xf32, #tpu.memory_space<vmem_shared>> -> memref<5024x128xf32, #tpu.memory_space<vmem_shared>>
      tpu.wait_indirect_dma semaphore(%arg16 : memref<!tpu.dma_semaphore, #tpu.memory_space<semaphore_mem>>) src(%arg9 : memref<128x128xf32, #tpu.memory_space<vmem>>) dst(%dma_wait3A_101 : memref<5024x128xf32, #tpu.memory_space<vmem_shared>>)
      %dma_wait3A_102 = tpu.memref_slice %arg7[%mul3A_34] : memref<20736xi32, #tpu.memory_space<vmem>> -> memref<128xi32, #tpu.memory_space<vmem>>
      %dma_wait3A_103 = arith.constant 0 : i32
      %dma_wait3A_104 = arith.constant 0 : i32
      %dma_wait3A_105 = tpu.memref_slice %arg11[%dma_wait3A_103, %dma_wait3A_104] : memref<5024x128xf32, #tpu.memory_space<vmem_shared>> -> memref<5024x128xf32, #tpu.memory_space<vmem_shared>>
      tpu.wait_indirect_dma semaphore(%arg17 : memref<!tpu.dma_semaphore, #tpu.memory_space<semaphore_mem>>) src(%arg10 : memref<128x128xf32, #tpu.memory_space<vmem>>) dst(%dma_wait3A_105 : memref<5024x128xf32, #tpu.memory_space<vmem_shared>>)
      %add3A_106 = arith.constant 0 : i32
      %add3A_107 = arith.addi %mul3A_93, %add3A_106 : i32
      %mul3A_108 = arith.constant 128 : i32
      %mul3A_109 = arith.muli %add3A_107, %mul3A_108 : i32
      %dma_start3A_110 = tpu.memref_slice %arg6[%mul3A_109] : memref<20736xi32, #tpu.memory_space<vmem>> -> memref<128xi32, #tpu.memory_space<vmem>>
      %dma_start3A_111 = arith.constant 0 : i32
      %dma_start3A_112 = arith.constant 0 : i32
      %dma_start3A_113 = tpu.memref_slice %arg2[%dma_start3A_111, %dma_start3A_112] : memref<10000x128xf32, #tpu.memory_space<hbm>> -> memref<10000x128xf32, #tpu.memory_space<hbm>>
      tpu.enqueue_indirect_dma source(%dma_start3A_113 : memref<10000x128xf32, #tpu.memory_space<hbm>>) target(%arg8 : memref<128x128xf32, #tpu.memory_space<vmem>>) offsets(%dma_start3A_110 : memref<128xi32, #tpu.memory_space<vmem>>) semaphore(%arg12 : memref<!tpu.dma_semaphore, #tpu.memory_space<semaphore_mem>>)
      %add3A_114 = arith.constant 1 : i32
      %add3A_115 = arith.addi %mul3A_93, %add3A_114 : i32
      %mul3A_116 = arith.constant 128 : i32
      %mul3A_117 = arith.muli %add3A_115, %mul3A_116 : i32
      %dma_start3A_118 = tpu.memref_slice %arg6[%mul3A_117] : memref<20736xi32, #tpu.memory_space<vmem>> -> memref<128xi32, #tpu.memory_space<vmem>>
      %dma_start3A_119 = arith.constant 0 : i32
      %dma_start3A_120 = arith.constant 0 : i32
      %dma_start3A_121 = tpu.memref_slice %arg2[%dma_start3A_119, %dma_start3A_120] : memref<10000x128xf32, #tpu.memory_space<hbm>> -> memref<10000x128xf32, #tpu.memory_space<hbm>>
      tpu.enqueue_indirect_dma source(%dma_start3A_121 : memref<10000x128xf32, #tpu.memory_space<hbm>>) target(%arg9 : memref<128x128xf32, #tpu.memory_space<vmem>>) offsets(%dma_start3A_118 : memref<128xi32, #tpu.memory_space<vmem>>) semaphore(%arg13 : memref<!tpu.dma_semaphore, #tpu.memory_space<semaphore_mem>>)
      %add3A_122 = arith.constant 2 : i32
      %add3A_123 = arith.addi %mul3A_93, %add3A_122 : i32
      %mul3A_124 = arith.constant 128 : i32
      %mul3A_125 = arith.muli %add3A_123, %mul3A_124 : i32
      %dma_start3A_126 = tpu.memref_slice %arg6[%mul3A_125] : memref<20736xi32, #tpu.memory_space<vmem>> -> memref<128xi32, #tpu.memory_space<vmem>>
      %dma_start3A_127 = arith.constant 0 : i32
      %dma_start3A_128 = arith.constant 0 : i32
      %dma_start3A_129 = tpu.memref_slice %arg2[%dma_start3A_127, %dma_start3A_128] : memref<10000x128xf32, #tpu.memory_space<hbm>> -> memref<10000x128xf32, #tpu.memory_space<hbm>>
      tpu.enqueue_indirect_dma source(%dma_start3A_129 : memref<10000x128xf32, #tpu.memory_space<hbm>>) target(%arg10 : memref<128x128xf32, #tpu.memory_space<vmem>>) offsets(%dma_start3A_126 : memref<128xi32, #tpu.memory_space<vmem>>) semaphore(%arg14 : memref<!tpu.dma_semaphore, #tpu.memory_space<semaphore_mem>>)
      %dma_wait3A_130 = tpu.memref_slice %arg6[%mul3A_109] : memref<20736xi32, #tpu.memory_space<vmem>> -> memref<128xi32, #tpu.memory_space<vmem>>
      %dma_wait3A_131 = arith.constant 0 : i32
      %dma_wait3A_132 = arith.constant 0 : i32
      %dma_wait3A_133 = tpu.memref_slice %arg2[%dma_wait3A_131, %dma_wait3A_132] : memref<10000x128xf32, #tpu.memory_space<hbm>> -> memref<10000x128xf32, #tpu.memory_space<hbm>>
      tpu.wait_indirect_dma semaphore(%arg12 : memref<!tpu.dma_semaphore, #tpu.memory_space<semaphore_mem>>) src(%dma_wait3A_133 : memref<10000x128xf32, #tpu.memory_space<hbm>>) dst(%arg8 : memref<128x128xf32, #tpu.memory_space<vmem>>)
      %add3A_134 = arith.constant 0 : i32
      %add3A_135 = arith.addi %mul3A_93, %add3A_134 : i32
      %mul3A_136 = arith.constant 128 : i32
      %mul3A_137 = arith.muli %add3A_135, %mul3A_136 : i32
      %dma_start3A_138 = tpu.memref_slice %arg7[%mul3A_137] : memref<20736xi32, #tpu.memory_space<vmem>> -> memref<128xi32, #tpu.memory_space<vmem>>
      %dma_start3A_139 = arith.constant 0 : i32
      %dma_start3A_140 = arith.constant 0 : i32
      %dma_start3A_141 = tpu.memref_slice %arg11[%dma_start3A_139, %dma_start3A_140] : memref<5024x128xf32, #tpu.memory_space<vmem_shared>> -> memref<5024x128xf32, #tpu.memory_space<vmem_shared>>
      tpu.enqueue_indirect_dma source(%arg8 : memref<128x128xf32, #tpu.memory_space<vmem>>) target(%dma_start3A_141 : memref<5024x128xf32, #tpu.memory_space<vmem_shared>>) offsets(%dma_start3A_138 : memref<128xi32, #tpu.memory_space<vmem>>) semaphore(%arg15 : memref<!tpu.dma_semaphore, #tpu.memory_space<semaphore_mem>>) {add = true}
      %dma_wait3A_142 = tpu.memref_slice %arg6[%mul3A_117] : memref<20736xi32, #tpu.memory_space<vmem>> -> memref<128xi32, #tpu.memory_space<vmem>>
      %dma_wait3A_143 = arith.constant 0 : i32
      %dma_wait3A_144 = arith.constant 0 : i32
      %dma_wait3A_145 = tpu.memref_slice %arg2[%dma_wait3A_143, %dma_wait3A_144] : memref<10000x128xf32, #tpu.memory_space<hbm>> -> memref<10000x128xf32, #tpu.memory_space<hbm>>
      tpu.wait_indirect_dma semaphore(%arg13 : memref<!tpu.dma_semaphore, #tpu.memory_space<semaphore_mem>>) src(%dma_wait3A_145 : memref<10000x128xf32, #tpu.memory_space<hbm>>) dst(%arg9 : memref<128x128xf32, #tpu.memory_space<vmem>>)
      %add3A_146 = arith.constant 1 : i32
      %add3A_147 = arith.addi %mul3A_93, %add3A_146 : i32
      %mul3A_148 = arith.constant 128 : i32
      %mul3A_149 = arith.muli %add3A_147, %mul3A_148 : i32
      %dma_start3A_150 = tpu.memref_slice %arg7[%mul3A_149] : memref<20736xi32, #tpu.memory_space<vmem>> -> memref<128xi32, #tpu.memory_space<vmem>>
      %dma_start3A_151 = arith.constant 0 : i32
      %dma_start3A_152 = arith.constant 0 : i32
      %dma_start3A_153 = tpu.memref_slice %arg11[%dma_start3A_151, %dma_start3A_152] : memref<5024x128xf32, #tpu.memory_space<vmem_shared>> -> memref<5024x128xf32, #tpu.memory_space<vmem_shared>>
      tpu.enqueue_indirect_dma source(%arg9 : memref<128x128xf32, #tpu.memory_space<vmem>>) target(%dma_start3A_153 : memref<5024x128xf32, #tpu.memory_space<vmem_shared>>) offsets(%dma_start3A_150 : memref<128xi32, #tpu.memory_space<vmem>>) semaphore(%arg16 : memref<!tpu.dma_semaphore, #tpu.memory_space<semaphore_mem>>) {add = true}
      %dma_wait3A_154 = tpu.memref_slice %arg6[%mul3A_125] : memref<20736xi32, #tpu.memory_space<vmem>> -> memref<128xi32, #tpu.memory_space<vmem>>
      %dma_wait3A_155 = arith.constant 0 : i32
      %dma_wait3A_156 = arith.constant 0 : i32
      %dma_wait3A_157 = tpu.memref_slice %arg2[%dma_wait3A_155, %dma_wait3A_156] : memref<10000x128xf32, #tpu.memory_space<hbm>> -> memref<10000x128xf32, #tpu.memory_space<hbm>>
      tpu.wait_indirect_dma semaphore(%arg14 : memref<!tpu.dma_semaphore, #tpu.memory_space<semaphore_mem>>) src(%dma_wait3A_157 : memref<10000x128xf32, #tpu.memory_space<hbm>>) dst(%arg10 : memref<128x128xf32, #tpu.memory_space<vmem>>)
      %add3A_158 = arith.constant 2 : i32
      %add3A_159 = arith.addi %mul3A_93, %add3A_158 : i32
      %mul3A_160 = arith.constant 128 : i32
      %mul3A_161 = arith.muli %add3A_159, %mul3A_160 : i32
      %dma_start3A_162 = tpu.memref_slice %arg7[%mul3A_161] : memref<20736xi32, #tpu.memory_space<vmem>> -> memref<128xi32, #tpu.memory_space<vmem>>
      %dma_start3A_163 = arith.constant 0 : i32
      %dma_start3A_164 = arith.constant 0 : i32
      %dma_start3A_165 = tpu.memref_slice %arg11[%dma_start3A_163, %dma_start3A_164] : memref<5024x128xf32, #tpu.memory_space<vmem_shared>> -> memref<5024x128xf32, #tpu.memory_space<vmem_shared>>
      tpu.enqueue_indirect_dma source(%arg10 : memref<128x128xf32, #tpu.memory_space<vmem>>) target(%dma_start3A_165 : memref<5024x128xf32, #tpu.memory_space<vmem_shared>>) offsets(%dma_start3A_162 : memref<128xi32, #tpu.memory_space<vmem>>) semaphore(%arg17 : memref<!tpu.dma_semaphore, #tpu.memory_space<semaphore_mem>>) {add = true}
      %while3A_166 = arith.constant 0 : i32
      scf.yield %while3A_166 : i32
    }
    %while3A_55 = arith.constant 1 : i32
    %while3A_56 = scf.for %while3A_90 = %while3A_52 to %while3A_48 step %while3A_55 iter_args(%while3A_91 = %while3A_54) -> (i32)  : i32 {
      %mul3A_92 = arith.constant 3 : i32
      %mul3A_93 = arith.muli %mul3A_92, %while3A_90 : i32
      %dma_wait3A_94 = tpu.memref_slice %arg7[%mul3A_34] : memref<20736xi32, #tpu.memory_space<vmem>> -> memref<128xi32, #tpu.memory_space<vmem>>
      %dma_wait3A_95 = arith.constant 0 : i32
      %dma_wait3A_96 = arith.constant 0 : i32
      %dma_wait3A_97 = tpu.memref_slice %arg11[%dma_wait3A_95, %dma_wait3A_96] : memref<5024x128xf32, #tpu.memory_space<vmem_shared>> -> memref<5024x128xf32, #tpu.memory_space<vmem_shared>>
      tpu.wait_indirect_dma semaphore(%arg15 : memref<!tpu.dma_semaphore, #tpu.memory_space<semaphore_mem>>) src(%arg8 : memref<128x128xf32, #tpu.memory_space<vmem>>) dst(%dma_wait3A_97 : memref<5024x128xf32, #tpu.memory_space<vmem_shared>>)
      %dma_wait3A_98 = tpu.memref_slice %arg7[%mul3A_34] : memref<20736xi32, #tpu.memory_space<vmem>> -> memref<128xi32, #tpu.memory_space<vmem>>
      %dma_wait3A_99 = arith.constant 0 : i32
      %dma_wait3A_100 = arith.constant 0 : i32
      %dma_wait3A_101 = tpu.memref_slice %arg11[%dma_wait3A_99, %dma_wait3A_100] : memref<5024x128xf32, #tpu.memory_space<vmem_shared>> -> memref<5024x128xf32, #tpu.memory_space<vmem_shared>>
      tpu.wait_indirect_dma semaphore(%arg16 : memref<!tpu.dma_semaphore, #tpu.memory_space<semaphore_mem>>) src(%arg9 : memref<128x128xf32, #tpu.memory_space<vmem>>) dst(%dma_wait3A_101 : memref<5024x128xf32, #tpu.memory_space<vmem_shared>>)
      %dma_wait3A_102 = tpu.memref_slice %arg7[%mul3A_34] : memref<20736xi32, #tpu.memory_space<vmem>> -> memref<128xi32, #tpu.memory_space<vmem>>
      %dma_wait3A_103 = arith.constant 0 : i32
      %dma_wait3A_104 = arith.constant 0 : i32
      %dma_wait3A_105 = tpu.memref_slice %arg11[%dma_wait3A_103, %dma_wait3A_104] : memref<5024x128xf32, #tpu.memory_space<vmem_shared>> -> memref<5024x128xf32, #tpu.memory_space<vmem_shared>>
      tpu.wait_indirect_dma semaphore(%arg17 : memref<!tpu.dma_semaphore, #tpu.memory_space<semaphore_mem>>) src(%arg10 : memref<128x128xf32, #tpu.memory_space<vmem>>) dst(%dma_wait3A_105 : memref<5024x128xf32, #tpu.memory_space<vmem_shared>>)
      %add3A_106 = arith.constant 0 : i32
      %add3A_107 = arith.addi %mul3A_93, %add3A_106 : i32
      %mul3A_108 = arith.constant 128 : i32
      %mul3A_109 = arith.muli %add3A_107, %mul3A_108 : i32
      %dma_start3A_110 = tpu.memref_slice %arg6[%mul3A_109] : memref<20736xi32, #tpu.memory_space<vmem>> -> memref<128xi32, #tpu.memory_space<vmem>>
      %dma_start3A_111 = arith.constant 0 : i32
      %dma_start3A_112 = arith.constant 0 : i32
      %dma_start3A_113 = tpu.memref_slice %arg2[%dma_start3A_111, %dma_start3A_112] : memref<10000x128xf32, #tpu.memory_space<hbm>> -> memref<10000x128xf32, #tpu.memory_space<hbm>>
      tpu.enqueue_indirect_dma source(%dma_start3A_113 : memref<10000x128xf32, #tpu.memory_space<hbm>>) target(%arg8 : memref<128x128xf32, #tpu.memory_space<vmem>>) offsets(%dma_start3A_110 : memref<128xi32, #tpu.memory_space<vmem>>) semaphore(%arg12 : memref<!tpu.dma_semaphore, #tpu.memory_space<semaphore_mem>>)
      %add3A_114 = arith.constant 1 : i32
      %add3A_115 = arith.addi %mul3A_93, %add3A_114 : i32
      %mul3A_116 = arith.constant 128 : i32
      %mul3A_117 = arith.muli %add3A_115, %mul3A_116 : i32
      %dma_start3A_118 = tpu.memref_slice %arg6[%mul3A_117] : memref<20736xi32, #tpu.memory_space<vmem>> -> memref<128xi32, #tpu.memory_space<vmem>>
      %dma_start3A_119 = arith.constant 0 : i32
      %dma_start3A_120 = arith.constant 0 : i32
      %dma_start3A_121 = tpu.memref_slice %arg2[%dma_start3A_119, %dma_start3A_120] : memref<10000x128xf32, #tpu.memory_space<hbm>> -> memref<10000x128xf32, #tpu.memory_space<hbm>>
      tpu.enqueue_indirect_dma source(%dma_start3A_121 : memref<10000x128xf32, #tpu.memory_space<hbm>>) target(%arg9 : memref<128x128xf32, #tpu.memory_space<vmem>>) offsets(%dma_start3A_118 : memref<128xi32, #tpu.memory_space<vmem>>) semaphore(%arg13 : memref<!tpu.dma_semaphore, #tpu.memory_space<semaphore_mem>>)
      %add3A_122 = arith.constant 2 : i32
      %add3A_123 = arith.addi %mul3A_93, %add3A_122 : i32
      %mul3A_124 = arith.constant 128 : i32
      %mul3A_125 = arith.muli %add3A_123, %mul3A_124 : i32
      %dma_start3A_126 = tpu.memref_slice %arg6[%mul3A_125] : memref<20736xi32, #tpu.memory_space<vmem>> -> memref<128xi32, #tpu.memory_space<vmem>>
      %dma_start3A_127 = arith.constant 0 : i32
      %dma_start3A_128 = arith.constant 0 : i32
      %dma_start3A_129 = tpu.memref_slice %arg2[%dma_start3A_127, %dma_start3A_128] : memref<10000x128xf32, #tpu.memory_space<hbm>> -> memref<10000x128xf32, #tpu.memory_space<hbm>>
      tpu.enqueue_indirect_dma source(%dma_start3A_129 : memref<10000x128xf32, #tpu.memory_space<hbm>>) target(%arg10 : memref<128x128xf32, #tpu.memory_space<vmem>>) offsets(%dma_start3A_126 : memref<128xi32, #tpu.memory_space<vmem>>) semaphore(%arg14 : memref<!tpu.dma_semaphore, #tpu.memory_space<semaphore_mem>>)
      %dma_wait3A_130 = tpu.memref_slice %arg6[%mul3A_109] : memref<20736xi32, #tpu.memory_space<vmem>> -> memref<128xi32, #tpu.memory_space<vmem>>
      %dma_wait3A_131 = arith.constant 0 : i32
      %dma_wait3A_132 = arith.constant 0 : i32
      %dma_wait3A_133 = tpu.memref_slice %arg2[%dma_wait3A_131, %dma_wait3A_132] : memref<10000x128xf32, #tpu.memory_space<hbm>> -> memref<10000x128xf32, #tpu.memory_space<hbm>>
      tpu.wait_indirect_dma semaphore(%arg12 : memref<!tpu.dma_semaphore, #tpu.memory_space<semaphore_mem>>) src(%dma_wait3A_133 : memref<10000x128xf32, #tpu.memory_space<hbm>>) dst(%arg8 : memref<128x128xf32, #tpu.memory_space<vmem>>)
      %add3A_134 = arith.constant 0 : i32
      %add3A_135 = arith.addi %mul3A_93, %add3A_134 : i32
      %mul3A_136 = arith.constant 128 : i32
      %mul3A_137 = arith.muli %add3A_135, %mul3A_136 : i32
      %dma_start3A_138 = tpu.memref_slice %arg7[%mul3A_137] : memref<20736xi32, #tpu.memory_space<vmem>> -> memref<128xi32, #tpu.memory_space<vmem>>
      %dma_start3A_139 = arith.constant 0 : i32
      %dma_start3A_140 = arith.constant 0 : i32
      %dma_start3A_141 = tpu.memref_slice %arg11[%dma_start3A_139, %dma_start3A_140] : memref<5024x128xf32, #tpu.memory_space<vmem_shared>> -> memref<5024x128xf32, #tpu.memory_space<vmem_shared>>
      tpu.enqueue_indirect_dma source(%arg8 : memref<128x128xf32, #tpu.memory_space<vmem>>) target(%dma_start3A_141 : memref<5024x128xf32, #tpu.memory_space<vmem_shared>>) offsets(%dma_start3A_138 : memref<128xi32, #tpu.memory_space<vmem>>) semaphore(%arg15 : memref<!tpu.dma_semaphore, #tpu.memory_space<semaphore_mem>>) {add = true}
      %dma_wait3A_142 = tpu.memref_slice %arg6[%mul3A_117] : memref<20736xi32, #tpu.memory_space<vmem>> -> memref<128xi32, #tpu.memory_space<vmem>>
      %dma_wait3A_143 = arith.constant 0 : i32
      %dma_wait3A_144 = arith.constant 0 : i32
      %dma_wait3A_145 = tpu.memref_slice %arg2[%dma_wait3A_143, %dma_wait3A_144] : memref<10000x128xf32, #tpu.memory_space<hbm>> -> memref<10000x128xf32, #tpu.memory_space<hbm>>
      tpu.wait_indirect_dma semaphore(%arg13 : memref<!tpu.dma_semaphore, #tpu.memory_space<semaphore_mem>>) src(%dma_wait3A_145 : memref<10000x128xf32, #tpu.memory_space<hbm>>) dst(%arg9 : memref<128x128xf32, #tpu.memory_space<vmem>>)
      %add3A_146 = arith.constant 1 : i32
      %add3A_147 = arith.addi %mul3A_93, %add3A_146 : i32
      %mul3A_148 = arith.constant 128 : i32
      %mul3A_149 = arith.muli %add3A_147, %mul3A_148 : i32
      %dma_start3A_150 = tpu.memref_slice %arg7[%mul3A_149] : memref<20736xi32, #tpu.memory_space<vmem>> -> memref<128xi32, #tpu.memory_space<vmem>>
      %dma_start3A_151 = arith.constant 0 : i32
      %dma_start3A_152 = arith.constant 0 : i32
      %dma_start3A_153 = tpu.memref_slice %arg11[%dma_start3A_151, %dma_start3A_152] : memref<5024x128xf32, #tpu.memory_space<vmem_shared>> -> memref<5024x128xf32, #tpu.memory_space<vmem_shared>>
      tpu.enqueue_indirect_dma source(%arg9 : memref<128x128xf32, #tpu.memory_space<vmem>>) target(%dma_start3A_153 : memref<5024x128xf32, #tpu.memory_space<vmem_shared>>) offsets(%dma_start3A_150 : memref<128xi32, #tpu.memory_space<vmem>>) semaphore(%arg16 : memref<!tpu.dma_semaphore, #tpu.memory_space<semaphore_mem>>) {add = true}
      %dma_wait3A_154 = tpu.memref_slice %arg6[%mul3A_125] : memref<20736xi32, #tpu.memory_space<vmem>> -> memref<128xi32, #tpu.memory_space<vmem>>
      %dma_wait3A_155 = arith.constant 0 : i32
      %dma_wait3A_156 = arith.constant 0 : i32
      %dma_wait3A_157 = tpu.memref_slice %arg2[%dma_wait3A_155, %dma_wait3A_156] : memref<10000x128xf32, #tpu.memory_space<hbm>> -> memref<10000x128xf32, #tpu.memory_space<hbm>>
      tpu.wait_indirect_dma semaphore(%arg14 : memref<!tpu.dma_semaphore, #tpu.memory_space<semaphore_mem>>) src(%dma_wait3A_157 : memref<10000x128xf32, #tpu.memory_space<hbm>>) dst(%arg10 : memref<128x128xf32, #tpu.memory_space<vmem>>)
      %add3A_158 = arith.constant 2 : i32
      %add3A_159 = arith.addi %mul3A_93, %add3A_158 : i32
      %mul3A_160 = arith.constant 128 : i32
      %mul3A_161 = arith.muli %add3A_159, %mul3A_160 : i32
      %dma_start3A_162 = tpu.memref_slice %arg7[%mul3A_161] : memref<20736xi32, #tpu.memory_space<vmem>> -> memref<128xi32, #tpu.memory_space<vmem>>
      %dma_start3A_163 = arith.constant 0 : i32
      %dma_start3A_164 = arith.constant 0 : i32
      %dma_start3A_165 = tpu.memref_slice %arg11[%dma_start3A_163, %dma_start3A_164] : memref<5024x128xf32, #tpu.memory_space<vmem_shared>> -> memref<5024x128xf32, #tpu.memory_space<vmem_shared>>
      tpu.enqueue_indirect_dma source(%arg10 : memref<128x128xf32, #tpu.memory_space<vmem>>) target(%dma_start3A_165 : memref<5024x128xf32, #tpu.memory_space<vmem_shared>>) offsets(%dma_start3A_162 : memref<128xi32, #tpu.memory_space<vmem>>) semaphore(%arg17 : memref<!tpu.dma_semaphore, #tpu.memory_space<semaphore_mem>>) {add = true}
      %while3A_166 = arith.constant 0 : i32
      scf.yield %while3A_166 : i32
    }
    %mul3A_57 = arith.constant 3 : i32
    %mul3A_58 = arith.muli %mul3A_57, %shift_right_arithmetic3A_30 : i32
    %while3A_59 = arith.constant 0 : i32
    %while3A_60 = arith.subi %shift_right_arithmetic3A_26, %mul3A_58 : i32
    %while3A_61 = arith.addi %mul3A_58, %while3A_60 : i32
    %while3A_62 = arith.constant 1 : i32
    %while3A_63 = arith.divsi %while3A_60, %while3A_62 : i32
    %while3A_64 = arith.muli %while3A_63, %while3A_62 : i32
    %while3A_65 = arith.addi %mul3A_58, %while3A_64 : i32
    %while3A_66 = arith.constant 1 : i32
    %while3A_67 = scf.for %while3A_90 = %mul3A_58 to %while3A_65 step %while3A_66 iter_args(%while3A_91 = %while3A_59) -> (i32)  : i32 {
      %dma_wait3A_92 = tpu.memref_slice %arg7[%mul3A_34] : memref<20736xi32, #tpu.memory_space<vmem>> -> memref<128xi32, #tpu.memory_space<vmem>>
      %dma_wait3A_93 = arith.constant 0 : i32
      %dma_wait3A_94 = arith.constant 0 : i32
      %dma_wait3A_95 = tpu.memref_slice %arg11[%dma_wait3A_93, %dma_wait3A_94] : memref<5024x128xf32, #tpu.memory_space<vmem_shared>> -> memref<5024x128xf32, #tpu.memory_space<vmem_shared>>
      tpu.wait_indirect_dma semaphore(%arg15 : memref<!tpu.dma_semaphore, #tpu.memory_space<semaphore_mem>>) src(%arg8 : memref<128x128xf32, #tpu.memory_space<vmem>>) dst(%dma_wait3A_95 : memref<5024x128xf32, #tpu.memory_space<vmem_shared>>)
      %mul3A_96 = arith.constant 128 : i32
      %mul3A_97 = arith.muli %while3A_90, %mul3A_96 : i32
      %dma_start3A_98 = tpu.memref_slice %arg6[%mul3A_97] : memref<20736xi32, #tpu.memory_space<vmem>> -> memref<128xi32, #tpu.memory_space<vmem>>
      %dma_start3A_99 = arith.constant 0 : i32
      %dma_start3A_100 = arith.constant 0 : i32
      %dma_start3A_101 = tpu.memref_slice %arg2[%dma_start3A_99, %dma_start3A_100] : memref<10000x128xf32, #tpu.memory_space<hbm>> -> memref<10000x128xf32, #tpu.memory_space<hbm>>
      tpu.enqueue_indirect_dma source(%dma_start3A_101 : memref<10000x128xf32, #tpu.memory_space<hbm>>) target(%arg8 : memref<128x128xf32, #tpu.memory_space<vmem>>) offsets(%dma_start3A_98 : memref<128xi32, #tpu.memory_space<vmem>>) semaphore(%arg12 : memref<!tpu.dma_semaphore, #tpu.memory_space<semaphore_mem>>)
      %dma_wait3A_102 = tpu.memref_slice %arg6[%mul3A_97] : memref<20736xi32, #tpu.memory_space<vmem>> -> memref<128xi32, #tpu.memory_space<vmem>>
      %dma_wait3A_103 = arith.constant 0 : i32
      %dma_wait3A_104 = arith.constant 0 : i32
      %dma_wait3A_105 = tpu.memref_slice %arg2[%dma_wait3A_103, %dma_wait3A_104] : memref<10000x128xf32, #tpu.memory_space<hbm>> -> memref<10000x128xf32, #tpu.memory_space<hbm>>
      tpu.wait_indirect_dma semaphore(%arg12 : memref<!tpu.dma_semaphore, #tpu.memory_space<semaphore_mem>>) src(%dma_wait3A_105 : memref<10000x128xf32, #tpu.memory_space<hbm>>) dst(%arg8 : memref<128x128xf32, #tpu.memory_space<vmem>>)
      %mul3A_106 = arith.constant 128 : i32
      %mul3A_107 = arith.muli %while3A_90, %mul3A_106 : i32
      %dma_start3A_108 = tpu.memref_slice %arg7[%mul3A_107] : memref<20736xi32, #tpu.memory_space<vmem>> -> memref<128xi32, #tpu.memory_space<vmem>>
      %dma_start3A_109 = arith.constant 0 : i32
      %dma_start3A_110 = arith.constant 0 : i32
      %dma_start3A_111 = tpu.memref_slice %arg11[%dma_start3A_109, %dma_start3A_110] : memref<5024x128xf32, #tpu.memory_space<vmem_shared>> -> memref<5024x128xf32, #tpu.memory_space<vmem_shared>>
      tpu.enqueue_indirect_dma source(%arg8 : memref<128x128xf32, #tpu.memory_space<vmem>>) target(%dma_start3A_111 : memref<5024x128xf32, #tpu.memory_space<vmem_shared>>) offsets(%dma_start3A_108 : memref<128xi32, #tpu.memory_space<vmem>>) semaphore(%arg15 : memref<!tpu.dma_semaphore, #tpu.memory_space<semaphore_mem>>) {add = true}
      %while3A_112 = arith.constant 0 : i32
      scf.yield %while3A_112 : i32
    }
    %while3A_68 = arith.constant 1 : i32
    %while3A_69 = scf.for %while3A_90 = %while3A_65 to %while3A_61 step %while3A_68 iter_args(%while3A_91 = %while3A_67) -> (i32)  : i32 {
      %dma_wait3A_92 = tpu.memref_slice %arg7[%mul3A_34] : memref<20736xi32, #tpu.memory_space<vmem>> -> memref<128xi32, #tpu.memory_space<vmem>>
      %dma_wait3A_93 = arith.constant 0 : i32
      %dma_wait3A_94 = arith.constant 0 : i32
      %dma_wait3A_95 = tpu.memref_slice %arg11[%dma_wait3A_93, %dma_wait3A_94] : memref<5024x128xf32, #tpu.memory_space<vmem_shared>> -> memref<5024x128xf32, #tpu.memory_space<vmem_shared>>
      tpu.wait_indirect_dma semaphore(%arg15 : memref<!tpu.dma_semaphore, #tpu.memory_space<semaphore_mem>>) src(%arg8 : memref<128x128xf32, #tpu.memory_space<vmem>>) dst(%dma_wait3A_95 : memref<5024x128xf32, #tpu.memory_space<vmem_shared>>)
      %mul3A_96 = arith.constant 128 : i32
      %mul3A_97 = arith.muli %while3A_90, %mul3A_96 : i32
      %dma_start3A_98 = tpu.memref_slice %arg6[%mul3A_97] : memref<20736xi32, #tpu.memory_space<vmem>> -> memref<128xi32, #tpu.memory_space<vmem>>
      %dma_start3A_99 = arith.constant 0 : i32
      %dma_start3A_100 = arith.constant 0 : i32
      %dma_start3A_101 = tpu.memref_slice %arg2[%dma_start3A_99, %dma_start3A_100] : memref<10000x128xf32, #tpu.memory_space<hbm>> -> memref<10000x128xf32, #tpu.memory_space<hbm>>
      tpu.enqueue_indirect_dma source(%dma_start3A_101 : memref<10000x128xf32, #tpu.memory_space<hbm>>) target(%arg8 : memref<128x128xf32, #tpu.memory_space<vmem>>) offsets(%dma_start3A_98 : memref<128xi32, #tpu.memory_space<vmem>>) semaphore(%arg12 : memref<!tpu.dma_semaphore, #tpu.memory_space<semaphore_mem>>)
      %dma_wait3A_102 = tpu.memref_slice %arg6[%mul3A_97] : memref<20736xi32, #tpu.memory_space<vmem>> -> memref<128xi32, #tpu.memory_space<vmem>>
      %dma_wait3A_103 = arith.constant 0 : i32
      %dma_wait3A_104 = arith.constant 0 : i32
      %dma_wait3A_105 = tpu.memref_slice %arg2[%dma_wait3A_103, %dma_wait3A_104] : memref<10000x128xf32, #tpu.memory_space<hbm>> -> memref<10000x128xf32, #tpu.memory_space<hbm>>
      tpu.wait_indirect_dma semaphore(%arg12 : memref<!tpu.dma_semaphore, #tpu.memory_space<semaphore_mem>>) src(%dma_wait3A_105 : memref<10000x128xf32, #tpu.memory_space<hbm>>) dst(%arg8 : memref<128x128xf32, #tpu.memory_space<vmem>>)
      %mul3A_106 = arith.constant 128 : i32
      %mul3A_107 = arith.muli %while3A_90, %mul3A_106 : i32
      %dma_start3A_108 = tpu.memref_slice %arg7[%mul3A_107] : memref<20736xi32, #tpu.memory_space<vmem>> -> memref<128xi32, #tpu.memory_space<vmem>>
      %dma_start3A_109 = arith.constant 0 : i32
      %dma_start3A_110 = arith.constant 0 : i32
      %dma_start3A_111 = tpu.memref_slice %arg11[%dma_start3A_109, %dma_start3A_110] : memref<5024x128xf32, #tpu.memory_space<vmem_shared>> -> memref<5024x128xf32, #tpu.memory_space<vmem_shared>>
      tpu.enqueue_indirect_dma source(%arg8 : memref<128x128xf32, #tpu.memory_space<vmem>>) target(%dma_start3A_111 : memref<5024x128xf32, #tpu.memory_space<vmem_shared>>) offsets(%dma_start3A_108 : memref<128xi32, #tpu.memory_space<vmem>>) semaphore(%arg15 : memref<!tpu.dma_semaphore, #tpu.memory_space<semaphore_mem>>) {add = true}
      %while3A_112 = arith.constant 0 : i32
      scf.yield %while3A_112 : i32
    }
    %dma_wait3A = tpu.memref_slice %arg7[%mul3A_34] : memref<20736xi32, #tpu.memory_space<vmem>> -> memref<128xi32, #tpu.memory_space<vmem>>
    %dma_wait3A_70 = arith.constant 0 : i32
    %dma_wait3A_71 = arith.constant 0 : i32
    %dma_wait3A_72 = tpu.memref_slice %arg11[%dma_wait3A_70, %dma_wait3A_71] : memref<5024x128xf32, #tpu.memory_space<vmem_shared>> -> memref<5024x128xf32, #tpu.memory_space<vmem_shared>>
    tpu.wait_indirect_dma semaphore(%arg15 : memref<!tpu.dma_semaphore, #tpu.memory_space<semaphore_mem>>) src(%arg8 : memref<128x128xf32, #tpu.memory_space<vmem>>) dst(%dma_wait3A_72 : memref<5024x128xf32, #tpu.memory_space<vmem_shared>>)
    %dma_wait3A_73 = tpu.memref_slice %arg7[%mul3A_34] : memref<20736xi32, #tpu.memory_space<vmem>> -> memref<128xi32, #tpu.memory_space<vmem>>
    %dma_wait3A_74 = arith.constant 0 : i32
    %dma_wait3A_75 = arith.constant 0 : i32
    %dma_wait3A_76 = tpu.memref_slice %arg11[%dma_wait3A_74, %dma_wait3A_75] : memref<5024x128xf32, #tpu.memory_space<vmem_shared>> -> memref<5024x128xf32, #tpu.memory_space<vmem_shared>>
    tpu.wait_indirect_dma semaphore(%arg16 : memref<!tpu.dma_semaphore, #tpu.memory_space<semaphore_mem>>) src(%arg9 : memref<128x128xf32, #tpu.memory_space<vmem>>) dst(%dma_wait3A_76 : memref<5024x128xf32, #tpu.memory_space<vmem_shared>>)
    %dma_wait3A_77 = tpu.memref_slice %arg7[%mul3A_34] : memref<20736xi32, #tpu.memory_space<vmem>> -> memref<128xi32, #tpu.memory_space<vmem>>
    %dma_wait3A_78 = arith.constant 0 : i32
    %dma_wait3A_79 = arith.constant 0 : i32
    %dma_wait3A_80 = tpu.memref_slice %arg11[%dma_wait3A_78, %dma_wait3A_79] : memref<5024x128xf32, #tpu.memory_space<vmem_shared>> -> memref<5024x128xf32, #tpu.memory_space<vmem_shared>>
    tpu.wait_indirect_dma semaphore(%arg17 : memref<!tpu.dma_semaphore, #tpu.memory_space<semaphore_mem>>) src(%arg10 : memref<128x128xf32, #tpu.memory_space<vmem>>) dst(%dma_wait3A_80 : memref<5024x128xf32, #tpu.memory_space<vmem_shared>>)
    %barrier3A_81 = arith.constant 0 : index
    tpu.barrier barrier_id(%barrier3A_81)
    %mul3A_82 = arith.constant 320 : i32
    %mul3A_83 = arith.muli %arg1, %mul3A_82 : i32
    %sub3A_84 = arith.constant 320 : i32
    %sub3A_85 = arith.subi %select_n3A, %sub3A_84 : i32
    %min3A_86 = arith.minsi %mul3A_83, %sub3A_85 : i32
    %mul3A_87 = arith.constant 5008 : i32
    %mul3A_88 = arith.muli %arg0, %mul3A_87 : i32
    %add3A_89 = arith.addi %mul3A_88, %min3A_86 : i32
    "tpu.region"() ({
      %run_scoped3A = tpu.sem_alloc : memref<!tpu.dma_semaphore, #tpu.memory_space<semaphore_mem>>
      %dma_start3A_90 = arith.constant 0 : i32
      %dma_start3A_91 = tpu.memref_slice %arg5[%add3A_89, %dma_start3A_90] : memref<10000x128xf32, #tpu.memory_space<hbm>> -> memref<320x128xf32, #tpu.memory_space<hbm>>
      %dma_start3A_92 = arith.constant 0 : i32
      %dma_start3A_93 = tpu.memref_slice %arg11[%min3A_86, %dma_start3A_92] : memref<5024x128xf32, #tpu.memory_space<vmem_shared>> -> memref<320x128xf32, #tpu.memory_space<vmem_shared>>
      tpu.enqueue_dma source(%dma_start3A_93 : memref<320x128xf32, #tpu.memory_space<vmem_shared>>) target(%dma_start3A_91 : memref<320x128xf32, #tpu.memory_space<hbm>>) target_semaphore(%run_scoped3A : memref<!tpu.dma_semaphore, #tpu.memory_space<semaphore_mem>>)
      %dma_wait3A_94 = arith.constant 0 : i32
      %dma_wait3A_95 = tpu.memref_slice %arg5[%add3A_89, %dma_wait3A_94] : memref<10000x128xf32, #tpu.memory_space<hbm>> -> memref<320x128xf32, #tpu.memory_space<hbm>>
      %dma_wait3A_96 = arith.constant 0 : i32
      %dma_wait3A_97 = tpu.memref_slice %arg11[%min3A_86, %dma_wait3A_96] : memref<5024x128xf32, #tpu.memory_space<vmem_shared>> -> memref<320x128xf32, #tpu.memory_space<vmem_shared>>
      tpu.wait_dma2 semaphore(%run_scoped3A : memref<!tpu.dma_semaphore, #tpu.memory_space<semaphore_mem>>) src(%dma_wait3A_97 : memref<320x128xf32, #tpu.memory_space<vmem_shared>>) dst(%dma_wait3A_95 : memref<320x128xf32, #tpu.memory_space<hbm>>)
      tpu.yield
    }) : () -> ()
    return
  }
}

module attributes {stable_mosaic.version = 14 : i64} {
  func.func @_mm_body(%arg0: i32, %arg1: memref<5000x128xf32, #tpu.memory_space<vmem>>, %arg2: memref<128x128xf32, #tpu.memory_space<vmem>>, %arg3: memref<5000x128xf32, #tpu.memory_space<vmem>>) attributes {dimension_semantics = [#tpu.dimension_semantics<arbitrary>], iteration_bounds = array<i64: 2>, scalar_prefetch = 0 : i64, scratch_operands = 0 : i64, tpu.core_type = #tpu.core_type<tc>, window_params = [{transform_indices = @transform_0, window_bounds = array<i64: 5000, 128>}, {pipeline_mode = #tpu.pipeline_mode<synchronous>, transform_indices = @transform_1, window_bounds = array<i64: 128, 128>}, {transform_indices = @transform_2, window_bounds = array<i64: 5000, 128>}]} {
    %get3A = arith.constant 0 : index
    %get3A_0 = arith.constant 0 : index
    %get3A_1 = vector.load %arg1[%get3A, %get3A_0] : memref<5000x128xf32, #tpu.memory_space<vmem>>, vector<5000x128xf32>
    %get3A_2 = arith.constant 0 : index
    %get3A_3 = arith.constant 0 : index
    %get3A_4 = vector.load %arg2[%get3A_2, %get3A_3] : memref<128x128xf32, #tpu.memory_space<vmem>>, vector<128x128xf32>
    %dot_general3A = arith.constant dense<0.000000e+00> : vector<5000x128xf32>
    %dot_general3A_5 = tpu.matmul %get3A_1, %get3A_4, %dot_general3A {dimension_numbers = #tpu.dot_dimension_numbers<[1], [0], [0], [1], [0, 0, 1, 1], [], []>, transpose_lhs_hint = false} : vector<5000x128xf32>, vector<128x128xf32>, vector<5000x128xf32> -> vector<5000x128xf32>
    %swap3A = arith.constant 0 : index
    %swap3A_6 = arith.constant 0 : index
    %swap3A_7 = vector.load %arg3[%swap3A, %swap3A_6] : memref<5000x128xf32, #tpu.memory_space<vmem>>, vector<5000x128xf32>
    tpu.vector_store %arg3[%swap3A, %swap3A_6], %dot_general3A_5 {strides = array<i32>} : memref<5000x128xf32, #tpu.memory_space<vmem>>, vector<5000x128xf32>,
    return
  }
  func.func @transform_0(%arg0: i32) -> (i32, i32) {
    %c0_i32 = arith.constant 0 : i32
    %c0_i32_0 = arith.constant 0 : i32
    return %arg0, %c0_i32 : i32, i32
  }
  func.func @transform_1(%arg0: i32) -> (i32, i32) {
    %c0_i32 = arith.constant 0 : i32
    %c0_i32_0 = arith.constant 0 : i32
    %c0_i32_1 = arith.constant 0 : i32
    return %c0_i32, %c0_i32_0 : i32, i32
  }
  func.func @transform_2(%arg0: i32) -> (i32, i32) {
    %c0_i32 = arith.constant 0 : i32
    %c0_i32_0 = arith.constant 0 : i32
    return %arg0, %c0_i32 : i32, i32
  }
}

module attributes {stable_mosaic.version = 14 : i64} {
  func.func @_scale_body(%arg0: i32, %arg1: memref<5000x128xf32, #tpu.memory_space<vmem>>, %arg2: memref<5000x16xf32, #tpu.memory_space<vmem>>, %arg3: memref<5000x128xf32, #tpu.memory_space<vmem>>) attributes {dimension_semantics = [#tpu.dimension_semantics<arbitrary>], iteration_bounds = array<i64: 2>, scalar_prefetch = 0 : i64, scratch_operands = 0 : i64, tpu.core_type = #tpu.core_type<tc>, window_params = [{transform_indices = @transform_0, window_bounds = array<i64: 5000, 128>}, {transform_indices = @transform_1, window_bounds = array<i64: 5000, 16>}, {transform_indices = @transform_2, window_bounds = array<i64: 5000, 128>}]} {
    %get3A = arith.constant 0 : index
    %get3A_0 = arith.constant 0 : index
    %get3A_1 = vector.load %arg1[%get3A, %get3A_0] : memref<5000x128xf32, #tpu.memory_space<vmem>>, vector<5000x128xf32>
    %get3A_2 = arith.constant 0 : index
    %get3A_3 = arith.constant 0 : index
    %get3A_4 = vector.load %arg2[%get3A_2, %get3A_3] : memref<5000x16xf32, #tpu.memory_space<vmem>>, vector<5000x16xf32>
    %slice3A = vector.extract_strided_slice %get3A_4 {offsets = [0, 0], sizes = [5000, 1], strides = [1, 1]} : vector<5000x16xf32> to vector<5000x1xf32>
    %add3A = arith.constant 1.000000e+00 : f32
    %add3A_5 = vector.broadcast %add3A : f32 to vector<5000x1xf32>
    %add3A_6 = arith.addf %slice3A, %add3A_5 : vector<5000x1xf32>
    %rsqrt3A = math.rsqrt %add3A_6 : vector<5000x1xf32>
    %mul3A = vector.broadcast %rsqrt3A : vector<5000x1xf32> to vector<5000x128xf32>
    %mul3A_7 = arith.mulf %get3A_1, %mul3A : vector<5000x128xf32>
    %swap3A = arith.constant 0 : index
    %swap3A_8 = arith.constant 0 : index
    %swap3A_9 = vector.load %arg3[%swap3A, %swap3A_8] : memref<5000x128xf32, #tpu.memory_space<vmem>>, vector<5000x128xf32>
    tpu.vector_store %arg3[%swap3A, %swap3A_8], %mul3A_7 {strides = array<i32>} : memref<5000x128xf32, #tpu.memory_space<vmem>>, vector<5000x128xf32>,
    return
  }
  func.func @transform_0(%arg0: i32) -> (i32, i32) {
    %c0_i32 = arith.constant 0 : i32
    %c0_i32_0 = arith.constant 0 : i32
    return %arg0, %c0_i32 : i32, i32
  }
  func.func @transform_1(%arg0: i32) -> (i32, i32) {
    %c0_i32 = arith.constant 0 : i32
    %c0_i32_0 = arith.constant 0 : i32
    return %arg0, %c0_i32 : i32, i32
  }
  func.func @transform_2(%arg0: i32) -> (i32, i32) {
    %c0_i32 = arith.constant 0 : i32
    %c0_i32_0 = arith.constant 0 : i32
    return %arg0, %c0_i32 : i32, i32
  }
}

module attributes {stable_mosaic.version = 14 : i64} {
  func.func @_mid_body(%arg0: i32, %arg1: memref<5000x128xf32, #tpu.memory_space<vmem>>, %arg2: memref<5000x128xf32, #tpu.memory_space<vmem>>, %arg3: memref<5000x16xf32, #tpu.memory_space<vmem>>, %arg4: memref<1x128xf32, #tpu.memory_space<vmem>>, %arg5: memref<128x48xf32, #tpu.memory_space<vmem>>, %arg6: memref<5000x48xf32, #tpu.memory_space<vmem>>) attributes {dimension_semantics = [#tpu.dimension_semantics<arbitrary>], iteration_bounds = array<i64: 2>, scalar_prefetch = 0 : i64, scratch_operands = 0 : i64, tpu.core_type = #tpu.core_type<tc>, window_params = [{transform_indices = @transform_0, window_bounds = array<i64: 5000, 128>}, {transform_indices = @transform_1, window_bounds = array<i64: 5000, 128>}, {transform_indices = @transform_2, window_bounds = array<i64: 5000, 16>}, {pipeline_mode = #tpu.pipeline_mode<synchronous>, transform_indices = @transform_3, window_bounds = array<i64: 1, 128>}, {pipeline_mode = #tpu.pipeline_mode<synchronous>, transform_indices = @transform_4, window_bounds = array<i64: 128, 48>}, {transform_indices = @transform_5, window_bounds = array<i64: 5000, 48>}]} {
    %get3A = arith.constant 0 : index
    %get3A_0 = arith.constant 0 : index
    %get3A_1 = vector.load %arg3[%get3A, %get3A_0] : memref<5000x16xf32, #tpu.memory_space<vmem>>, vector<5000x16xf32>
    %slice3A = vector.extract_strided_slice %get3A_1 {offsets = [0, 0], sizes = [5000, 1], strides = [1, 1]} : vector<5000x16xf32> to vector<5000x1xf32>
    %add3A = arith.constant 1.000000e+00 : f32
    %add3A_2 = vector.broadcast %add3A : f32 to vector<5000x1xf32>
    %add3A_3 = arith.addf %slice3A, %add3A_2 : vector<5000x1xf32>
    %rsqrt3A = math.rsqrt %add3A_3 : vector<5000x1xf32>
    %get3A_4 = arith.constant 0 : index
    %get3A_5 = arith.constant 0 : index
    %get3A_6 = vector.load %arg4[%get3A_4, %get3A_5] : memref<1x128xf32, #tpu.memory_space<vmem>>, vector<1x128xf32>
    %get3A_7 = arith.constant 0 : index
    %get3A_8 = arith.constant 0 : index
    %get3A_9 = vector.load %arg1[%get3A_7, %get3A_8] : memref<5000x128xf32, #tpu.memory_space<vmem>>, vector<5000x128xf32>
    %get3A_10 = arith.constant 0 : index
    %get3A_11 = arith.constant 0 : index
    %get3A_12 = vector.load %arg2[%get3A_10, %get3A_11] : memref<5000x128xf32, #tpu.memory_space<vmem>>, vector<5000x128xf32>
    %add3A_13 = arith.addf %get3A_9, %get3A_12 : vector<5000x128xf32>
    %mul3A = vector.broadcast %rsqrt3A : vector<5000x1xf32> to vector<5000x128xf32>
    %mul3A_14 = arith.mulf %mul3A, %add3A_13 : vector<5000x128xf32>
    %add3A_15 = vector.broadcast %get3A_6 : vector<1x128xf32> to vector<5000x128xf32>
    %add3A_16 = arith.addf %add3A_15, %mul3A_14 : vector<5000x128xf32>
    %max3A = arith.constant 0.000000e+00 : f32
    %max3A_17 = vector.broadcast %max3A : f32 to vector<5000x128xf32>
    %max3A_18 = arith.maximumf %add3A_16, %max3A_17 : vector<5000x128xf32>
    %get3A_19 = arith.constant 0 : index
    %get3A_20 = arith.constant 0 : index
    %get3A_21 = vector.load %arg5[%get3A_19, %get3A_20] : memref<128x48xf32, #tpu.memory_space<vmem>>, vector<128x48xf32>
    %dot_general3A = arith.constant dense<0.000000e+00> : vector<5000x48xf32>
    %dot_general3A_22 = tpu.matmul %max3A_18, %get3A_21, %dot_general3A {dimension_numbers = #tpu.dot_dimension_numbers<[1], [0], [0], [1], [0, 0, 1, 1], [], []>, transpose_lhs_hint = false} : vector<5000x128xf32>, vector<128x48xf32>, vector<5000x48xf32> -> vector<5000x48xf32>
    %mul3A_23 = vector.broadcast %rsqrt3A : vector<5000x1xf32> to vector<5000x48xf32>
    %mul3A_24 = arith.mulf %dot_general3A_22, %mul3A_23 : vector<5000x48xf32>
    %swap3A = arith.constant 0 : index
    %swap3A_25 = arith.constant 0 : index
    %swap3A_26 = vector.load %arg6[%swap3A, %swap3A_25] : memref<5000x48xf32, #tpu.memory_space<vmem>>, vector<5000x48xf32>
    tpu.vector_store %arg6[%swap3A, %swap3A_25], %mul3A_24 {strides = array<i32>} : memref<5000x48xf32, #tpu.memory_space<vmem>>, vector<5000x48xf32>,
    return
  }
  func.func @transform_0(%arg0: i32) -> (i32, i32) {
    %c0_i32 = arith.constant 0 : i32
    %c0_i32_0 = arith.constant 0 : i32
    return %arg0, %c0_i32 : i32, i32
  }
  func.func @transform_1(%arg0: i32) -> (i32, i32) {
    %c0_i32 = arith.constant 0 : i32
    %c0_i32_0 = arith.constant 0 : i32
    return %arg0, %c0_i32 : i32, i32
  }
  func.func @transform_2(%arg0: i32) -> (i32, i32) {
    %c0_i32 = arith.constant 0 : i32
    %c0_i32_0 = arith.constant 0 : i32
    return %arg0, %c0_i32 : i32, i32
  }
  func.func @transform_3(%arg0: i32) -> (i32, i32) {
    %c0_i32 = arith.constant 0 : i32
    %c0_i32_0 = arith.constant 0 : i32
    %c0_i32_1 = arith.constant 0 : i32
    return %c0_i32, %c0_i32_0 : i32, i32
  }
  func.func @transform_4(%arg0: i32) -> (i32, i32) {
    %c0_i32 = arith.constant 0 : i32
    %c0_i32_0 = arith.constant 0 : i32
    %c0_i32_1 = arith.constant 0 : i32
    return %c0_i32, %c0_i32_0 : i32, i32
  }
  func.func @transform_5(%arg0: i32) -> (i32, i32) {
    %c0_i32 = arith.constant 0 : i32
    %c0_i32_0 = arith.constant 0 : i32
    return %arg0, %c0_i32 : i32, i32
  }
}

module attributes {stable_mosaic.version = 14 : i64} {
  func.func @_fin_body(%arg0: i32, %arg1: memref<5000x48xf32, #tpu.memory_space<vmem>>, %arg2: memref<5000x48xf32, #tpu.memory_space<vmem>>, %arg3: memref<5000x16xf32, #tpu.memory_space<vmem>>, %arg4: memref<1x48xf32, #tpu.memory_space<vmem>>, %arg5: memref<5000x48xf32, #tpu.memory_space<vmem>>) attributes {dimension_semantics = [#tpu.dimension_semantics<arbitrary>], iteration_bounds = array<i64: 2>, scalar_prefetch = 0 : i64, scratch_operands = 0 : i64, tpu.core_type = #tpu.core_type<tc>, window_params = [{transform_indices = @transform_0, window_bounds = array<i64: 5000, 48>}, {transform_indices = @transform_1, window_bounds = array<i64: 5000, 48>}, {transform_indices = @transform_2, window_bounds = array<i64: 5000, 16>}, {pipeline_mode = #tpu.pipeline_mode<synchronous>, transform_indices = @transform_3, window_bounds = array<i64: 1, 48>}, {transform_indices = @transform_4, window_bounds = array<i64: 5000, 48>}]} {
    %get3A = arith.constant 0 : index
    %get3A_0 = arith.constant 0 : index
    %get3A_1 = vector.load %arg3[%get3A, %get3A_0] : memref<5000x16xf32, #tpu.memory_space<vmem>>, vector<5000x16xf32>
    %slice3A = vector.extract_strided_slice %get3A_1 {offsets = [0, 0], sizes = [5000, 1], strides = [1, 1]} : vector<5000x16xf32> to vector<5000x1xf32>
    %add3A = arith.constant 1.000000e+00 : f32
    %add3A_2 = vector.broadcast %add3A : f32 to vector<5000x1xf32>
    %add3A_3 = arith.addf %slice3A, %add3A_2 : vector<5000x1xf32>
    %rsqrt3A = math.rsqrt %add3A_3 : vector<5000x1xf32>
    %get3A_4 = arith.constant 0 : index
    %get3A_5 = arith.constant 0 : index
    %get3A_6 = vector.load %arg4[%get3A_4, %get3A_5] : memref<1x48xf32, #tpu.memory_space<vmem>>, vector<1x48xf32>
    %get3A_7 = arith.constant 0 : index
    %get3A_8 = arith.constant 0 : index
    %get3A_9 = vector.load %arg1[%get3A_7, %get3A_8] : memref<5000x48xf32, #tpu.memory_space<vmem>>, vector<5000x48xf32>
    %get3A_10 = arith.constant 0 : index
    %get3A_11 = arith.constant 0 : index
    %get3A_12 = vector.load %arg2[%get3A_10, %get3A_11] : memref<5000x48xf32, #tpu.memory_space<vmem>>, vector<5000x48xf32>
    %add3A_13 = arith.addf %get3A_9, %get3A_12 : vector<5000x48xf32>
    %mul3A = vector.broadcast %rsqrt3A : vector<5000x1xf32> to vector<5000x48xf32>
    %mul3A_14 = arith.mulf %mul3A, %add3A_13 : vector<5000x48xf32>
    %add3A_15 = vector.broadcast %get3A_6 : vector<1x48xf32> to vector<5000x48xf32>
    %add3A_16 = arith.addf %add3A_15, %mul3A_14 : vector<5000x48xf32>
    %swap3A = arith.constant 0 : index
    %swap3A_17 = arith.constant 0 : index
    %swap3A_18 = vector.load %arg5[%swap3A, %swap3A_17] : memref<5000x48xf32, #tpu.memory_space<vmem>>, vector<5000x48xf32>
    tpu.vector_store %arg5[%swap3A, %swap3A_17], %add3A_16 {strides = array<i32>} : memref<5000x48xf32, #tpu.memory_space<vmem>>, vector<5000x48xf32>,
    return
  }
  func.func @transform_0(%arg0: i32) -> (i32, i32) {
    %c0_i32 = arith.constant 0 : i32
    %c0_i32_0 = arith.constant 0 : i32
    return %arg0, %c0_i32 : i32, i32
  }
  func.func @transform_1(%arg0: i32) -> (i32, i32) {
    %c0_i32 = arith.constant 0 : i32
    %c0_i32_0 = arith.constant 0 : i32
    return %arg0, %c0_i32 : i32, i32
  }
  func.func @transform_2(%arg0: i32) -> (i32, i32) {
    %c0_i32 = arith.constant 0 : i32
    %c0_i32_0 = arith.constant 0 : i32
    return %arg0, %c0_i32 : i32, i32
  }
  func.func @transform_3(%arg0: i32) -> (i32, i32) {
    %c0_i32 = arith.constant 0 : i32
    %c0_i32_0 = arith.constant 0 : i32
    %c0_i32_1 = arith.constant 0 : i32
    return %c0_i32, %c0_i32_0 : i32, i32
  }
  func.func @transform_4(%arg0: i32) -> (i32, i32) {
    %c0_i32 = arith.constant 0 : i32
    %c0_i32_0 = arith.constant 0 : i32
    return %arg0, %c0_i32 : i32, i32
  }
}

</mosaic_0001>

<sc_bundles>
// kernel: kernel.12.cloned.1.call-start
scs
__scs_entry_jumppad:
0x0: {  	(pc) =	sbr.rel $0x88, $3  }
0x1: {  	(tag) =	ssettag $0x0;
	lr =	simm.s32 $0x1  }
0x2: {  	[smem:$0x3F9B] =	sst lr;
	_ =	strace $0xD0000000  }
0x3: {  	_ = 	snop  }
0x4: {  	_ = 	snop  }
0x5: {  	_ = 	snop  }
0x6: {  	_ = 	snop  }
0x7: {  	_ = 	snop  }
__scs_overlays_trampoline_lowered:
0x8: {  	[smem:$0x3FAA] =	sst s0  }
0x9: {  	[smem:$0x3FAB] =	sst s1  }
0xa: {  	[smem:$0x3FAC] =	sst s2  }
0xb: {  	[smem:$0x3FAD] =	sst s3  }
0xc: {  	[smem:$0x3FAE] =	sst s4  }
0xd: {  	[smem:$0x3FAF] =	sst s5  }
0xe: {  	[smem:$0x3FB0] =	sst s6  }
0xf: {  	[smem:$0x3FB1] =	sst s7  }
0x10: {  	[smem:$0x3FB2] =	sst s8  }
0x11: {  	[smem:$0x3FB3] =	sst s9;
	s0 =	simm.s32 @!p0 $0x0  }
0x12: {  	s1 =	sld [smem:$0x3F99];
	s0 =	simm.s32 @p0 $0x1  }
0x13: {  	[smem:$0x3FB4] =	sst s0;
	s0 =	simm.s32 @!p1 $0x0  }
0x14: {  	s2 =	sld [smem:$0x3F98];
	s0 =	simm.s32 @p1 $0x1  }
0x15: {  	[smem:$0x3FB5] =	sst s0;
	s0 =	simm.s32 @!p2 $0x0  }
0x16: {  	s3 =	sld [smem:$0x3FDB];
	s0 =	simm.s32 @p2 $0x1  }
0x17: {  	s4 =	simm.s32 $0x1BF5;
	[smem:$0x3FB7] =	sst s0  }
0x18: {  	s0 =	sld [smem:$0x3F9A];
	_ =	swait.ge [sflag:s4], $0x0  }
0x19: {  	s7 =	sld [smem:$0x3F9B]  }
0x1a: {  	s8 =	sadd.s32 $0xFFFFE003, lr  }
0x1b: {  	s9 =	sadd.s32 $0xFFFFFEF7, lr;
	s5 =	simm.s32 $0xFFFFFFFF;
	p2 =	slt.u32 s8, $0xFFFFF086  }
0x1c: {  	p1 =	slt.u32 s9, $0xF7A;
	s5 =	simm.s32 @!p2 $0x0  }
0x1d: {  	s5 =	simm.s32 @p1 $0x1;
	p0 =	seq.s32 s7, s2  }
0x1e: {  	s7 =	smul.u32 @!p0 $0xF7A, s2;
	p2 =	seq.s32 @!p0 s5, $0x0  }
0x1f: {  	s9 =	smul.u32 $0xF7A, s1;
	s8 =	simm.s32 @!p0 $0x1BF5;
	p2 =	por !p2, p0  }
0x20: {  	[sflag:s8] =	ssyncset.s32 @!p0 $0xFFFFF086;
	s6 =	sadd.s32 @!p0 s3, s7;
	s7 =	simm.s32 @!p0 $0x108  }
0x21: {  	s3 =	sadd.s32 s3, s9;
	s6 =	sadd.s32 @!p0 $0x88, s6;
	s7 =	simm.s32 @p2 $0x1082  }
0x22: {  	[simem:s7], [sflag:s8] =	dma.local @!p0 [hbm:s6], $0xF7A  }
0x23: {  	s9 =	sor.u32 $0xD0000000, s2;
	s6 =	simm.s32 $0x108;
	_ =	swait.ge @!p0 [sflag:s8], $0x0  }
0x24: {  	s3 =	sadd.s32 $0x88, s3;
	s6 =	simm.s32 @!p1 $0x1082;
	[sflag:s4] =	ssyncset.s32 $0xFFFFF086  }
0x25: {  	[simem:s6], [sflag:s4] =	dma.local [hbm:s3], $0xF7A  }
0x26: {  	[smem:$0x3F9B] =	sst s1;
	(tag) =	ssettag s2;
	_ =	strace s9  }
0x27: {  	s1 =	sld [smem:$0x3FAB]  }
0x28: {  	s2 =	sld [smem:$0x3FAC]  }
0x29: {  	s4 =	sld [smem:$0x3FAE]  }
0x2a: {  	p0 =	seq.s32 s5, $0x0;
	s5 =	sld [smem:$0x3FAF]  }
0x2b: {  	s6 =	sld [smem:$0x3FB0]  }
0x2c: {  	s7 =	sld [smem:$0x3FB1]  }
0x2d: {  	s3 =	simm.s32 $0x108;
	s8 =	sld [smem:$0x3FB2]  }
0x2e: {  	s3 =	simm.s32 @!p0 $0x1082;
	s9 =	sld [smem:$0x3FB3]  }
0x2f: {  	lr =	sadd.s32 s0, s3;
	s0 =	sld [smem:$0x3FAA]  }
0x30: {  	s3 =	sld [smem:$0x3FAD]  }
0x31: {  	[smem:$0x3FB6] =	sst s10  }
0x32: {  	s10 =	sld [smem:$0x3FB4];
	_ =	sdelay $0x3  }
0x33: {  	p0 =	seq.s32 s10, $0x1;
	s10 =	sld [smem:$0x3FB6];
	_ =	sdelay $0x3  }
0x34: {  	[smem:$0x3FB6] =	sst s10  }
0x35: {  	s10 =	sld [smem:$0x3FB5];
	_ =	sdelay $0x3  }
0x36: {  	p1 =	seq.s32 s10, $0x1;
	s10 =	sld [smem:$0x3FB6];
	_ =	sdelay $0x3  }
0x37: {  	[smem:$0x3FB6] =	sst s10  }
0x38: {  	s10 =	sld [smem:$0x3FB7]  }
0x39: {  	_ = 	snop;
	(pc) =	sbr.ind lr, $3  }
0x3a: {  	_ = 	snop  }
0x3b: {  	_ = 	snop  }
0x3c: {  	p2 =	seq.s32 s10, $0x1;
	s10 =	sld [smem:$0x3FB6]  }
0x3d: {  	_ =	shalt  }
0x3e: {  	_ =	shalt  }
0x3f: {  	_ =	shalt  }
0x40: {  	_ =	shalt  }
0x41: {  	_ =	shalt  }
0x42: {  	_ =	shalt  }
0x43: {  	_ =	shalt  }
0x44: {  	_ =	shalt  }
0x45: {  	_ =	shalt  }
0x46: {  	_ =	shalt  }
0x47: {  	_ =	shalt  }
0x48: {  	_ =	shalt  }
0x49: {  	_ =	shalt  }
0x4a: {  	_ =	shalt  }
0x4b: {  	_ =	shalt  }
0x4c: {  	_ =	shalt  }
0x4d: {  	_ =	shalt  }
0x4e: {  	_ =	shalt  }
0x4f: {  	_ =	shalt  }
0x50: {  	_ =	shalt  }
0x51: {  	_ =	shalt  }
0x52: {  	_ =	shalt  }
0x53: {  	_ =	shalt  }
0x54: {  	_ =	shalt  }
0x55: {  	_ =	shalt  }
0x56: {  	_ =	shalt  }
0x57: {  	_ =	shalt  }
0x58: {  	_ =	shalt  }
0x59: {  	_ =	shalt  }
0x5a: {  	_ =	shalt  }
0x5b: {  	_ =	shalt  }
0x5c: {  	_ =	shalt  }
0x5d: {  	_ =	shalt  }
0x5e: {  	_ =	shalt  }
0x5f: {  	_ =	shalt  }
0x60: {  	_ =	shalt  }
0x61: {  	_ =	shalt  }
0x62: {  	_ =	shalt  }
0x63: {  	_ =	shalt  }
0x64: {  	_ =	shalt  }
0x65: {  	_ =	shalt  }
0x66: {  	_ =	shalt  }
0x67: {  	_ =	shalt  }
0x68: {  	_ =	shalt  }
0x69: {  	_ =	shalt  }
0x6a: {  	_ =	shalt  }
0x6b: {  	_ =	shalt  }
0x6c: {  	_ =	shalt  }
0x6d: {  	_ =	shalt  }
0x6e: {  	_ =	shalt  }
0x6f: {  	_ =	shalt  }
0x70: {  	_ =	shalt  }
0x71: {  	_ =	shalt  }
0x72: {  	_ =	shalt  }
0x73: {  	_ =	shalt  }
0x74: {  	_ =	shalt  }
0x75: {  	_ =	shalt  }
0x76: {  	_ =	shalt  }
0x77: {  	_ =	shalt  }
0x78: {  	_ =	shalt  }
0x79: {  	_ =	shalt  }
0x7a: {  	_ =	shalt  }
0x7b: {  	_ =	shalt  }
0x7c: {  	_ =	shalt  }
0x7d: {  	_ =	shalt  }
0x7e: {  	_ =	shalt  }
0x7f: {  	_ =	shalt  }
0x80: {  	_ =	shalt  }
0x81: {  	_ =	shalt  }
0x82: {  	_ =	shalt  }
0x83: {  	_ =	shalt  }
0x84: {  	_ =	shalt  }
0x85: {  	_ =	shalt  }
0x86: {  	_ =	shalt  }
0x87: {  	_ =	shalt  }
.Lfunc_end0:
.L_simem_size_0:
called_computation.1_lowered:
.L_overlay_start_0:
0x88: {  	s2 =	sld [smem:$0x3FD9]  }
0x89: {  	s3 =	sld [smem:$0x3FFE];
	_ =	sdelay $0x1  }
0x8a: {  	s1 =	srdreg.scid  }
0x8b: {  	s0 =	sand.u32 $0x1, s1  }
0x8c: {  	s16 =	sshll.u32 s0, $0xA;
	s2 =	sadd.s32 s3, s2  }
0x8d: {  	s2 =	sadd.s32 s2, s16  }
0x8e: {  	[smem:$0x3FC2] =	sst s2  }
0x8f: {  	_ = 	snop  }
0x90: {  	(tm) =	ssettm $0x1  }
0x91: {  	s17 =	sld [smem:$0x3FFB];
	_ =	sdelay $0x3  }
0x92: {  	_ =	strace s17  }
0x93: {  	s2 =	sld [smem:$0x3FFC];
	_ =	sdelay $0x3  }
0x94: {  	_ =	strace s2  }
0x95: {  	s2 =	sld [smem:$0x3FFD];
	_ =	sdelay $0x3  }
0x96: {  	_ =	strace s2  }
0x97: {  	_ =	strace $0x8FFFFFFF  }
0x98: {  	s18 =	sld [smem:$0x3FDB];
	_ =	sdelay $0x1  }
0x99: {  	s19 =	simm.s32 $_scs_section_size  }
0x9a: {  	s4 =	simm.s32 $_size__tile_overlayer_lowered;
	s5 =	simm.s32 $_tile_overlayer_lowered  }
0x9b: {  	s22 =	simm.s32 $0x1BFF;
	s21 =	sshll.u32 s5, $0x1;
	s2 =	sadd.s32 s19, s18  }
0x9c: {  	s6 =	simm.s32 $0x0;
	s20 =	sshll.u32 s4, $0x1;
	s4 =	sadd.s32 s21, s2  }
0x9d: {  	[timem:s6], [sflag:s22] =	dma.local [hbm:s4], s20  }
0x9e: {  	_ =	swait.ge [sflag:s22], s20  }
0x9f: {  	s3 =	ssub.s32 $0x0, s20;
	[sflag:s22] =	ssyncset.done $0x0  }
0xa0: {  	[sflag:s22] =	ssyncadd.s32 s3;
	_ =	sdelay $0x1  }
0xa1: {  	s23 =	simm.s32 $0x1B8B  }
0xa2: {  	_ =	swait.ge [sflag:s23], $0x1  }
0xa3: {  	[sflag:s23] =	ssyncset.done $0x0  }
0xa4: {  	s25 =	simm.s32 $0x1B8E;
	s24 =	sld [smem:$0x3FFE];
	[sflag:s23] =	ssyncadd.s32 $0xFFFFFFFF  }
0xa5: {  	s26 =	simm.s32 $execute0_lowered;
	[smem:$0x3FD2] =	sst s25  }
0xa6: {  	s4 =	sshll.u32 s26, $0x1;
	_ =	strace $0x80000049;
	[dreg:$0x1] =	wrdreg $0xFFFFFFFF  }
0xa7: {  	s28 =	simm.s32 $_size_execute0_lowered;
	s2 =	sadd.s32 s2, s4;
	[dreg:$0x0] =	wrdreg $0x0  }
0xa8: {  	s4 =	sshll.u32 s28, $0x1;
	[dreg:$0x2] =	wrdreg s2  }
0xa9: {  	[dreg:$0x3] =	wrdreg s4  }
0xaa: {  	[dreg:$0x4] =	wrdreg $0xC0  }
0xab: {  	_ =	task [dreg:s6], $0x5FFFF  }
0xac: {  	[dreg:$0x1] =	wrdreg $0xFFFFFFFF  }
0xad: {  	[dreg:$0x0] =	wrdreg $0x60  }
0xae: {  	[dreg:$0x2] =	wrdreg s24  }
0xaf: {  	[dreg:$0x3] =	wrdreg $0x162000  }
0xb0: {  	[dreg:$0x4] =	wrdreg $0x9  }
0xb1: {  	_ =	task.clear_ibuf [dreg:s6], $0x5FFFF;
	_ =	strace $0x90000049  }
0xb2: {  	s29 =	simm.s32 $0x9;
	_ =	strace $0x8000004B  }
0xb3: {  	_ =	swait.ge [sflag:s29], $0x1  }
0xb4: {  	[sflag:s29] =	ssyncadd.s32 $0xFFFFFFFF  }
0xb5: {  	_ =	strace $0x9000004B  }
0xb6: {  	_ =	sfence  }
0xb7: {  	s30 =	sld [smem:$0x0];
	_ =	sdelay $0x2  }
0xb8: {  	s31 =	sshll.u32 s1, $0xD;
	s1 =	sshrl.u32 s1, $0x2  }
0xb9: {  	s3 =	sand.u32 $0x4000, s31;
	s1 =	sadd.s32 s1, s30  }
0xba: {  	s0 =	sor.u32 s3, s0;
	s1 =	sshll.u32 s1, $0x11  }
0xbb: {  	s0 =	sor.u32 s1, s0  }
0xbc: {  	s0 =	sadd.s32 $0x8F2B, s0  }
0xbd: {  	[sflag:s0] =	ssyncadd.remote.s32 $0x1  }
0xbe: {  	_ =	sfence.sel $0xFFFF  }
0xbf: {  	[dreg:$0x0] =	wrdreg $0xFFFFFFFF;
	(pc) =	sbr.abs _section_cstart, $3  }
0xc0: {  	[dreg:$0x1] =	wrdreg $0xFFFFFFFF  }
0xc1: {  	_ =	task.clear_ibuf [dreg:s6], $0x2FFFF;
	_ =	strace $0x9FFFFFFF  }
0xc2: {  	(tm) =	ssettm $0x7FFFFFFF  }
0xc3: {  	_ =	shalt  }
tec
execute0_lowered:
.L_overlay_start_1:
0x0: {  	(tag) =	ssettag $0x1  }
0x1: {  	s0 =	rddreg [dreg:$0x0]  }
0x2: {  	s1 =	rddreg [dreg:$0x1]  }
0x3: {  	s2 =	simm.s32 $0x0;
	s3 =	srdreg.scid;
	s26 =	stileid.u32  }
0x4: {  	s7 =	simm.s32 $0x1250;
	s12 =	simm.s32 $0xA200;
	s13 =	simm.s32 $0x7  }
0x5: {  	s17 =	simm.s32 $0x80;
	s18 =	simm.s32 $0x4;
	s19 =	simm.s32 $0x5  }
0x6: {  	s20 =	simm.s32 $0x6;
	s21 =	simm.s32 $0xE200;
	s22 =	simm.s32 $0x12200  }
0x7: {  	s23 =	simm.s32 $0x1;
	s24 =	simm.s32 $0x2;
	s28 =	simm.s32 $0x0  }
0x8: {  	[smem:$0x7FF] =	sst s2;
	s3 =	sand.u32 $0x1, s3;
	s6 =	smul.u32 $0x140, s26  }
0x9: {  	s4 =	sadd.s32 $0x39C00, s0;
	s15 =	smul.u32 $0xA20, s26;
	s26 =	simm.s32 $0x3  }
0xa: {  	s5 =	smul.u32 $0xA200, s3;
	p0 =	seq.s32 s3, $0x0;
	_ =	strace $0x8000004A  }
0xb: {  	s8 =	smul.u32 $0x1390, s3;
	s3 =	ssub.s32 $0x2, s3;
	s7 =	simm.s32 @!p0 $0x1240  }
0xc: {  	s30 =	sshrl.u32 s3, $0x1;
	s10 =	sadd.s32 s5, s0;
	s11 =	smin.u32 s6, s7  }
0xd: {  	s6 =	smin.u32 s6, $0x1260;
	s3 =	ssub.s32 s3, s30;
	s29 =	sadd.s32 s8, s11  }
0xe: {  	s6 =	sshll.u32 s6, $0x7;
	s14 =	sadd.s32 $0x11400, s10;
	s16 =	sadd.s32 $0x25800, s10  }
.Ltmp0:
0xf: {  	s31 =	sshll.u32 s11, $0x7;
	s5 =	sshll.u32 s29, $0x4;
	(pc) =	sbr.rel .LBB2_1-.Ltmp0, $4  }
0x10: {  	s11 =	smax.u32 s3, $0x1;
	s0 =	sadd.s32 s5, s0;
	s5 =	sadd.s32 s6, s1  }
0x11: {  	s14 =	sadd.s32 s15, s14;
	s15 =	sadd.s32 s15, s16;
	s6 =	sadd.s32 $0x2000, s5  }
0x12: {  	s7 =	sadd.s32 $0x4000, s5;
	s10 =	sadd.s32 $0x60E00, s0;
	s0 =	sadd.s32 s31, s1  }
0x13: {  	v0 =	vimm.f32 $0.0e+00;
	s8 =	sadd.s32 $0x6000, s5;
	s9 =	sadd.s32 $0x8000, s5;
	s25 =	sshrl.u32 s0, $0x3  }
.LBB2_10:
0x14: {  	[spmem:s1] =	stream.indirect.scatter.add.f32 [tilespmem:s12], [sflag:$0x4], $0x80, s3, s17, $0xb8;
	[tilespmem:$0x1FF00] =	vst v63  }
.LBB2_11:
0x15: {  	_ =	swait.ge [sflag:s18], $0x4000  }
0x16: {  	[sflag:s18] =	ssyncset.done $0x0  }
0x17: {  	[sflag:s18] =	ssyncadd.s32 $0xFFFFC000  }
0x18: {  	_ =	swait.ge [sflag:s19], $0x4000  }
0x19: {  	[sflag:s19] =	ssyncset.done $0x0  }
0x1a: {  	[sflag:s19] =	ssyncadd.s32 $0xFFFFC000  }
0x1b: {  	_ =	swait.ge [sflag:s20], $0x4000  }
0x1c: {  	s0 =	stileid.u32;
	s28 =	sadd.s32 $0x1, s28;
	[sflag:s20] =	ssyncset.done $0x0  }
0x1d: {  	s0 =	sshll.u32 s0, $0x6;
	p0 =	sne.s32 s28, s11;
	[sflag:s20] =	ssyncadd.s32 $0xFFFFC000  }
.Ltmp1:
0x1e: {  	s0 =	sor.u32 $0x1C07, s0;
	[bflag:$0x0] =	sbarrier.arrive $0xFFFF;
	(pc) =	sbr.rel @!p0 .LBB2_12-.Ltmp1, $4  }
0x1f: {  	[hbm:s10], [sflag:s0] =	dma.local [spmem:s25], $0x1400  }
0x20: {  	_ =	swait.ge [sflag:s13], $0x1400  }
0x21: {  	[sflag:s13] =	ssyncset.done $0x0  }
0x22: {  	[sflag:s13] =	ssyncadd.s32 $0xFFFFEC00  }
.LBB2_1:
0x23: {  	s0 =	simm.s32 $0x0;
	s3 =	simm.s32 $0x200  }
.LBB2_2:
0x24: {  	p0 =	sne.s32 s3, $0x7E00;
	[tilespmem:s0+$0xA270] =	vst v0  }
0x25: {  	[tilespmem:s0+$0xA200] =	vst v0  }
0x26: {  	[tilespmem:s0+$0xA210] =	vst v0  }
.Ltmp2:
0x27: {  	[tilespmem:s0+$0xA220] =	vst v0;
	(pc) =	sbr.rel @p0 .LBB2_2-.Ltmp2, $4  }
0x28: {  	[tilespmem:s0+$0xA230] =	vst v0  }
0x29: {  	[tilespmem:s0+$0xA240] =	vst v0  }
0x2a: {  	[tilespmem:s0+$0xA250] =	vst v0  }
0x2b: {  	[tilespmem:s0+$0xA260] =	vst v0;
	s0 =	sshra.s32 s3, $0x2;
	s3 =	sadd.s32 $0x200, s3  }
0x2c: {  	[tilespmem:s0+$0xA270] =	vst v0  }
0x2d: {  	[tilespmem:s0+$0xA200] =	vst v0  }
0x2e: {  	[tilespmem:s0+$0xA210] =	vst v0  }
0x2f: {  	[tilespmem:s0+$0xA220] =	vst v0  }
0x30: {  	[tilespmem:s0+$0xA230] =	vst v0  }
0x31: {  	[tilespmem:s0+$0xA240] =	vst v0  }
0x32: {  	[tilespmem:s0+$0xA250] =	vst v0  }
0x33: {  	[tilespmem:s0+$0xA260] =	vst v0  }
0x34: {  	[spmem:s5] =	stream.linear.scatter [tilespmem:s12], [sflag:$0x7], $0x2000, $0x38;
	[tilespmem:$0x1FF00] =	vst v63  }
0x35: {  	_ =	swait.ge [sflag:s13], $0x2000  }
0x36: {  	[sflag:s13] =	ssyncset.done $0x0  }
0x37: {  	[sflag:s13] =	ssyncadd.s32 $0xFFFFE000  }
0x38: {  	[spmem:s6] =	stream.linear.scatter [tilespmem:s12], [sflag:$0x7], $0x2000, $0x38;
	[tilespmem:$0x1FF00] =	vst v63  }
0x39: {  	_ =	swait.ge [sflag:s13], $0x2000  }
0x3a: {  	[sflag:s13] =	ssyncset.done $0x0  }
0x3b: {  	[sflag:s13] =	ssyncadd.s32 $0xFFFFE000  }
0x3c: {  	[spmem:s7] =	stream.linear.scatter [tilespmem:s12], [sflag:$0x7], $0x2000, $0x38;
	[tilespmem:$0x1FF00] =	vst v63  }
0x3d: {  	_ =	swait.ge [sflag:s13], $0x2000  }
0x3e: {  	[sflag:s13] =	ssyncset.done $0x0  }
0x3f: {  	[sflag:s13] =	ssyncadd.s32 $0xFFFFE000  }
0x40: {  	[spmem:s8] =	stream.linear.scatter [tilespmem:s12], [sflag:$0x7], $0x2000, $0x38;
	[tilespmem:$0x1FF00] =	vst v63  }
0x41: {  	_ =	swait.ge [sflag:s13], $0x2000  }
0x42: {  	[sflag:s13] =	ssyncset.done $0x0  }
0x43: {  	[sflag:s13] =	ssyncadd.s32 $0xFFFFE000  }
0x44: {  	[spmem:s9] =	stream.linear.scatter [tilespmem:s12], [sflag:$0x7], $0x2000, $0x38;
	[tilespmem:$0x1FF00] =	vst v63  }
0x45: {  	_ =	swait.ge [sflag:s13], $0x2000  }
0x46: {  	[sflag:s13] =	ssyncset.done $0x0  }
0x47: {  	s31 =	simm.s32 $0x0;
	[sflag:s13] =	ssyncadd.s32 $0xFFFFE000  }
0x48: {  	[tilespmem:s31], [sflag:$0x7] =	stream.linear.gather [hbm4b:s14+s31], $0x5100, $0x38;
	[tilespmem:$0x1FF00] =	vst v63  }
0x49: {  	_ =	swait.ge [sflag:s13], $0x5100  }
0x4a: {  	[sflag:s13] =	ssyncset.done $0x0  }
0x4b: {  	s2 =	simm.s32 $0x5100;
	[sflag:s13] =	ssyncadd.s32 $0xFFFFAF00  }
0x4c: {  	[tilespmem:s2], [sflag:$0x7] =	stream.linear.gather [hbm4b:s15+s31], $0x5100, $0x38;
	[tilespmem:$0x1FF00] =	vst v63  }
0x4d: {  	_ =	swait.ge [sflag:s13], $0x5100  }
0x4e: {  	[sflag:s13] =	ssyncset.done $0x0  }
0x4f: {  	[sflag:s13] =	ssyncadd.s32 $0xFFFFAF00  }
0x50: {  	v1 =	vld [tilespmem:$0xA180];
	_ =	sdelay $0x4  }
0x51: {  	(xrf0) =	vadd.scan.msk.s32 $0xffff, v1;
	_ =	sdelay $0x5  }
0x52: {  	v1, _, _ =	vpop (xrf0)  }
0x53: {  	(v2sf) =	vpush v1, $0xF;
	_ =	sdelay $0xe  }
0x54: {  	s3 =	spop (v2sf)  }
0x55: {  	s0 =	sshra.s32 s3, $0x4  }
0x56: {  	s0 =	sadd.s32 $0x7F, s0  }
0x57: {  	s3 =	sand.u32 $0xFFFFFF80, s0;
	s29 =	sshra.s32 s0, $0x7  }
0x58: {  	[bflag:$0x0] =	sbarrier.arrive $0xFFFF;
	s16 =	sadd.s32 $0x5100, s3;
	s31 =	smul.u32 $0xAAAB, s29  }
0x59: {  	[spmem:s1] =	stream.indirect.scatter.add.f32 [tilespmem:s12], [sflag:$0x4], $0x80, s16, s17, $0xb8;
	[tilespmem:$0x1FF00] =	vst v63  }
0x5a: {  	s30 =	sshra.s32 s31, $0x11  }
0x5b: {  	p0 =	slt.s32 s30, $0x1  }
.Ltmp3:
0x5c: {  	_ = 	snop;
	(pc) =	sbr.rel @p0 .LBB2_7-.Ltmp3, $4  }
0x5d: {  	_ = 	snop  }
0x5e: {  	[spmem:s1] =	stream.indirect.scatter.add.f32 [tilespmem:s12], [sflag:$0x5], $0x80, s16, s17, $0xb8;
	[tilespmem:$0x1FF00] =	vst v63  }
0x5f: {  	_ = 	snop  }
0x60: {  	[spmem:s1] =	stream.indirect.scatter.add.f32 [tilespmem:s12], [sflag:$0x6], $0x80, s16, s17, $0xb8;
	[tilespmem:$0x1FF00] =	vst v63  }
0x61: {  	_ =	swait.ge [sflag:s18], $0x4000  }
0x62: {  	[sflag:s18] =	ssyncset.done $0x0  }
0x63: {  	[sflag:s18] =	ssyncadd.s32 $0xFFFFC000  }
0x64: {  	_ =	swait.ge [sflag:s19], $0x4000  }
0x65: {  	[sflag:s19] =	ssyncset.done $0x0  }
0x66: {  	[sflag:s19] =	ssyncadd.s32 $0xFFFFC000  }
0x67: {  	_ =	swait.ge [sflag:s20], $0x4000  }
0x68: {  	[sflag:s20] =	ssyncset.done $0x0  }
0x69: {  	s0 =	simm.s32 $0x0;
	[sflag:s20] =	ssyncadd.s32 $0xFFFFC000  }
0x6a: {  	[tilespmem:s12], [sflag:$0x1] =	stream.indirect.gather [hbm4b:s4+s17], $0x80, s0, s17, $0xb8;
	[tilespmem:$0x1FF00] =	vst v63  }
0x6b: {  	s16 =	simm.s32 $0x80  }
0x6c: {  	[tilespmem:s21], [sflag:$0x2] =	stream.indirect.gather [hbm4b:s4+s17], $0x80, s16, s17, $0xb8;
	[tilespmem:$0x1FF00] =	vst v63  }
0x6d: {  	s2 =	simm.s32 $0x100  }
0x6e: {  	[tilespmem:s22], [sflag:$0x3] =	stream.indirect.gather [hbm4b:s4+s17], $0x80, s2, s17, $0xb8;
	[tilespmem:$0x1FF00] =	vst v63  }
0x6f: {  	_ =	swait.ge [sflag:s23], $0x4000  }
0x70: {  	[sflag:s23] =	ssyncset.done $0x0  }
0x71: {  	s3 =	simm.s32 $0x5100;
	[sflag:s23] =	ssyncadd.s32 $0xFFFFC000  }
0x72: {  	[spmem:s1] =	stream.indirect.scatter.add.f32 [tilespmem:s12], [sflag:$0x4], $0x80, s3, s17, $0xb8;
	[tilespmem:$0x1FF00] =	vst v63  }
0x73: {  	_ =	swait.ge [sflag:s24], $0x4000  }
0x74: {  	p0 =	sne.s32 s30, $0x1;
	[sflag:s24] =	ssyncset.done $0x0  }
.Ltmp4:
0x75: {  	s16 =	simm.s32 $0x5180;
	[sflag:s24] =	ssyncadd.s32 $0xFFFFC000;
	(pc) =	sbr.rel @!p0 .LBB2_6-.Ltmp4, $4  }
0x76: {  	[spmem:s1] =	stream.indirect.scatter.add.f32 [tilespmem:s21], [sflag:$0x5], $0x80, s16, s17, $0xb8;
	[tilespmem:$0x1FF00] =	vst v63  }
0x77: {  	_ =	swait.ge [sflag:s26], $0x4000  }
0x78: {  	s31 =	sadd.s32 $0xFFFFFFFF, s30;
	s0 =	simm.s32 $0x5200;
	[sflag:s26] =	ssyncset.done $0x0  }
0x79: {  	s3 =	simm.s32 $0x280;
	s16 =	simm.s32 $0x5380;
	[sflag:s26] =	ssyncadd.s32 $0xFFFFC000  }
.LBB2_5:
0x7a: {  	[spmem:s1] =	stream.indirect.scatter.add.f32 [tilespmem:s22], [sflag:$0x6], $0x80, s0, s17, $0xb8;
	[tilespmem:$0x1FF00] =	vst v63  }
0x7b: {  	p0 =	sne.s32 s31, $0x1;
	s31 =	sadd.s32 $0xFFFFFFFF, s31;
	_ =	swait.ge [sflag:s18], $0x4000  }
0x7c: {  	s0 =	smov.u32 s16;
	[sflag:s18] =	ssyncset.done $0x0  }
0x7d: {  	[sflag:s18] =	ssyncadd.s32 $0xFFFFC000  }
0x7e: {  	_ =	swait.ge [sflag:s19], $0x4000  }
0x7f: {  	[sflag:s19] =	ssyncset.done $0x0  }
0x80: {  	[sflag:s19] =	ssyncadd.s32 $0xFFFFC000  }
0x81: {  	_ =	swait.ge [sflag:s20], $0x4000  }
0x82: {  	[sflag:s20] =	ssyncset.done $0x0  }
0x83: {  	s2 =	sadd.s32 $0xFFFFFF00, s3;
	[sflag:s20] =	ssyncadd.s32 $0xFFFFC000  }
0x84: {  	[tilespmem:s12], [sflag:$0x1] =	stream.indirect.gather [hbm4b:s4+s17], $0x80, s2, s17, $0xb8;
	[tilespmem:$0x1FF00] =	vst v63  }
0x85: {  	s2 =	sadd.s32 $0xFFFFFF80, s3  }
0x86: {  	[tilespmem:s21], [sflag:$0x2] =	stream.indirect.gather [hbm4b:s4+s17], $0x80, s2, s17, $0xb8;
	[tilespmem:$0x1FF00] =	vst v63  }
0x87: {  	_ = 	snop  }
0x88: {  	[tilespmem:s22], [sflag:$0x3] =	stream.indirect.gather [hbm4b:s4+s17], $0x80, s3, s17, $0xb8;
	[tilespmem:$0x1FF00] =	vst v63  }
0x89: {  	_ =	swait.ge [sflag:s23], $0x4000  }
0x8a: {  	[sflag:s23] =	ssyncset.done $0x0  }
0x8b: {  	s2 =	sadd.s32 $0xFFFFFF00, s16;
	[sflag:s23] =	ssyncadd.s32 $0xFFFFC000  }
0x8c: {  	[spmem:s1] =	stream.indirect.scatter.add.f32 [tilespmem:s12], [sflag:$0x4], $0x80, s2, s17, $0xb8;
	[tilespmem:$0x1FF00] =	vst v63  }
0x8d: {  	_ =	swait.ge [sflag:s24], $0x4000  }
0x8e: {  	[sflag:s24] =	ssyncset.done $0x0  }
.Ltmp5:
0x8f: {  	s2 =	sadd.s32 $0xFFFFFF80, s16;
	[sflag:s24] =	ssyncadd.s32 $0xFFFFC000;
	(pc) =	sbr.rel @p0 .LBB2_5-.Ltmp5, $4  }
0x90: {  	[spmem:s1] =	stream.indirect.scatter.add.f32 [tilespmem:s21], [sflag:$0x5], $0x80, s2, s17, $0xb8;
	[tilespmem:$0x1FF00] =	vst v63  }
0x91: {  	_ =	swait.ge [sflag:s26], $0x4000  }
0x92: {  	[sflag:s26] =	ssyncset.done $0x0  }
0x93: {  	s3 =	sadd.s32 $0x180, s3;
	s16 =	sadd.s32 $0x180, s16;
	[sflag:s26] =	ssyncadd.s32 $0xFFFFC000  }
.LBB2_6:
0x94: {  	[spmem:s1] =	stream.indirect.scatter.add.f32 [tilespmem:s22], [sflag:$0x6], $0x80, s0, s17, $0xb8;
	[tilespmem:$0x1FF00] =	vst v63  }
.LBB2_7:
0x95: {  	s0 =	smul.u32 $0x3, s30;
	_ =	sdelay $0x1  }
0x96: {  	p0 =	sle.s32 s29, s0  }
.Ltmp6:
0x97: {  	_ = 	snop;
	(pc) =	sbr.rel @p0 .LBB2_11-.Ltmp6, $1  }
0x98: {  	_ =	sdelay $0x3  }
0x99: {  	s2 =	smul.u32 $0x600, s30;
	_ =	swait.ge [sflag:s18], $0x4000;
	s0 =	ssub.s32 s29, s0  }
0x9a: {  	[sflag:s18] =	ssyncset.done $0x0;
	p0 =	sne.s32 s0, $0x1  }
.Ltmp7:
0x9b: {  	s2 =	sshra.s32 s2, $0x2;
	[sflag:s18] =	ssyncadd.s32 $0xFFFFC000;
	(pc) =	sbr.rel @!p0 .LBB2_10-.Ltmp7, $4  }
0x9c: {  	[tilespmem:s12], [sflag:$0x1] =	stream.indirect.gather [hbm4b:s4+s17], $0x80, s2, s17, $0xb8;
	[tilespmem:$0x1FF00] =	vst v63  }
0x9d: {  	_ =	swait.ge [sflag:s23], $0x4000  }
0x9e: {  	s0 =	sadd.s32 $0xFFFFFFFF, s0;
	s3 =	sadd.s32 $0x5100, s2;
	[sflag:s23] =	ssyncset.done $0x0  }
0x9f: {  	s16 =	sadd.s32 $0x80, s2;
	s29 =	sadd.s32 $0x80, s3;
	[sflag:s23] =	ssyncadd.s32 $0xFFFFC000  }
.LBB2_9:
0xa0: {  	[spmem:s1] =	stream.indirect.scatter.add.f32 [tilespmem:s12], [sflag:$0x4], $0x80, s3, s17, $0xb8;
	[tilespmem:$0x1FF00] =	vst v63  }
0xa1: {  	p0 =	sne.s32 s0, $0x1;
	s0 =	sadd.s32 $0xFFFFFFFF, s0;
	_ =	swait.ge [sflag:s18], $0x4000  }
0xa2: {  	s3 =	smov.u32 s29;
	[sflag:s18] =	ssyncset.done $0x0  }
.Ltmp8:
0xa3: {  	[sflag:s18] =	ssyncadd.s32 $0xFFFFC000;
	(pc) =	sbr.rel @p0 .LBB2_9-.Ltmp8, $4  }
0xa4: {  	[tilespmem:s12], [sflag:$0x1] =	stream.indirect.gather [hbm4b:s4+s17], $0x80, s16, s17, $0xb8;
	[tilespmem:$0x1FF00] =	vst v63  }
0xa5: {  	_ =	swait.ge [sflag:s23], $0x4000  }
0xa6: {  	[sflag:s23] =	ssyncset.done $0x0  }
0xa7: {  	s29 =	sadd.s32 $0x80, s29;
	s16 =	sadd.s32 $0x80, s16;
	[sflag:s23] =	ssyncadd.s32 $0xFFFFC000  }
.Ltmp9:
0xa8: {  	_ = 	snop;
	(pc) =	sbr.rel .LBB2_10-.Ltmp9, $1  }
0xa9: {  	_ =	sdelay $0x3  }
.LBB2_12:
0xaa: {  	_ =	sfence.sel $0x180000  }
0xab: {  	[bflag:$0x0] =	sbarrier.arrive $0xFFFF  }
0xac: {  	_ =	strace $0x9000004A  }
0xad: {  	s0 =	stileid.u32;
	[bflag:$0x2] =	sbarrier.arrive $0xFFFF  }
0xae: {  	p0 =	sne.s32 s0, $0x0;
	s0 =	rddreg [dreg:$0x2]  }
0xaf: {  	s0 =	sadd.s32 @!p0 $0x100000, s0  }
0xb0: {  	[sflag:s0] =	ssyncadd.tile.s32 @!p0 $0x1;
	_ =	shalt  }
.Lfunc_end2:
_tile_overlayer_lowered:
.L_overlay_start_2:
0xb1: {  	(tag) =	ssettag $0x2  }
0xb2: {  	s0 =	rddreg [dreg:$0x0];
	s2 =	stileid.u32  }
0xb3: {  	s1 =	rddreg [dreg:$0x1];
	p0 =	sne.s32 s2, $0x0  }
0xb4: {  	s3 =	rddreg [dreg:$0x2];
	[bflag:$0x3] =	sbarrier.arrive $0xFFFF;
	s2 =	simm.s32 @!p0 $0x1C07  }
0xb5: {  	[timem:s3], [sflag:s2] =	dma.local @!p0 [hbm:s0], s1  }
0xb6: {  	s0 =	simm.s32 @!p0 $0x7  }
0xb7: {  	_ =	swait.ge @!p0 [sflag:s0], s1  }
0xb8: {  	s1 =	ssub.s32 @!p0 $0x0, s1;
	[sflag:s0] =	ssyncset.done @!p0 $0x0  }
0xb9: {  	[sflag:s0] =	ssyncadd.s32 @!p0 s1  }
0xba: {  	[bflag:$0x3] =	sbarrier.arrive $0xFFFF  }
0xbb: {  	_ =	shalt  }

// kernel: kernel.15.cloned.1.call-start
scs
__scs_entry_jumppad:
0x0: {  	(pc) =	sbr.rel $0x88, $3  }
0x1: {  	(tag) =	ssettag $0x0;
	lr =	simm.s32 $0x1  }
0x2: {  	[smem:$0x3F9B] =	sst lr;
	_ =	strace $0xD0000000  }
0x3: {  	_ = 	snop  }
0x4: {  	_ = 	snop  }
0x5: {  	_ = 	snop  }
0x6: {  	_ = 	snop  }
0x7: {  	_ = 	snop  }
__scs_overlays_trampoline_lowered:
0x8: {  	[smem:$0x3FAA] =	sst s0  }
0x9: {  	[smem:$0x3FAB] =	sst s1  }
0xa: {  	[smem:$0x3FAC] =	sst s2  }
0xb: {  	[smem:$0x3FAD] =	sst s3  }
0xc: {  	[smem:$0x3FAE] =	sst s4  }
0xd: {  	[smem:$0x3FAF] =	sst s5  }
0xe: {  	[smem:$0x3FB0] =	sst s6  }
0xf: {  	[smem:$0x3FB1] =	sst s7  }
0x10: {  	[smem:$0x3FB2] =	sst s8  }
0x11: {  	[smem:$0x3FB3] =	sst s9;
	s0 =	simm.s32 @!p0 $0x0  }
0x12: {  	s1 =	sld [smem:$0x3F99];
	s0 =	simm.s32 @p0 $0x1  }
0x13: {  	[smem:$0x3FB4] =	sst s0;
	s0 =	simm.s32 @!p1 $0x0  }
0x14: {  	s2 =	sld [smem:$0x3F98];
	s0 =	simm.s32 @p1 $0x1  }
0x15: {  	[smem:$0x3FB5] =	sst s0;
	s0 =	simm.s32 @!p2 $0x0  }
0x16: {  	s3 =	sld [smem:$0x3FDB];
	s0 =	simm.s32 @p2 $0x1  }
0x17: {  	s4 =	simm.s32 $0x1BF5;
	[smem:$0x3FB7] =	sst s0  }
0x18: {  	s0 =	sld [smem:$0x3F9A];
	_ =	swait.ge [sflag:s4], $0x0  }
0x19: {  	s7 =	sld [smem:$0x3F9B]  }
0x1a: {  	s8 =	sadd.s32 $0xFFFFE003, lr  }
0x1b: {  	s9 =	sadd.s32 $0xFFFFFEF7, lr;
	s5 =	simm.s32 $0xFFFFFFFF;
	p2 =	slt.u32 s8, $0xFFFFF086  }
0x1c: {  	p1 =	slt.u32 s9, $0xF7A;
	s5 =	simm.s32 @!p2 $0x0  }
0x1d: {  	s5 =	simm.s32 @p1 $0x1;
	p0 =	seq.s32 s7, s2  }
0x1e: {  	s7 =	smul.u32 @!p0 $0xF7A, s2;
	p2 =	seq.s32 @!p0 s5, $0x0  }
0x1f: {  	s9 =	smul.u32 $0xF7A, s1;
	s8 =	simm.s32 @!p0 $0x1BF5;
	p2 =	por !p2, p0  }
0x20: {  	[sflag:s8] =	ssyncset.s32 @!p0 $0xFFFFF086;
	s6 =	sadd.s32 @!p0 s3, s7;
	s7 =	simm.s32 @!p0 $0x108  }
0x21: {  	s3 =	sadd.s32 s3, s9;
	s6 =	sadd.s32 @!p0 $0x88, s6;
	s7 =	simm.s32 @p2 $0x1082  }
0x22: {  	[simem:s7], [sflag:s8] =	dma.local @!p0 [hbm:s6], $0xF7A  }
0x23: {  	s9 =	sor.u32 $0xD0000000, s2;
	s6 =	simm.s32 $0x108;
	_ =	swait.ge @!p0 [sflag:s8], $0x0  }
0x24: {  	s3 =	sadd.s32 $0x88, s3;
	s6 =	simm.s32 @!p1 $0x1082;
	[sflag:s4] =	ssyncset.s32 $0xFFFFF086  }
0x25: {  	[simem:s6], [sflag:s4] =	dma.local [hbm:s3], $0xF7A  }
0x26: {  	[smem:$0x3F9B] =	sst s1;
	(tag) =	ssettag s2;
	_ =	strace s9  }
0x27: {  	s1 =	sld [smem:$0x3FAB]  }
0x28: {  	s2 =	sld [smem:$0x3FAC]  }
0x29: {  	s4 =	sld [smem:$0x3FAE]  }
0x2a: {  	p0 =	seq.s32 s5, $0x0;
	s5 =	sld [smem:$0x3FAF]  }
0x2b: {  	s6 =	sld [smem:$0x3FB0]  }
0x2c: {  	s7 =	sld [smem:$0x3FB1]  }
0x2d: {  	s3 =	simm.s32 $0x108;
	s8 =	sld [smem:$0x3FB2]  }
0x2e: {  	s3 =	simm.s32 @!p0 $0x1082;
	s9 =	sld [smem:$0x3FB3]  }
0x2f: {  	lr =	sadd.s32 s0, s3;
	s0 =	sld [smem:$0x3FAA]  }
0x30: {  	s3 =	sld [smem:$0x3FAD]  }
0x31: {  	[smem:$0x3FB6] =	sst s10  }
0x32: {  	s10 =	sld [smem:$0x3FB4];
	_ =	sdelay $0x3  }
0x33: {  	p0 =	seq.s32 s10, $0x1;
	s10 =	sld [smem:$0x3FB6];
	_ =	sdelay $0x3  }
0x34: {  	[smem:$0x3FB6] =	sst s10  }
0x35: {  	s10 =	sld [smem:$0x3FB5];
	_ =	sdelay $0x3  }
0x36: {  	p1 =	seq.s32 s10, $0x1;
	s10 =	sld [smem:$0x3FB6];
	_ =	sdelay $0x3  }
0x37: {  	[smem:$0x3FB6] =	sst s10  }
0x38: {  	s10 =	sld [smem:$0x3FB7]  }
0x39: {  	_ = 	snop;
	(pc) =	sbr.ind lr, $3  }
0x3a: {  	_ = 	snop  }
0x3b: {  	_ = 	snop  }
0x3c: {  	p2 =	seq.s32 s10, $0x1;
	s10 =	sld [smem:$0x3FB6]  }
0x3d: {  	_ =	shalt  }
0x3e: {  	_ =	shalt  }
0x3f: {  	_ =	shalt  }
0x40: {  	_ =	shalt  }
0x41: {  	_ =	shalt  }
0x42: {  	_ =	shalt  }
0x43: {  	_ =	shalt  }
0x44: {  	_ =	shalt  }
0x45: {  	_ =	shalt  }
0x46: {  	_ =	shalt  }
0x47: {  	_ =	shalt  }
0x48: {  	_ =	shalt  }
0x49: {  	_ =	shalt  }
0x4a: {  	_ =	shalt  }
0x4b: {  	_ =	shalt  }
0x4c: {  	_ =	shalt  }
0x4d: {  	_ =	shalt  }
0x4e: {  	_ =	shalt  }
0x4f: {  	_ =	shalt  }
0x50: {  	_ =	shalt  }
0x51: {  	_ =	shalt  }
0x52: {  	_ =	shalt  }
0x53: {  	_ =	shalt  }
0x54: {  	_ =	shalt  }
0x55: {  	_ =	shalt  }
0x56: {  	_ =	shalt  }
0x57: {  	_ =	shalt  }
0x58: {  	_ =	shalt  }
0x59: {  	_ =	shalt  }
0x5a: {  	_ =	shalt  }
0x5b: {  	_ =	shalt  }
0x5c: {  	_ =	shalt  }
0x5d: {  	_ =	shalt  }
0x5e: {  	_ =	shalt  }
0x5f: {  	_ =	shalt  }
0x60: {  	_ =	shalt  }
0x61: {  	_ =	shalt  }
0x62: {  	_ =	shalt  }
0x63: {  	_ =	shalt  }
0x64: {  	_ =	shalt  }
0x65: {  	_ =	shalt  }
0x66: {  	_ =	shalt  }
0x67: {  	_ =	shalt  }
0x68: {  	_ =	shalt  }
0x69: {  	_ =	shalt  }
0x6a: {  	_ =	shalt  }
0x6b: {  	_ =	shalt  }
0x6c: {  	_ =	shalt  }
0x6d: {  	_ =	shalt  }
0x6e: {  	_ =	shalt  }
0x6f: {  	_ =	shalt  }
0x70: {  	_ =	shalt  }
0x71: {  	_ =	shalt  }
0x72: {  	_ =	shalt  }
0x73: {  	_ =	shalt  }
0x74: {  	_ =	shalt  }
0x75: {  	_ =	shalt  }
0x76: {  	_ =	shalt  }
0x77: {  	_ =	shalt  }
0x78: {  	_ =	shalt  }
0x79: {  	_ =	shalt  }
0x7a: {  	_ =	shalt  }
0x7b: {  	_ =	shalt  }
0x7c: {  	_ =	shalt  }
0x7d: {  	_ =	shalt  }
0x7e: {  	_ =	shalt  }
0x7f: {  	_ =	shalt  }
0x80: {  	_ =	shalt  }
0x81: {  	_ =	shalt  }
0x82: {  	_ =	shalt  }
0x83: {  	_ =	shalt  }
0x84: {  	_ =	shalt  }
0x85: {  	_ =	shalt  }
0x86: {  	_ =	shalt  }
0x87: {  	_ =	shalt  }
.Lfunc_end0:
.L_simem_size_0:
called_computation.2_lowered:
.L_overlay_start_0:
0x88: {  	s2 =	sld [smem:$0x3FD9]  }
0x89: {  	s3 =	sld [smem:$0x3FFE];
	_ =	sdelay $0x1  }
0x8a: {  	s1 =	srdreg.scid  }
0x8b: {  	s0 =	sand.u32 $0x1, s1  }
0x8c: {  	s16 =	sshll.u32 s0, $0xA;
	s2 =	sadd.s32 s3, s2  }
0x8d: {  	s2 =	sadd.s32 s2, s16  }
0x8e: {  	[smem:$0x3FC2] =	sst s2  }
0x8f: {  	_ = 	snop  }
0x90: {  	(tm) =	ssettm $0x1  }
0x91: {  	s17 =	sld [smem:$0x3FFB];
	_ =	sdelay $0x3  }
0x92: {  	_ =	strace s17  }
0x93: {  	s2 =	sld [smem:$0x3FFC];
	_ =	sdelay $0x3  }
0x94: {  	_ =	strace s2  }
0x95: {  	s2 =	sld [smem:$0x3FFD];
	_ =	sdelay $0x3  }
0x96: {  	_ =	strace s2  }
0x97: {  	_ =	strace $0x8FFFFFFF  }
0x98: {  	s18 =	sld [smem:$0x3FDB];
	_ =	sdelay $0x1  }
0x99: {  	s19 =	simm.s32 $_scs_section_size  }
0x9a: {  	s4 =	simm.s32 $_size__tile_overlayer_lowered;
	s5 =	simm.s32 $_tile_overlayer_lowered  }
0x9b: {  	s22 =	simm.s32 $0x1BFF;
	s21 =	sshll.u32 s5, $0x1;
	s2 =	sadd.s32 s19, s18  }
0x9c: {  	s6 =	simm.s32 $0x0;
	s20 =	sshll.u32 s4, $0x1;
	s4 =	sadd.s32 s21, s2  }
0x9d: {  	[timem:s6], [sflag:s22] =	dma.local [hbm:s4], s20  }
0x9e: {  	_ =	swait.ge [sflag:s22], s20  }
0x9f: {  	s3 =	ssub.s32 $0x0, s20;
	[sflag:s22] =	ssyncset.done $0x0  }
0xa0: {  	[sflag:s22] =	ssyncadd.s32 s3;
	_ =	sdelay $0x1  }
0xa1: {  	s23 =	simm.s32 $0x1B8B  }
0xa2: {  	_ =	swait.ge [sflag:s23], $0x1  }
0xa3: {  	[sflag:s23] =	ssyncset.done $0x0  }
0xa4: {  	s25 =	simm.s32 $0x1B8E;
	s24 =	sld [smem:$0x3FFE];
	[sflag:s23] =	ssyncadd.s32 $0xFFFFFFFF  }
0xa5: {  	s26 =	simm.s32 $execute0_lowered;
	[smem:$0x3FD2] =	sst s25  }
0xa6: {  	s4 =	sshll.u32 s26, $0x1;
	_ =	strace $0x8000004C;
	[dreg:$0x1] =	wrdreg $0xFFFFFFFF  }
0xa7: {  	s28 =	simm.s32 $_size_execute0_lowered;
	s2 =	sadd.s32 s2, s4;
	[dreg:$0x0] =	wrdreg $0x0  }
0xa8: {  	s4 =	sshll.u32 s28, $0x1;
	[dreg:$0x2] =	wrdreg s2  }
0xa9: {  	[dreg:$0x3] =	wrdreg s4  }
0xaa: {  	[dreg:$0x4] =	wrdreg $0xC0  }
0xab: {  	_ =	task [dreg:s6], $0x5FFFF  }
0xac: {  	[dreg:$0x1] =	wrdreg $0xFFFFFFFF  }
0xad: {  	[dreg:$0x0] =	wrdreg $0x60  }
0xae: {  	[dreg:$0x2] =	wrdreg s24  }
0xaf: {  	[dreg:$0x3] =	wrdreg $0x102000  }
0xb0: {  	[dreg:$0x4] =	wrdreg $0x9  }
0xb1: {  	_ =	task.clear_ibuf [dreg:s6], $0x5FFFF;
	_ =	strace $0x9000004C  }
0xb2: {  	s29 =	simm.s32 $0x9;
	_ =	strace $0x8000004E  }
0xb3: {  	_ =	swait.ge [sflag:s29], $0x1  }
0xb4: {  	[sflag:s29] =	ssyncadd.s32 $0xFFFFFFFF  }
0xb5: {  	_ =	strace $0x9000004E  }
0xb6: {  	_ =	sfence  }
0xb7: {  	s30 =	sld [smem:$0x0];
	_ =	sdelay $0x2  }
0xb8: {  	s31 =	sshll.u32 s1, $0xD;
	s1 =	sshrl.u32 s1, $0x2  }
0xb9: {  	s3 =	sand.u32 $0x4000, s31;
	s1 =	sadd.s32 s1, s30  }
0xba: {  	s0 =	sor.u32 s3, s0;
	s1 =	sshll.u32 s1, $0x11  }
0xbb: {  	s0 =	sor.u32 s1, s0  }
0xbc: {  	s0 =	sadd.s32 $0x8F2B, s0  }
0xbd: {  	[sflag:s0] =	ssyncadd.remote.s32 $0x1  }
0xbe: {  	_ =	sfence.sel $0xFFFF  }
0xbf: {  	[dreg:$0x0] =	wrdreg $0xFFFFFFFF;
	(pc) =	sbr.abs _section_cstart, $3  }
0xc0: {  	[dreg:$0x1] =	wrdreg $0xFFFFFFFF  }
0xc1: {  	_ =	task.clear_ibuf [dreg:s6], $0x2FFFF;
	_ =	strace $0x9FFFFFFF  }
0xc2: {  	(tm) =	ssettm $0x7FFFFFFF  }
0xc3: {  	_ =	shalt  }
tec
execute0_lowered:
.L_overlay_start_1:
0x0: {  	(tag) =	ssettag $0x1  }
0x1: {  	s0 =	rddreg [dreg:$0x0]  }
0x2: {  	s1 =	rddreg [dreg:$0x1]  }
0x3: {  	s3 =	simm.s32 $0x0;
	s2 =	srdreg.scid;
	s11 =	stileid.u32  }
0x4: {  	s5 =	simm.s32 $0x1250;
	s12 =	simm.s32 $0xA200;
	s13 =	simm.s32 $0x9  }
0x5: {  	s17 =	simm.s32 $0x80;
	s18 =	simm.s32 $0x5;
	s19 =	simm.s32 $0x6  }
0x6: {  	s20 =	simm.s32 $0x7;
	s21 =	simm.s32 $0x8;
	s22 =	simm.s32 $0xBA00  }
0x7: {  	s28 =	simm.s32 $0x2;
	s29 =	simm.s32 $0x3;
	s4 =	smul.u32 $0x140, s11  }
0x8: {  	s30 =	simm.s32 $0x4;
	s2 =	sand.u32 $0x1, s2;
	s15 =	smul.u32 $0xA20, s11  }
0x9: {  	[smem:$0x7FF] =	sst s3;
	p0 =	seq.s32 s2, $0x0;
	s6 =	smul.u32 $0x1390, s2  }
0xa: {  	s7 =	smul.u32 $0xA200, s2;
	s2 =	ssub.s32 $0x2, s2;
	s5 =	simm.s32 @!p0 $0x1240  }
0xb: {  	_ =	strace $0x8000004D;
	s24 =	sshrl.u32 s2, $0x1;
	s8 =	smin.u32 s4, s5  }
0xc: {  	s4 =	smin.u32 s4, $0x1260;
	s10 =	sadd.s32 s7, s0;
	s2 =	ssub.s32 s2, s24  }
0xd: {  	s24 =	simm.s32 $0xEA00;
	s5 =	sadd.s32 s6, s8;
	s23 =	smul.u32 $0xC0, s4  }
0xe: {  	s4 =	sadd.s32 $0x2400, s0;
	s26 =	smul.u32 $0xC0, s8;
	s14 =	sadd.s32 $0x11400, s10  }
0xf: {  	s16 =	sadd.s32 $0x25800, s10;
	s11 =	smax.u32 s2, $0x1;
	s5 =	smul.u32 $0x6, s5  }
0x10: {  	s14 =	sadd.s32 s15, s14;
	s15 =	sadd.s32 s15, s16;
	s6 =	sshrl.u32 s23, $0x2  }
.Ltmp0:
0x11: {  	s0 =	sadd.s32 s5, s0;
	s5 =	sadd.s32 s6, s1;
	(pc) =	sbr.rel .LBB2_1-.Ltmp0, $4  }
0x12: {  	s23 =	simm.s32 $0xD200;
	s6 =	sadd.s32 $0xC00, s5;
	s25 =	sadd.s32 $0x1800, s5  }
0x13: {  	s8 =	sadd.s32 $0x2400, s5;
	[dreg:$0x3] =	wrdreg s6;
	s6 =	sshrl.u32 s26, $0x2  }
0x14: {  	s9 =	sadd.s32 $0x3000, s5;
	s10 =	sadd.s32 $0x39C00, s0;
	s31 =	sadd.s32 s6, s1  }
0x15: {  	v0 =	vimm.f32 $0.0e+00;
	[dreg:$0x4] =	wrdreg s25;
	s26 =	simm.s32 $0x1;
	s25 =	sshrl.u32 s31, $0x3  }
.LBB2_10:
0x16: {  	[spmem:s1] =	stream.indirect.scatter.add.f32 [tilespmem:s12], [sflag:$0x5], $0x30, s2, s17, $0xb8;
	[tilespmem:$0x13CE0] =	vst v63  }
.LBB2_11:
0x17: {  	_ =	swait.ge [sflag:s18], $0x1800  }
0x18: {  	[sflag:s18] =	ssyncset.done $0x0  }
0x19: {  	[sflag:s18] =	ssyncadd.s32 $0xFFFFE800  }
0x1a: {  	_ =	swait.ge [sflag:s19], $0x1800  }
0x1b: {  	[sflag:s19] =	ssyncset.done $0x0  }
0x1c: {  	[sflag:s19] =	ssyncadd.s32 $0xFFFFE800  }
0x1d: {  	_ =	swait.ge [sflag:s20], $0x1800  }
0x1e: {  	[sflag:s20] =	ssyncset.done $0x0  }
0x1f: {  	[sflag:s20] =	ssyncadd.s32 $0xFFFFE800  }
0x20: {  	_ =	swait.ge [sflag:s21], $0x1800  }
0x21: {  	s0 =	stileid.u32;
	s3 =	sadd.s32 $0x1, s3;
	[sflag:s21] =	ssyncset.done $0x0  }
0x22: {  	s0 =	sshll.u32 s0, $0x6;
	p0 =	sne.s32 s3, s11;
	[sflag:s21] =	ssyncadd.s32 $0xFFFFE800  }
.Ltmp1:
0x23: {  	s0 =	sor.u32 $0x1C09, s0;
	[bflag:$0x0] =	sbarrier.arrive $0xFFFF;
	(pc) =	sbr.rel @!p0 .LBB2_12-.Ltmp1, $4  }
0x24: {  	[hbm:s10], [sflag:s0] =	dma.local [spmem:s25], $0x780  }
0x25: {  	_ =	swait.ge [sflag:s13], $0x780  }
0x26: {  	[sflag:s13] =	ssyncset.done $0x0  }
0x27: {  	[sflag:s13] =	ssyncadd.s32 $0xFFFFF880  }
.LBB2_1:
0x28: {  	s0 =	simm.s32 $0xC0;
	s2 =	simm.s32 $0x0  }
.LBB2_2:
0x29: {  	p0 =	sne.s32 s0, $0x2F40;
	[tilespmem:s2+$0xA220] =	vst v0;
	s6 =	smov.u32 s0;
	s0 =	sadd.s32 $0xC0, s0  }
.Ltmp2:
0x2a: {  	[tilespmem:s2+$0xA200] =	vst v0;
	(pc) =	sbr.rel @p0 .LBB2_2-.Ltmp2, $2  }
0x2b: {  	[tilespmem:s2+$0xA210] =	vst v0;
	_ =	sdelay $0x2  }
0x2c: {  	s2 =	sshra.s32 s6, $0x2  }
0x2d: {  	[tilespmem:s2+$0xA220] =	vst v0  }
0x2e: {  	[tilespmem:s2+$0xA200] =	vst v0  }
0x2f: {  	[tilespmem:s2+$0xA210] =	vst v0  }
0x30: {  	[spmem:s5] =	stream.linear.scatter [tilespmem:s12], [sflag:$0x9], $0xC00, $0x38;
	[tilespmem:$0x13CE0] =	vst v63  }
0x31: {  	_ =	swait.ge [sflag:s13], $0xC00  }
0x32: {  	[sflag:s13] =	ssyncset.done $0x0  }
0x33: {  	s0 =	rddreg [dreg:$0x3];
	[sflag:s13] =	ssyncadd.s32 $0xFFFFF400  }
0x34: {  	[spmem:s0] =	stream.linear.scatter [tilespmem:s12], [sflag:$0x9], $0xC00, $0x38;
	[tilespmem:$0x13CE0] =	vst v63  }
0x35: {  	_ =	swait.ge [sflag:s13], $0xC00  }
0x36: {  	[sflag:s13] =	ssyncset.done $0x0  }
0x37: {  	s16 =	rddreg [dreg:$0x4];
	[sflag:s13] =	ssyncadd.s32 $0xFFFFF400  }
0x38: {  	[spmem:s16] =	stream.linear.scatter [tilespmem:s12], [sflag:$0x9], $0xC00, $0x38;
	[tilespmem:$0x13CE0] =	vst v63  }
0x39: {  	_ =	swait.ge [sflag:s13], $0xC00  }
0x3a: {  	[sflag:s13] =	ssyncset.done $0x0  }
0x3b: {  	[sflag:s13] =	ssyncadd.s32 $0xFFFFF400  }
0x3c: {  	[spmem:s8] =	stream.linear.scatter [tilespmem:s12], [sflag:$0x9], $0xC00, $0x38;
	[tilespmem:$0x13CE0] =	vst v63  }
0x3d: {  	_ =	swait.ge [sflag:s13], $0xC00  }
0x3e: {  	[sflag:s13] =	ssyncset.done $0x0  }
0x3f: {  	[sflag:s13] =	ssyncadd.s32 $0xFFFFF400  }
0x40: {  	[spmem:s9] =	stream.linear.scatter [tilespmem:s12], [sflag:$0x9], $0xC00, $0x38;
	[tilespmem:$0x13CE0] =	vst v63  }
0x41: {  	_ =	swait.ge [sflag:s13], $0xC00  }
0x42: {  	[sflag:s13] =	ssyncset.done $0x0  }
0x43: {  	s16 =	simm.s32 $0x0;
	[sflag:s13] =	ssyncadd.s32 $0xFFFFF400  }
0x44: {  	[tilespmem:s16], [sflag:$0x9] =	stream.linear.gather [hbm4b:s14+s16], $0x5100, $0x38;
	[tilespmem:$0x13CE0] =	vst v63  }
0x45: {  	_ =	swait.ge [sflag:s13], $0x5100  }
0x46: {  	[sflag:s13] =	ssyncset.done $0x0  }
0x47: {  	s2 =	simm.s32 $0x5100;
	[sflag:s13] =	ssyncadd.s32 $0xFFFFAF00  }
0x48: {  	[tilespmem:s2], [sflag:$0x9] =	stream.linear.gather [hbm4b:s15+s16], $0x5100, $0x38;
	[tilespmem:$0x13CE0] =	vst v63  }
0x49: {  	_ =	swait.ge [sflag:s13], $0x5100  }
0x4a: {  	[sflag:s13] =	ssyncset.done $0x0  }
0x4b: {  	[sflag:s13] =	ssyncadd.s32 $0xFFFFAF00  }
0x4c: {  	v1 =	vld [tilespmem:$0xA180];
	_ =	sdelay $0x4  }
0x4d: {  	(xrf0) =	vadd.scan.msk.s32 $0xffff, v1;
	_ =	sdelay $0x5  }
0x4e: {  	v1, _, _ =	vpop (xrf0)  }
0x4f: {  	(v2sf) =	vpush v1, $0xF;
	_ =	sdelay $0xe  }
0x50: {  	s6 =	spop (v2sf)  }
0x51: {  	s0 =	sshra.s32 s6, $0x4  }
0x52: {  	s0 =	sadd.s32 $0x7F, s0  }
0x53: {  	s7 =	sand.u32 $0xFFFFFF80, s0  }
0x54: {  	[bflag:$0x0] =	sbarrier.arrive $0xFFFF;
	s31 =	sshra.s32 s0, $0x9;
	s2 =	sadd.s32 $0x5100, s7  }
0x55: {  	[spmem:s1] =	stream.indirect.scatter.add.f32 [tilespmem:s12], [sflag:$0x5], $0x30, s2, s17, $0xb8;
	[tilespmem:$0x13CE0] =	vst v63  }
0x56: {  	p0 =	slt.s32 s31, $0x1  }
0x57: {  	[spmem:s1] =	stream.indirect.scatter.add.f32 [tilespmem:s12], [sflag:$0x6], $0x30, s2, s17, $0xb8;
	[tilespmem:$0x13CE0] =	vst v63  }
.Ltmp3:
0x58: {  	_ = 	snop;
	(pc) =	sbr.rel @p0 .LBB2_7-.Ltmp3, $4  }
0x59: {  	_ = 	snop  }
0x5a: {  	[spmem:s1] =	stream.indirect.scatter.add.f32 [tilespmem:s12], [sflag:$0x7], $0x30, s2, s17, $0xb8;
	[tilespmem:$0x13CE0] =	vst v63  }
0x5b: {  	_ = 	snop  }
0x5c: {  	[spmem:s1] =	stream.indirect.scatter.add.f32 [tilespmem:s12], [sflag:$0x8], $0x30, s2, s17, $0xb8;
	[tilespmem:$0x13CE0] =	vst v63  }
0x5d: {  	_ =	swait.ge [sflag:s18], $0x1800  }
0x5e: {  	[sflag:s18] =	ssyncset.done $0x0  }
0x5f: {  	[sflag:s18] =	ssyncadd.s32 $0xFFFFE800  }
0x60: {  	_ =	swait.ge [sflag:s19], $0x1800  }
0x61: {  	[sflag:s19] =	ssyncset.done $0x0  }
0x62: {  	[sflag:s19] =	ssyncadd.s32 $0xFFFFE800  }
0x63: {  	_ =	swait.ge [sflag:s20], $0x1800  }
0x64: {  	[sflag:s20] =	ssyncset.done $0x0  }
0x65: {  	[sflag:s20] =	ssyncadd.s32 $0xFFFFE800  }
0x66: {  	_ =	swait.ge [sflag:s21], $0x1800  }
0x67: {  	[sflag:s21] =	ssyncset.done $0x0  }
0x68: {  	s6 =	sshra.s32 s16, $0x2;
	[sflag:s21] =	ssyncadd.s32 $0xFFFFE800  }
0x69: {  	[tilespmem:s12], [sflag:$0x1] =	stream.indirect.gather [hbm4b:s4+s17], $0x30, s6, s17, $0xb8;
	[tilespmem:$0x13CE0] =	vst v63  }
0x6a: {  	s2 =	sadd.s32 $0x80, s6  }
0x6b: {  	[tilespmem:s22], [sflag:$0x2] =	stream.indirect.gather [hbm4b:s4+s17], $0x30, s2, s17, $0xb8;
	[tilespmem:$0x13CE0] =	vst v63  }
0x6c: {  	s7 =	sadd.s32 $0x100, s6  }
0x6d: {  	[tilespmem:s23], [sflag:$0x3] =	stream.indirect.gather [hbm4b:s4+s17], $0x30, s7, s17, $0xb8;
	[tilespmem:$0x13CE0] =	vst v63  }
0x6e: {  	s7 =	sadd.s32 $0x180, s6  }
0x6f: {  	[tilespmem:s24], [sflag:$0x4] =	stream.indirect.gather [hbm4b:s4+s17], $0x30, s7, s17, $0xb8;
	[tilespmem:$0x13CE0] =	vst v63  }
0x70: {  	_ =	swait.ge [sflag:s26], $0x1800  }
0x71: {  	[sflag:s26] =	ssyncset.done $0x0  }
0x72: {  	s7 =	sadd.s32 $0x5100, s6;
	[sflag:s26] =	ssyncadd.s32 $0xFFFFE800  }
0x73: {  	[spmem:s1] =	stream.indirect.scatter.add.f32 [tilespmem:s12], [sflag:$0x5], $0x30, s7, s17, $0xb8;
	[tilespmem:$0x13CE0] =	vst v63  }
0x74: {  	_ =	swait.ge [sflag:s28], $0x1800  }
0x75: {  	[sflag:s28] =	ssyncset.done $0x0  }
0x76: {  	s7 =	sadd.s32 $0x5180, s6;
	[sflag:s28] =	ssyncadd.s32 $0xFFFFE800  }
0x77: {  	[spmem:s1] =	stream.indirect.scatter.add.f32 [tilespmem:s22], [sflag:$0x6], $0x30, s7, s17, $0xb8;
	[tilespmem:$0x13CE0] =	vst v63  }
0x78: {  	_ =	swait.ge [sflag:s29], $0x1800  }
0x79: {  	p0 =	sne.s32 s31, $0x1;
	[sflag:s29] =	ssyncset.done $0x0  }
.Ltmp4:
0x7a: {  	s7 =	sadd.s32 $0x5200, s6;
	[sflag:s29] =	ssyncadd.s32 $0xFFFFE800;
	(pc) =	sbr.rel @!p0 .LBB2_6-.Ltmp4, $4  }
0x7b: {  	[spmem:s1] =	stream.indirect.scatter.add.f32 [tilespmem:s23], [sflag:$0x7], $0x30, s7, s17, $0xb8;
	[tilespmem:$0x13CE0] =	vst v63  }
0x7c: {  	_ =	swait.ge [sflag:s30], $0x1800  }
0x7d: {  	s16 =	sadd.s32 $0x800, s16;
	[sflag:s30] =	ssyncset.done $0x0  }
0x7e: {  	s2 =	sadd.s32 $0xFFFFFFFF, s31;
	s6 =	sadd.s32 $0x5280, s6;
	[sflag:s30] =	ssyncadd.s32 $0xFFFFE800  }
.LBB2_5:
0x7f: {  	[spmem:s1] =	stream.indirect.scatter.add.f32 [tilespmem:s24], [sflag:$0x8], $0x30, s6, s17, $0xb8;
	[tilespmem:$0x13CE0] =	vst v63  }
0x80: {  	p0 =	sne.s32 s2, $0x1;
	s2 =	sadd.s32 $0xFFFFFFFF, s2;
	_ =	swait.ge [sflag:s18], $0x1800  }
0x81: {  	[sflag:s18] =	ssyncset.done $0x0  }
0x82: {  	[sflag:s18] =	ssyncadd.s32 $0xFFFFE800  }
0x83: {  	_ =	swait.ge [sflag:s19], $0x1800  }
0x84: {  	[sflag:s19] =	ssyncset.done $0x0  }
0x85: {  	[sflag:s19] =	ssyncadd.s32 $0xFFFFE800  }
0x86: {  	_ =	swait.ge [sflag:s20], $0x1800  }
0x87: {  	[sflag:s20] =	ssyncset.done $0x0  }
0x88: {  	[sflag:s20] =	ssyncadd.s32 $0xFFFFE800  }
0x89: {  	_ =	swait.ge [sflag:s21], $0x1800  }
0x8a: {  	[sflag:s21] =	ssyncset.done $0x0  }
0x8b: {  	s6 =	sshra.s32 s16, $0x2;
	[sflag:s21] =	ssyncadd.s32 $0xFFFFE800  }
0x8c: {  	[tilespmem:s12], [sflag:$0x1] =	stream.indirect.gather [hbm4b:s4+s17], $0x30, s6, s17, $0xb8;
	[tilespmem:$0x13CE0] =	vst v63  }
0x8d: {  	s7 =	sadd.s32 $0x80, s6  }
0x8e: {  	[tilespmem:s22], [sflag:$0x2] =	stream.indirect.gather [hbm4b:s4+s17], $0x30, s7, s17, $0xb8;
	[tilespmem:$0x13CE0] =	vst v63  }
0x8f: {  	s7 =	sadd.s32 $0x100, s6  }
0x90: {  	[tilespmem:s23], [sflag:$0x3] =	stream.indirect.gather [hbm4b:s4+s17], $0x30, s7, s17, $0xb8;
	[tilespmem:$0x13CE0] =	vst v63  }
0x91: {  	s7 =	sadd.s32 $0x180, s6  }
0x92: {  	[tilespmem:s24], [sflag:$0x4] =	stream.indirect.gather [hbm4b:s4+s17], $0x30, s7, s17, $0xb8;
	[tilespmem:$0x13CE0] =	vst v63  }
0x93: {  	_ =	swait.ge [sflag:s26], $0x1800  }
0x94: {  	[sflag:s26] =	ssyncset.done $0x0  }
0x95: {  	s7 =	sadd.s32 $0x5100, s6;
	[sflag:s26] =	ssyncadd.s32 $0xFFFFE800  }
0x96: {  	[spmem:s1] =	stream.indirect.scatter.add.f32 [tilespmem:s12], [sflag:$0x5], $0x30, s7, s17, $0xb8;
	[tilespmem:$0x13CE0] =	vst v63  }
0x97: {  	_ =	swait.ge [sflag:s28], $0x1800  }
0x98: {  	[sflag:s28] =	ssyncset.done $0x0  }
0x99: {  	s7 =	sadd.s32 $0x5180, s6;
	[sflag:s28] =	ssyncadd.s32 $0xFFFFE800  }
0x9a: {  	[spmem:s1] =	stream.indirect.scatter.add.f32 [tilespmem:s22], [sflag:$0x6], $0x30, s7, s17, $0xb8;
	[tilespmem:$0x13CE0] =	vst v63  }
0x9b: {  	_ =	swait.ge [sflag:s29], $0x1800  }
0x9c: {  	[sflag:s29] =	ssyncset.done $0x0  }
.Ltmp5:
0x9d: {  	s7 =	sadd.s32 $0x5200, s6;
	[sflag:s29] =	ssyncadd.s32 $0xFFFFE800;
	(pc) =	sbr.rel @p0 .LBB2_5-.Ltmp5, $4  }
0x9e: {  	[spmem:s1] =	stream.indirect.scatter.add.f32 [tilespmem:s23], [sflag:$0x7], $0x30, s7, s17, $0xb8;
	[tilespmem:$0x13CE0] =	vst v63  }
0x9f: {  	_ =	swait.ge [sflag:s30], $0x1800  }
0xa0: {  	[sflag:s30] =	ssyncset.done $0x0  }
0xa1: {  	s16 =	sadd.s32 $0x800, s16;
	s6 =	sadd.s32 $0x5280, s6;
	[sflag:s30] =	ssyncadd.s32 $0xFFFFE800  }
.LBB2_6:
0xa2: {  	[spmem:s1] =	stream.indirect.scatter.add.f32 [tilespmem:s24], [sflag:$0x8], $0x30, s6, s17, $0xb8;
	[tilespmem:$0x13CE0] =	vst v63  }
.LBB2_7:
0xa3: {  	s0 =	sshra.s32 s0, $0x7;
	s2 =	sshll.u32 s31, $0x2  }
0xa4: {  	p0 =	sle.s32 s0, s2  }
.Ltmp6:
0xa5: {  	_ = 	snop;
	(pc) =	sbr.rel @p0 .LBB2_11-.Ltmp6, $1  }
0xa6: {  	_ =	sdelay $0x3  }
0xa7: {  	_ =	swait.ge [sflag:s18], $0x1800;
	s0 =	ssub.s32 s0, s2  }
0xa8: {  	s6 =	sshll.u32 s31, $0xB;
	[sflag:s18] =	ssyncset.done $0x0;
	p0 =	sne.s32 s0, $0x1  }
.Ltmp7:
0xa9: {  	s6 =	sshra.s32 s6, $0x2;
	[sflag:s18] =	ssyncadd.s32 $0xFFFFE800;
	(pc) =	sbr.rel @!p0 .LBB2_10-.Ltmp7, $4  }
0xaa: {  	[tilespmem:s12], [sflag:$0x1] =	stream.indirect.gather [hbm4b:s4+s17], $0x30, s6, s17, $0xb8;
	[tilespmem:$0x13CE0] =	vst v63  }
0xab: {  	_ =	swait.ge [sflag:s26], $0x1800  }
0xac: {  	s0 =	sadd.s32 $0xFFFFFFFF, s0;
	s2 =	sadd.s32 $0x5100, s6;
	[sflag:s26] =	ssyncset.done $0x0  }
0xad: {  	s16 =	sadd.s32 $0x80, s6;
	s31 =	sadd.s32 $0x80, s2;
	[sflag:s26] =	ssyncadd.s32 $0xFFFFE800  }
.LBB2_9:
0xae: {  	[spmem:s1] =	stream.indirect.scatter.add.f32 [tilespmem:s12], [sflag:$0x5], $0x30, s2, s17, $0xb8;
	[tilespmem:$0x13CE0] =	vst v63  }
0xaf: {  	p0 =	sne.s32 s0, $0x1;
	s0 =	sadd.s32 $0xFFFFFFFF, s0;
	_ =	swait.ge [sflag:s18], $0x1800  }
0xb0: {  	s2 =	smov.u32 s31;
	[sflag:s18] =	ssyncset.done $0x0  }
.Ltmp8:
0xb1: {  	[sflag:s18] =	ssyncadd.s32 $0xFFFFE800;
	(pc) =	sbr.rel @p0 .LBB2_9-.Ltmp8, $4  }
0xb2: {  	[tilespmem:s12], [sflag:$0x1] =	stream.indirect.gather [hbm4b:s4+s17], $0x30, s16, s17, $0xb8;
	[tilespmem:$0x13CE0] =	vst v63  }
0xb3: {  	_ =	swait.ge [sflag:s26], $0x1800  }
0xb4: {  	[sflag:s26] =	ssyncset.done $0x0  }
0xb5: {  	s31 =	sadd.s32 $0x80, s31;
	s16 =	sadd.s32 $0x80, s16;
	[sflag:s26] =	ssyncadd.s32 $0xFFFFE800  }
.Ltmp9:
0xb6: {  	_ = 	snop;
	(pc) =	sbr.rel .LBB2_10-.Ltmp9, $1  }
0xb7: {  	_ =	sdelay $0x3  }
.LBB2_12:
0xb8: {  	_ =	sfence.sel $0x180000  }
0xb9: {  	[bflag:$0x0] =	sbarrier.arrive $0xFFFF  }
0xba: {  	_ =	strace $0x9000004D  }
0xbb: {  	s0 =	stileid.u32;
	[bflag:$0x2] =	sbarrier.arrive $0xFFFF  }
0xbc: {  	p0 =	sne.s32 s0, $0x0;
	s0 =	rddreg [dreg:$0x2]  }
0xbd: {  	s0 =	sadd.s32 @!p0 $0x100000, s0  }
0xbe: {  	[sflag:s0] =	ssyncadd.tile.s32 @!p0 $0x1;
	_ =	shalt  }
.Lfunc_end2:
_tile_overlayer_lowered:
.L_overlay_start_2:
0xbf: {  	(tag) =	ssettag $0x2  }
0xc0: {  	s0 =	rddreg [dreg:$0x0];
	s2 =	stileid.u32  }
0xc1: {  	s1 =	rddreg [dreg:$0x1];
	p0 =	sne.s32 s2, $0x0  }
0xc2: {  	s3 =	rddreg [dreg:$0x2];
	[bflag:$0x3] =	sbarrier.arrive $0xFFFF;
	s2 =	simm.s32 @!p0 $0x1C09  }
0xc3: {  	[timem:s3], [sflag:s2] =	dma.local @!p0 [hbm:s0], s1  }
0xc4: {  	s0 =	simm.s32 @!p0 $0x9  }
0xc5: {  	_ =	swait.ge @!p0 [sflag:s0], s1  }
0xc6: {  	s1 =	ssub.s32 @!p0 $0x0, s1;
	[sflag:s0] =	ssyncset.done @!p0 $0x0  }
0xc7: {  	[sflag:s0] =	ssyncadd.s32 @!p0 s1  }
0xc8: {  	[bflag:$0x3] =	sbarrier.arrive $0xFFFF  }
0xc9: {  	_ =	shalt  }

// kernel: kernel.9.cloned.1.call-start
scs
__scs_entry_jumppad:
0x0: {  	(pc) =	sbr.rel $0x88, $3  }
0x1: {  	(tag) =	ssettag $0x0;
	lr =	simm.s32 $0x1  }
0x2: {  	[smem:$0x3F9B] =	sst lr;
	_ =	strace $0xD0000000  }
0x3: {  	_ = 	snop  }
0x4: {  	_ = 	snop  }
0x5: {  	_ = 	snop  }
0x6: {  	_ = 	snop  }
0x7: {  	_ = 	snop  }
__scs_overlays_trampoline_lowered:
0x8: {  	[smem:$0x3FAA] =	sst s0  }
0x9: {  	[smem:$0x3FAB] =	sst s1  }
0xa: {  	[smem:$0x3FAC] =	sst s2  }
0xb: {  	[smem:$0x3FAD] =	sst s3  }
0xc: {  	[smem:$0x3FAE] =	sst s4  }
0xd: {  	[smem:$0x3FAF] =	sst s5  }
0xe: {  	[smem:$0x3FB0] =	sst s6  }
0xf: {  	[smem:$0x3FB1] =	sst s7  }
0x10: {  	[smem:$0x3FB2] =	sst s8  }
0x11: {  	[smem:$0x3FB3] =	sst s9;
	s0 =	simm.s32 @!p0 $0x0  }
0x12: {  	s1 =	sld [smem:$0x3F99];
	s0 =	simm.s32 @p0 $0x1  }
0x13: {  	[smem:$0x3FB4] =	sst s0;
	s0 =	simm.s32 @!p1 $0x0  }
0x14: {  	s2 =	sld [smem:$0x3F98];
	s0 =	simm.s32 @p1 $0x1  }
0x15: {  	[smem:$0x3FB5] =	sst s0;
	s0 =	simm.s32 @!p2 $0x0  }
0x16: {  	s3 =	sld [smem:$0x3FDB];
	s0 =	simm.s32 @p2 $0x1  }
0x17: {  	s4 =	simm.s32 $0x1BF5;
	[smem:$0x3FB7] =	sst s0  }
0x18: {  	s0 =	sld [smem:$0x3F9A];
	_ =	swait.ge [sflag:s4], $0x0  }
0x19: {  	s7 =	sld [smem:$0x3F9B]  }
0x1a: {  	s8 =	sadd.s32 $0xFFFFE003, lr  }
0x1b: {  	s9 =	sadd.s32 $0xFFFFFEF7, lr;
	s5 =	simm.s32 $0xFFFFFFFF;
	p2 =	slt.u32 s8, $0xFFFFF086  }
0x1c: {  	p1 =	slt.u32 s9, $0xF7A;
	s5 =	simm.s32 @!p2 $0x0  }
0x1d: {  	s5 =	simm.s32 @p1 $0x1;
	p0 =	seq.s32 s7, s2  }
0x1e: {  	s7 =	smul.u32 @!p0 $0xF7A, s2;
	p2 =	seq.s32 @!p0 s5, $0x0  }
0x1f: {  	s9 =	smul.u32 $0xF7A, s1;
	s8 =	simm.s32 @!p0 $0x1BF5;
	p2 =	por !p2, p0  }
0x20: {  	[sflag:s8] =	ssyncset.s32 @!p0 $0xFFFFF086;
	s6 =	sadd.s32 @!p0 s3, s7;
	s7 =	simm.s32 @!p0 $0x108  }
0x21: {  	s3 =	sadd.s32 s3, s9;
	s6 =	sadd.s32 @!p0 $0x88, s6;
	s7 =	simm.s32 @p2 $0x1082  }
0x22: {  	[simem:s7], [sflag:s8] =	dma.local @!p0 [hbm:s6], $0xF7A  }
0x23: {  	s9 =	sor.u32 $0xD0000000, s2;
	s6 =	simm.s32 $0x108;
	_ =	swait.ge @!p0 [sflag:s8], $0x0  }
0x24: {  	s3 =	sadd.s32 $0x88, s3;
	s6 =	simm.s32 @!p1 $0x1082;
	[sflag:s4] =	ssyncset.s32 $0xFFFFF086  }
0x25: {  	[simem:s6], [sflag:s4] =	dma.local [hbm:s3], $0xF7A  }
0x26: {  	[smem:$0x3F9B] =	sst s1;
	(tag) =	ssettag s2;
	_ =	strace s9  }
0x27: {  	s1 =	sld [smem:$0x3FAB]  }
0x28: {  	s2 =	sld [smem:$0x3FAC]  }
0x29: {  	s4 =	sld [smem:$0x3FAE]  }
0x2a: {  	p0 =	seq.s32 s5, $0x0;
	s5 =	sld [smem:$0x3FAF]  }
0x2b: {  	s6 =	sld [smem:$0x3FB0]  }
0x2c: {  	s7 =	sld [smem:$0x3FB1]  }
0x2d: {  	s3 =	simm.s32 $0x108;
	s8 =	sld [smem:$0x3FB2]  }
0x2e: {  	s3 =	simm.s32 @!p0 $0x1082;
	s9 =	sld [smem:$0x3FB3]  }
0x2f: {  	lr =	sadd.s32 s0, s3;
	s0 =	sld [smem:$0x3FAA]  }
0x30: {  	s3 =	sld [smem:$0x3FAD]  }
0x31: {  	[smem:$0x3FB6] =	sst s10  }
0x32: {  	s10 =	sld [smem:$0x3FB4];
	_ =	sdelay $0x3  }
0x33: {  	p0 =	seq.s32 s10, $0x1;
	s10 =	sld [smem:$0x3FB6];
	_ =	sdelay $0x3  }
0x34: {  	[smem:$0x3FB6] =	sst s10  }
0x35: {  	s10 =	sld [smem:$0x3FB5];
	_ =	sdelay $0x3  }
0x36: {  	p1 =	seq.s32 s10, $0x1;
	s10 =	sld [smem:$0x3FB6];
	_ =	sdelay $0x3  }
0x37: {  	[smem:$0x3FB6] =	sst s10  }
0x38: {  	s10 =	sld [smem:$0x3FB7]  }
0x39: {  	_ = 	snop;
	(pc) =	sbr.ind lr, $3  }
0x3a: {  	_ = 	snop  }
0x3b: {  	_ = 	snop  }
0x3c: {  	p2 =	seq.s32 s10, $0x1;
	s10 =	sld [smem:$0x3FB6]  }
0x3d: {  	_ =	shalt  }
0x3e: {  	_ =	shalt  }
0x3f: {  	_ =	shalt  }
0x40: {  	_ =	shalt  }
0x41: {  	_ =	shalt  }
0x42: {  	_ =	shalt  }
0x43: {  	_ =	shalt  }
0x44: {  	_ =	shalt  }
0x45: {  	_ =	shalt  }
0x46: {  	_ =	shalt  }
0x47: {  	_ =	shalt  }
0x48: {  	_ =	shalt  }
0x49: {  	_ =	shalt  }
0x4a: {  	_ =	shalt  }
0x4b: {  	_ =	shalt  }
0x4c: {  	_ =	shalt  }
0x4d: {  	_ =	shalt  }
0x4e: {  	_ =	shalt  }
0x4f: {  	_ =	shalt  }
0x50: {  	_ =	shalt  }
0x51: {  	_ =	shalt  }
0x52: {  	_ =	shalt  }
0x53: {  	_ =	shalt  }
0x54: {  	_ =	shalt  }
0x55: {  	_ =	shalt  }
0x56: {  	_ =	shalt  }
0x57: {  	_ =	shalt  }
0x58: {  	_ =	shalt  }
0x59: {  	_ =	shalt  }
0x5a: {  	_ =	shalt  }
0x5b: {  	_ =	shalt  }
0x5c: {  	_ =	shalt  }
0x5d: {  	_ =	shalt  }
0x5e: {  	_ =	shalt  }
0x5f: {  	_ =	shalt  }
0x60: {  	_ =	shalt  }
0x61: {  	_ =	shalt  }
0x62: {  	_ =	shalt  }
0x63: {  	_ =	shalt  }
0x64: {  	_ =	shalt  }
0x65: {  	_ =	shalt  }
0x66: {  	_ =	shalt  }
0x67: {  	_ =	shalt  }
0x68: {  	_ =	shalt  }
0x69: {  	_ =	shalt  }
0x6a: {  	_ =	shalt  }
0x6b: {  	_ =	shalt  }
0x6c: {  	_ =	shalt  }
0x6d: {  	_ =	shalt  }
0x6e: {  	_ =	shalt  }
0x6f: {  	_ =	shalt  }
0x70: {  	_ =	shalt  }
0x71: {  	_ =	shalt  }
0x72: {  	_ =	shalt  }
0x73: {  	_ =	shalt  }
0x74: {  	_ =	shalt  }
0x75: {  	_ =	shalt  }
0x76: {  	_ =	shalt  }
0x77: {  	_ =	shalt  }
0x78: {  	_ =	shalt  }
0x79: {  	_ =	shalt  }
0x7a: {  	_ =	shalt  }
0x7b: {  	_ =	shalt  }
0x7c: {  	_ =	shalt  }
0x7d: {  	_ =	shalt  }
0x7e: {  	_ =	shalt  }
0x7f: {  	_ =	shalt  }
0x80: {  	_ =	shalt  }
0x81: {  	_ =	shalt  }
0x82: {  	_ =	shalt  }
0x83: {  	_ =	shalt  }
0x84: {  	_ =	shalt  }
0x85: {  	_ =	shalt  }
0x86: {  	_ =	shalt  }
0x87: {  	_ =	shalt  }
.Lfunc_end0:
.L_simem_size_0:
called_computation_lowered:
.L_overlay_start_0:
0x88: {  	s2 =	sld [smem:$0x3FD9]  }
0x89: {  	s3 =	sld [smem:$0x3FFE];
	_ =	sdelay $0x1  }
0x8a: {  	s1 =	srdreg.scid  }
0x8b: {  	s0 =	sand.u32 $0x1, s1  }
0x8c: {  	s17 =	sshll.u32 s0, $0xA;
	s2 =	sadd.s32 s3, s2  }
0x8d: {  	s2 =	sadd.s32 s2, s17  }
0x8e: {  	[smem:$0x3FC2] =	sst s2  }
0x8f: {  	_ = 	snop  }
0x90: {  	s2 =	sld [smem:$0x3FD0];
	(tm) =	ssettm $0x1  }
0x91: {  	s18 =	sld [smem:$0x3FFB];
	_ =	sdelay $0x3  }
0x92: {  	_ =	strace s18  }
0x93: {  	s3 =	sld [smem:$0x3FFC];
	_ =	sdelay $0x3  }
0x94: {  	_ =	strace s3  }
0x95: {  	s3 =	sld [smem:$0x3FFD];
	_ =	sdelay $0x3  }
0x96: {  	_ =	strace s3  }
0x97: {  	_ =	strace $0x8FFFFFFF  }
0x98: {  	s19 =	sld [smem:$0x3FDB];
	_ =	sdelay $0x1  }
0x99: {  	s4 =	simm.s32 $_scs_section_size  }
0x9a: {  	s5 =	simm.s32 $_size__tile_overlayer_lowered;
	s6 =	simm.s32 $_tile_overlayer_lowered  }
0x9b: {  	s22 =	simm.s32 $0x1BFF;
	s21 =	sshll.u32 s6, $0x1;
	s3 =	sadd.s32 s4, s19  }
0x9c: {  	s7 =	simm.s32 $0x0;
	s20 =	sshll.u32 s5, $0x1;
	s5 =	sadd.s32 s21, s3  }
0x9d: {  	[timem:s7], [sflag:s22] =	dma.local [hbm:s5], s20  }
0x9e: {  	_ =	swait.ge [sflag:s22], s20  }
0x9f: {  	s4 =	ssub.s32 $0x0, s20;
	[sflag:s22] =	ssyncset.done $0x0  }
0xa0: {  	[sflag:s22] =	ssyncadd.s32 s4;
	_ =	sdelay $0x1  }
0xa1: {  	s23 =	simm.s32 $0x1B8B  }
0xa2: {  	_ =	swait.ge [sflag:s23], $0x1  }
0xa3: {  	[sflag:s23] =	ssyncset.done $0x0  }
0xa4: {  	s25 =	simm.s32 $0x1B8E;
	s24 =	sld [smem:$0x3FFE];
	[sflag:s23] =	ssyncadd.s32 $0xFFFFFFFF  }
0xa5: {  	s26 =	simm.s32 $execute0_lowered;
	[smem:$0x3FD2] =	sst s25  }
0xa6: {  	s5 =	sshll.u32 s26, $0x1;
	_ =	strace $0x80000046;
	[dreg:$0x1] =	wrdreg $0xFFFFFFFF  }
0xa7: {  	s28 =	simm.s32 $_size_execute0_lowered;
	s3 =	sadd.s32 s3, s5;
	[dreg:$0x0] =	wrdreg $0x0  }
0xa8: {  	s5 =	sshll.u32 s28, $0x1;
	[dreg:$0x2] =	wrdreg s3  }
0xa9: {  	[dreg:$0x3] =	wrdreg s5  }
0xaa: {  	[dreg:$0x4] =	wrdreg $0xC0  }
0xab: {  	_ =	task [dreg:s7], $0x5FFFF  }
0xac: {  	[dreg:$0x1] =	wrdreg $0xFFFFFFFF  }
0xad: {  	[dreg:$0x0] =	wrdreg $0x60  }
0xae: {  	[dreg:$0x2] =	wrdreg s2  }
0xaf: {  	[dreg:$0x3] =	wrdreg s24  }
0xb0: {  	[dreg:$0x4] =	wrdreg $0xB2000  }
0xb1: {  	[dreg:$0x5] =	wrdreg $0x9  }
0xb2: {  	_ =	task.clear_ibuf [dreg:s7], $0x6FFFF;
	_ =	strace $0x90000046  }
0xb3: {  	s29 =	simm.s32 $0x9;
	_ =	strace $0x80000048  }
0xb4: {  	_ =	swait.ge [sflag:s29], $0x1  }
0xb5: {  	[sflag:s29] =	ssyncadd.s32 $0xFFFFFFFF  }
0xb6: {  	_ =	strace $0x90000048  }
0xb7: {  	_ =	sfence  }
0xb8: {  	s30 =	sld [smem:$0x0];
	_ =	sdelay $0x2  }
0xb9: {  	s31 =	sshll.u32 s1, $0xD;
	s1 =	sshrl.u32 s1, $0x2  }
0xba: {  	s3 =	sand.u32 $0x4000, s31;
	s1 =	sadd.s32 s1, s30  }
0xbb: {  	s0 =	sor.u32 s3, s0;
	s1 =	sshll.u32 s1, $0x11  }
0xbc: {  	s0 =	sor.u32 s1, s0  }
0xbd: {  	s0 =	sadd.s32 $0x8F2B, s0  }
0xbe: {  	[sflag:s0] =	ssyncadd.remote.s32 $0x1  }
0xbf: {  	_ =	sfence.sel $0xFFFF  }
0xc0: {  	[dreg:$0x0] =	wrdreg $0xFFFFFFFF;
	(pc) =	sbr.abs _section_cstart, $3  }
0xc1: {  	[dreg:$0x1] =	wrdreg $0xFFFFFFFF  }
0xc2: {  	_ =	task.clear_ibuf [dreg:s7], $0x2FFFF;
	_ =	strace $0x9FFFFFFF  }
0xc3: {  	(tm) =	ssettm $0x7FFFFFFF  }
tec
execute0_lowered:
.L_overlay_start_1:
0x0: {  	(tag) =	ssettag $0x1  }
0x1: {  	s9 =	rddreg [dreg:$0x0]  }
0x2: {  	s5 =	rddreg [dreg:$0x1];
	s1 =	srdreg.scid  }
0x3: {  	s2 =	rddreg [dreg:$0x2];
	s4 =	sand.u32 $0x1, s1;
	s1 =	stileid.u32  }
0x4: {  	s0 =	rddreg [dreg:$0x3];
	s6 =	smul.u32 $0x140, s1  }
0x5: {  	s13 =	simm.s32 $0x1390;
	s3 =	simm.s32 $0x0;
	s14 =	smul.u32 $0x1390, s4  }
0x6: {  	s21 =	simm.s32 $0x0;
	[smem:$0x7FF] =	sst s3;
	s10 =	smul.u32 $0xA00, s1  }
0x7: {  	p0 =	seq.s32 s4, $0x0;
	_ =	strace $0x80000047;
	s8 =	smul.u32 $0xA200, s4  }
0x8: {  	s15 =	ssub.s32 $0x2, s4;
	s19 =	smul.u32 $0xA20, s1;
	s13 =	simm.s32 @!p0 $0x1380  }
0x9: {  	s30 =	sshrl.u32 s15, $0x1;
	s7 =	sadd.s32 $0xFFFFFEC0, s13;
	s12 =	sadd.s32 s10, s5  }
0xa: {  	s17 =	sadd.s32 s8, s5;
	s15 =	ssub.s32 s15, s30;
	s9 =	sadd.s32 s9, s10  }
0xb: {  	v1 =	vmov s13;
	s13 =	simm.s32 $0xAA00;
	s11 =	smin.u32 s6, s7;
	s6 =	smin.u32 s6, $0x1260  }
0xc: {  	s10 =	sadd.s32 $0x2400, s12;
	s18 =	sadd.s32 $0x11400, s17;
	s17 =	sadd.s32 $0x25800, s17  }
0xd: {  	s12 =	smax.u32 s15, $0x1;
	s15 =	simm.s32 $0x5100;
	s7 =	sadd.s32 s14, s11  }
0xe: {  	v0 =	vmov s14;
	s29 =	sshll.u32 s6, $0x4;
	s31 =	sshll.u32 s11, $0x4;
	s14 =	simm.s32 $0x1  }
.Ltmp0:
0xf: {  	s17 =	sadd.s32 s19, s17;
	s7 =	sshll.u32 s7, $0x1;
	(pc) =	sbr.rel .LBB2_1-.Ltmp0, $4  }
0x10: {  	s4 =	sadd.s32 s29, s2;
	s20 =	sadd.s32 s31, s2;
	s16 =	sadd.s32 s7, s5  }
0x11: {  	s5 =	sadd.s32 $0x400, s4;
	s6 =	sadd.s32 $0x800, s4;
	s7 =	sadd.s32 $0xC00, s4  }
0x12: {  	v2 =	vimm.f32 $1.000000000e+00;
	v3 =	vimm.f32 $0.0e+00;
	v6 =	vlaneseq.u32;
	s8 =	sadd.s32 $0x1000, s4;
	s20 =	sshrl.u32 s20, $0x3;
	s11 =	sadd.s32 $0xC400, s16  }
0x13: {  	v4 =	vimm.s32 $0x0;
	v5 =	vor.u32 $0x5090, v6;
	v6 =	vor.u32 $0x1390, v6;
	s16 =	sadd.s32 s19, s18;
	s18 =	simm.s32 $0x80;
	s19 =	simm.s32 $0xA200  }
.LBB2_10:
0x14: {  	[sflag:s14] =	ssyncadd.s32 $0xFFFFF800  }
.LBB2_11:
0x15: {  	s21 =	sadd.s32 $0x1, s21  }
0x16: {  	s22 =	sshll.u32 s1, $0x6;
	p0 =	sne.s32 s21, s12  }
.Ltmp1:
0x17: {  	[bflag:$0x0] =	sbarrier.arrive $0xFFFF;
	s22 =	sor.u32 $0x1C01, s22;
	(pc) =	sbr.rel @!p0 .LBB2_12-.Ltmp1, $4  }
0x18: {  	[hbm:s11], [sflag:s22] =	dma.local [spmem:s20], $0x280  }
0x19: {  	_ =	swait.ge [sflag:s14], $0x280  }
0x1a: {  	[sflag:s14] =	ssyncset.done $0x0  }
0x1b: {  	[sflag:s14] =	ssyncadd.s32 $0xFFFFFD80  }
.LBB2_1:
0x1c: {  	s22 =	simm.s32 $0x0  }
.LBB2_2:
0x1d: {  	p0 =	sne.s32 s22, $0x1FC0  }
.Ltmp2:
0x1e: {  	_ = 	snop;
	(pc) =	sbr.rel @p0 .LBB2_2-.Ltmp2, $3  }
0x1f: {  	_ =	sdelay $0x1  }
0x20: {  	s23 =	sshra.s32 s22, $0x2  }
0x21: {  	s22 =	sadd.s32 $0x40, s22;
	[tilespmem:s23+$0xA200] =	vst v2  }
0x22: {  	s22 =	simm.s32 $0x40;
	s23 =	simm.s32 $0x0  }
.LBB2_4:
0x23: {  	p0 =	sne.s32 s22, $0x1FC0;
	[tilespmem:s23+$0xAA00] =	vst v3;
	s23 =	smov.u32 s22;
	s22 =	sadd.s32 $0x40, s22  }
.Ltmp3:
0x24: {  	(pc) =	sbr.rel @p0 .LBB2_4-.Ltmp3, $2  }
0x25: {  	_ =	sdelay $0x2  }
0x26: {  	s23 =	sshra.s32 s23, $0x2  }
0x27: {  	[tilespmem:s23+$0xAA00] =	vst v3  }
0x28: {  	[spmem:s4] =	stream.linear.scatter [tilespmem:s13], [sflag:$0x1], $0x400, $0x38;
	[tilespmem:$0xC5A0] =	vst v63  }
0x29: {  	_ =	swait.ge [sflag:s14], $0x400  }
0x2a: {  	[sflag:s14] =	ssyncset.done $0x0  }
0x2b: {  	[sflag:s14] =	ssyncadd.s32 $0xFFFFFC00  }
0x2c: {  	[spmem:s5] =	stream.linear.scatter [tilespmem:s13], [sflag:$0x1], $0x400, $0x38;
	[tilespmem:$0xC5A0] =	vst v63  }
0x2d: {  	_ =	swait.ge [sflag:s14], $0x400  }
0x2e: {  	[sflag:s14] =	ssyncset.done $0x0  }
0x2f: {  	[sflag:s14] =	ssyncadd.s32 $0xFFFFFC00  }
0x30: {  	[spmem:s6] =	stream.linear.scatter [tilespmem:s13], [sflag:$0x1], $0x400, $0x38;
	[tilespmem:$0xC5A0] =	vst v63  }
0x31: {  	_ =	swait.ge [sflag:s14], $0x400  }
0x32: {  	[sflag:s14] =	ssyncset.done $0x0  }
0x33: {  	[sflag:s14] =	ssyncadd.s32 $0xFFFFFC00  }
0x34: {  	[spmem:s7] =	stream.linear.scatter [tilespmem:s13], [sflag:$0x1], $0x400, $0x38;
	[tilespmem:$0xC5A0] =	vst v63  }
0x35: {  	_ =	swait.ge [sflag:s14], $0x400  }
0x36: {  	[sflag:s14] =	ssyncset.done $0x0  }
0x37: {  	[sflag:s14] =	ssyncadd.s32 $0xFFFFFC00  }
0x38: {  	[spmem:s8] =	stream.linear.scatter [tilespmem:s13], [sflag:$0x1], $0x400, $0x38;
	[tilespmem:$0xC5A0] =	vst v63  }
0x39: {  	_ =	swait.ge [sflag:s14], $0x400  }
0x3a: {  	[sflag:s14] =	ssyncset.done $0x0  }
0x3b: {  	s22 =	simm.s32 $0x0;
	[sflag:s14] =	ssyncadd.s32 $0xFFFFFC00  }
0x3c: {  	[tilespmem:s22], [sflag:$0x1] =	stream.linear.gather [hbm4b:s9+s22], $0x5000, $0x38;
	[tilespmem:$0xC5A0] =	vst v63  }
0x3d: {  	_ =	swait.ge [sflag:s14], $0x5000  }
0x3e: {  	[sflag:s14] =	ssyncset.done $0x0  }
0x3f: {  	[sflag:s14] =	ssyncadd.s32 $0xFFFFB000  }
0x40: {  	[tilespmem:s15], [sflag:$0x1] =	stream.linear.gather [hbm4b:s10+s22], $0x5000, $0x38;
	[tilespmem:$0xC5A0] =	vst v63  }
0x41: {  	_ =	swait.ge [sflag:s14], $0x5000  }
0x42: {  	[sflag:s14] =	ssyncset.done $0x0  }
0x43: {  	s31 =	simm.s32 $0x0;
	[sflag:s14] =	ssyncadd.s32 $0xFFFFB000  }
0x44: {  	v7 =	vld [tilespmem:s31+$0x5100];
	_ =	sdelay $0x4  }
0x45: {  	v7 =	vsub.s32 v7, v0  }
0x46: {  	vm0 =	vgt.s32 v7, $0xFFFFFFFF;
	vm1 =	vlt.s32 v7, v1  }
0x47: {  	vm0 =	vmand vm0, vm1  }
0x48: {  	v8 =	vsel vm0, $0x1, v4  }
0x49: {  	(xrf0) =	vadd.scan.msk.s32 $0xffff, v8;
	_ =	sdelay $0x2  }
0x4a: {  	v8 =	vmov s22  }
0x4b: {  	v8 =	vadd.s32 $0xFFFFFFFF, v8  }
0x4c: {  	v8 =	vbroadcast v8, $0x0  }
0x4d: {  	v9, _, _ =	vpop (xrf0)  }
0x4e: {  	v8 =	vadd.s32 v9, v8;
	(v2sf) =	vpush v9, $0xF  }
0x4f: {  	v8 =	vsel vm0, v8, v5  }
0x50: {  	v10 =	vld [tilespmem:s31+$0x0];
	_ =	sdelay $0x3  }
0x51: {  	[tilespmem:v8+s15+$0x0] =	vst.idx.msk $0xffff, v7  }
0x52: {  	s23 =	simm.s32 $0x10;
	s24 =	simm.s32 $0x80;
	[tilespmem:v8+s3+$0x0] =	vst.idx.msk $0xffff, v10  }
.LBB2_6:
0x53: {  	p0 =	sne.s32 s24, $0x13FC0;
	v7 =	vld [tilespmem:s23+$0x5100];
	_ =	sdelay $0x4  }
0x54: {  	v7 =	vsub.s32 v7, v0  }
0x55: {  	vm0 =	vgt.s32 v7, $0xFFFFFFFF;
	vm1 =	vlt.s32 v7, v1  }
0x56: {  	vm0 =	vmand vm0, vm1;
	s25 =	spop (v2sf)  }
0x57: {  	v8 =	vsel vm0, $0x1, v4;
	s22 =	sadd.s32 s22, s25  }
0x58: {  	v9 =	vmov s22;
	(xrf0) =	vadd.scan.msk.s32 $0xffff, v8  }
0x59: {  	v8 =	vadd.s32 $0xFFFFFFFF, v9  }
0x5a: {  	v8 =	vbroadcast v8, $0x0;
	_ =	sdelay $0x3  }
0x5b: {  	v9, _, _ =	vpop (xrf0)  }
0x5c: {  	v8 =	vadd.s32 v9, v8;
	(v2sf) =	vpush v9, $0xF  }
0x5d: {  	v8 =	vsel vm0, v8, v5  }
0x5e: {  	v9 =	vld [tilespmem:s23+$0x0]  }
.Ltmp4:
0x5f: {  	(pc) =	sbr.rel @p0 .LBB2_6-.Ltmp4, $3  }
0x60: {  	_ =	sdelay $0x1  }
0x61: {  	[tilespmem:v8+s15+$0x0] =	vst.idx.msk $0xffff, v7  }
0x62: {  	s23 =	sshra.s32 s24, $0x2;
	s24 =	sadd.s32 $0x40, s24;
	[tilespmem:v8+s3+$0x0] =	vst.idx.msk $0xffff, v9  }
0x63: {  	v7 =	vld [tilespmem:s23+$0x5100];
	_ =	sdelay $0x4  }
0x64: {  	v7 =	vsub.s32 v7, v0  }
0x65: {  	vm0 =	vgt.s32 v7, $0xFFFFFFFF;
	vm1 =	vlt.s32 v7, v1  }
0x66: {  	vm0 =	vmand vm0, vm1  }
0x67: {  	v8 =	vsel vm0, $0x1, v4  }
0x68: {  	(xrf0) =	vadd.scan.msk.s32 $0xffff, v8;
	_ =	sdelay $0x5  }
0x69: {  	v8, _, _ =	vpop (xrf0)  }
0x6a: {  	(v2sf) =	vpush v8, $0xF;
	_ =	sdelay $0x2  }
0x6b: {  	s24 =	spop (v2sf)  }
0x6c: {  	s22 =	sadd.s32 s22, s24  }
0x6d: {  	v9 =	vmov s22  }
0x6e: {  	v9 =	vadd.s32 $0xFFFFFFFF, v9  }
0x6f: {  	v9 =	vbroadcast v9, $0x0;
	_ =	sdelay $0x1  }
0x70: {  	v8 =	vadd.s32 v8, v9  }
0x71: {  	v8 =	vsel vm0, v8, v5  }
0x72: {  	v63 =	vld [tilespmem:s23+$0x0];
	_ =	sdelay $0x3  }
0x73: {  	[tilespmem:v8+s15+$0x0] =	vst.idx.msk $0xffff, v7;
	s30 =	spop (v2sf)  }
0x74: {  	[tilespmem:v8+s3+$0x0] =	vst.idx.msk $0xffff, v63;
	s22 =	sadd.s32 s22, s30  }
0x75: {  	[tilespmem:s22+$0x5100] =	vst v6  }
0x76: {  	[tilespmem:s22+$0x0] =	vst v4  }
0x77: {  	[tilespmem:s22+$0x5110] =	vst v6  }
0x78: {  	[tilespmem:s22+$0x10] =	vst v4  }
0x79: {  	[tilespmem:s22+$0x5120] =	vst v6  }
0x7a: {  	[tilespmem:s22+$0x20] =	vst v4  }
0x7b: {  	[tilespmem:s22+$0x5130] =	vst v6  }
0x7c: {  	[tilespmem:s22+$0x30] =	vst v4  }
0x7d: {  	[tilespmem:s22+$0x5140] =	vst v6  }
0x7e: {  	[tilespmem:s22+$0x40] =	vst v4  }
0x7f: {  	[tilespmem:s22+$0x5150] =	vst v6  }
0x80: {  	[tilespmem:s22+$0x50] =	vst v4  }
0x81: {  	[tilespmem:s22+$0x5160] =	vst v6  }
0x82: {  	[tilespmem:s22+$0x60] =	vst v4  }
0x83: {  	[tilespmem:s22+$0x5170] =	vst v6;
	s23 =	sadd.s32 $0x7F, s22  }
0x84: {  	[tilespmem:s22+$0x70] =	vst v4;
	s31 =	sand.u32 $0xFFFFFF80, s23  }
0x85: {  	[tilespmem:s31+$0x5100] =	vst v6  }
0x86: {  	[tilespmem:s31+$0x5110] =	vst v6  }
0x87: {  	[tilespmem:s31+$0x5120] =	vst v6  }
0x88: {  	[tilespmem:s31+$0x5130] =	vst v6  }
0x89: {  	[tilespmem:s31+$0x5140] =	vst v6  }
0x8a: {  	[tilespmem:s31+$0x5150] =	vst v6  }
0x8b: {  	[tilespmem:s31+$0x5160] =	vst v6  }
0x8c: {  	v7 =	vmov s22;
	[tilespmem:s31+$0x5170] =	vst v6  }
0x8d: {  	[tilespmem:$0xA180] =	vst v7  }
0x8e: {  	[hbm4b:s16+s3] =	stream.linear.scatter [tilespmem:s3], [sflag:$0x1], $0x5100, $0x38;
	[tilespmem:$0xC5A0] =	vst v63  }
0x8f: {  	_ =	swait.ge [sflag:s14], $0x5100  }
0x90: {  	s23 =	sshra.s32 s23, $0x7;
	[sflag:s14] =	ssyncset.done $0x0  }
0x91: {  	s22 =	simm.s32 $0x5100;
	p0 =	slt.s32 s23, $0x1;
	[sflag:s14] =	ssyncadd.s32 $0xFFFFAF00  }
0x92: {  	[hbm4b:s17+s3] =	stream.linear.scatter [tilespmem:s22], [sflag:$0x1], $0x5100, $0x38;
	[tilespmem:$0xC5A0] =	vst v63  }
.Ltmp5:
0x93: {  	_ =	swait.ge [sflag:s14], $0x5100;
	(pc) =	sbr.rel @p0 .LBB2_11-.Ltmp5, $3  }
0x94: {  	[sflag:s14] =	ssyncset.done $0x0  }
0x95: {  	[sflag:s14] =	ssyncadd.s32 $0xFFFFAF00  }
0x96: {  	[bflag:$0x0] =	sbarrier.arrive $0xFFFF;
	_ =	sdelay $0x1  }
0x97: {  	p0 =	sne.s32 s23, $0x1  }
.Ltmp6:
0x98: {  	_ = 	snop;
	(pc) =	sbr.rel @!p0 .LBB2_10-.Ltmp6, $4  }
0x99: {  	_ = 	snop  }
0x9a: {  	[spmem:s2] =	stream.indirect.scatter.add.f32 [tilespmem:s19], [sflag:$0x1], $0x10, s22, s18, $0xb8;
	[tilespmem:$0xC5A0] =	vst v63  }
0x9b: {  	_ =	swait.ge [sflag:s14], $0x800  }
0x9c: {  	s23 =	sadd.s32 $0xFFFFFFFF, s23;
	[sflag:s14] =	ssyncset.done $0x0  }
.LBB2_9:
0x9d: {  	p0 =	sne.s32 s23, $0x1;
	[sflag:s14] =	ssyncadd.s32 $0xFFFFF800;
	s22 =	sadd.s32 $0x80, s22  }
.Ltmp7:
0x9e: {  	s23 =	sadd.s32 $0xFFFFFFFF, s23;
	(pc) =	sbr.rel @p0 .LBB2_9-.Ltmp7, $4  }
0x9f: {  	_ = 	snop  }
0xa0: {  	[spmem:s2] =	stream.indirect.scatter.add.f32 [tilespmem:s19], [sflag:$0x1], $0x10, s22, s18, $0xb8;
	[tilespmem:$0xC5A0] =	vst v63  }
0xa1: {  	_ =	swait.ge [sflag:s14], $0x800  }
0xa2: {  	[sflag:s14] =	ssyncset.done $0x0  }
.Ltmp8:
0xa3: {  	_ = 	snop;
	(pc) =	sbr.rel .LBB2_10-.Ltmp8, $1  }
0xa4: {  	_ =	sdelay $0x3  }
.LBB2_12:
0xa5: {  	_ =	sfence.sel $0x180000  }
0xa6: {  	[bflag:$0x0] =	sbarrier.arrive $0xFFFF  }
0xa7: {  	p0 =	sne.s32 s1, $0x0;
	_ =	strace $0x90000047  }
0xa8: {  	s0 =	sadd.s32 @!p0 $0x100000, s0;
	[bflag:$0x2] =	sbarrier.arrive $0xFFFF  }
0xa9: {  	[sflag:s0] =	ssyncadd.tile.s32 @!p0 $0x1;
	_ =	shalt  }
.Lfunc_end2:
_tile_overlayer_lowered:
.L_overlay_start_2:
0xaa: {  	(tag) =	ssettag $0x2  }
0xab: {  	s0 =	rddreg [dreg:$0x0];
	s2 =	stileid.u32  }
0xac: {  	s1 =	rddreg [dreg:$0x1];
	p0 =	sne.s32 s2, $0x0  }
0xad: {  	s3 =	rddreg [dreg:$0x2];
	[bflag:$0x3] =	sbarrier.arrive $0xFFFF;
	s2 =	simm.s32 @!p0 $0x1C01  }
0xae: {  	[timem:s3], [sflag:s2] =	dma.local @!p0 [hbm:s0], s1  }
0xaf: {  	s0 =	simm.s32 @!p0 $0x1  }
0xb0: {  	_ =	swait.ge @!p0 [sflag:s0], s1  }
0xb1: {  	s1 =	ssub.s32 @!p0 $0x0, s1;
	[sflag:s0] =	ssyncset.done @!p0 $0x0  }
0xb2: {  	[sflag:s0] =	ssyncadd.s32 @!p0 s1  }
0xb3: {  	[bflag:$0x3] =	sbarrier.arrive $0xFFFF  }
0xb4: {  	_ =	shalt  }

</sc_bundles>
